<compile_context>
chip_gen: v7x
topology: tpu7x:2x2x1
jax: 0.10.2.dev20260603
libtpu: 0.0.44.dev20260713+nightly
codegen_flags: <defaults>
</compile_context>

<pallas_src>
import jax
import jax.numpy as jnp
from jax import lax
from jax.experimental import pallas as pl
from jax.experimental.pallas import tpu as pltpu
from jax.experimental.pallas import tpu_sc as plsc

E = 16
D = 1024
NTOK = 4096
BLK = 128
P = NTOK + E * BLK
PB = P // BLK

NC, NS, L = 2, 16, 16
NW = NC * NS

_MESH = plsc.VectorSubcoreMesh(
    core_axis_name="c", subcore_axis_name="s", num_cores=NC, num_subcores=NS)


def _wid():
  return lax.axis_index("s") * NC + lax.axis_index("c")


TOK_T = NTOK // NS
RCH = 64


def _routing_body(gate_hbm, inp_hbm, slots_hbm, bexp_hbm, xbuf_hbm,
                  gate_v, slots4, cur_v, tmp_v, hist_v, bexp_v, rows_v,
                  hist_sh, sem, sem2):
  t = lax.axis_index("s")
  c = lax.axis_index("c")
  iota = lax.iota(jnp.int32, L)

  pltpu.sync_copy(gate_hbm.at[pl.ds(t * TOK_T, TOK_T)], gate_v)

  def chunk(i, assign):
    g = gate_v[pl.ds(i * L, L)]
    s, v = plsc.sort_key_val(g, iota + i * L)
    tmp_v[...] = s
    sp = plsc.load_gather(tmp_v, [jnp.maximum(iota - 1, 0)])
    sn = plsc.load_gather(tmp_v, [jnp.minimum(iota + 1, L - 1)])
    boundary = (iota == 0) | (s != sp)
    last = (iota == L - 1) | (s != sn)
    start = plsc.cummax(jnp.where(boundary, iota, 0))
    occ = iota - start
    curg = plsc.load_gather(cur_v, [s])
    slot = curg + occ
    if assign:
      plsc.store_scatter(slots4, [v // RCH, v % RCH], slot)
    plsc.store_scatter(cur_v, [s], slot + 1, mask=last)

  cur_v[...] = jnp.zeros((L,), jnp.int32)

  def pass1(i, carry):
    chunk(i, False)
    return carry
  lax.fori_loop(0, TOK_T // L, pass1, 0)

  pltpu.sync_copy(cur_v, hist_sh.at[pl.ds(t * L, L)])
  plsc.subcore_barrier()
  pltpu.sync_copy(hist_sh, hist_v)

  def acc_hist(tt, carry):
    cnt, pref = carry
    h = hist_v[pl.ds(tt * L, L)]
    return cnt + h, pref + jnp.where(tt < t, h, 0)
  cnt, pref = lax.fori_loop(
      0, NS, acc_hist,
      (jnp.zeros((L,), jnp.int32), jnp.zeros((L,), jnp.int32)))

  padded = ((cnt + BLK - 1) // BLK) * BLK
  inc = plsc.cumsum(padded)
  cur_v[...] = (inc - padded) + pref

  @pl.when((t == 0) & (c == 0))
  def _():
    for vb in range(PB // L):
      mb = (iota + vb * L) * BLK
      acc = jnp.zeros((L,), jnp.int32)
      for e in range(E):
        end_e = jnp.sum(jnp.where(iota == e, inc, 0))
        acc = acc + jnp.where(mb >= end_e, 1, 0)
      bexp_v[pl.ds(vb * L, L)] = jnp.minimum(acc, E - 1)
    pltpu.sync_copy(bexp_v, bexp_hbm)

  def pass2(i, carry):
    chunk(i, True)
    return carry
  lax.fori_loop(0, TOK_T // L, pass2, 0)

  @pl.when(c == 0)
  def _():
    for j in range(TOK_T // RCH):
      pltpu.sync_copy(slots4.at[j],
                      slots_hbm.at[pl.ds(t * TOK_T + j * RCH, RCH)])

  def dispatch(sc):
    def _():
      n = TOK_T // RCH // NC
      for h in range(n):
        r = sc * n + h
        pltpu.sync_copy(inp_hbm.at[pl.ds(t * TOK_T + r * RCH, RCH)], rows_v)
        pltpu.async_copy(rows_v, xbuf_hbm.at[slots4.at[r]], sem2).wait()
    return _

  for sc in range(NC):
    pl.when(c == sc)(dispatch(sc))


_routing = pl.kernel(
    _routing_body,
    out_type=(
        jax.ShapeDtypeStruct((NTOK,), jnp.int32),
        jax.ShapeDtypeStruct((PB,), jnp.int32),
        jax.ShapeDtypeStruct((P, D), jnp.float32),
    ),
    mesh=_MESH,
    compiler_params=pltpu.CompilerParams(needs_layout_passes=False),
    scratch_types=[
        pltpu.VMEM((TOK_T,), jnp.int32),
        pltpu.VMEM((TOK_T // RCH, RCH), jnp.int32),
        pltpu.VMEM((L,), jnp.int32),
        pltpu.VMEM((L,), jnp.int32),
        pltpu.VMEM((NS * L,), jnp.int32),
        pltpu.VMEM((PB,), jnp.int32),
        pltpu.VMEM((RCH, D), jnp.float32),
        pltpu.VMEM_SHARED((NS * L,), jnp.int32),
        pltpu.SemaphoreType.DMA,
        pltpu.SemaphoreType.DMA,
    ],
)


def _gemm_body(bexp_ref, x_ref, w_ref, o_ref):
  o_ref[...] = lax.dot_general(
      x_ref[...], w_ref[0],
      dimension_numbers=(((1,), (1,)), ((), ())),
      preferred_element_type=jnp.float32)


_gemm = pl.pallas_call(
    _gemm_body,
    grid_spec=pltpu.PrefetchScalarGridSpec(
        num_scalar_prefetch=1,
        grid=(PB,),
        in_specs=[
            pl.BlockSpec((BLK, D), lambda i, bexp: (i, 0)),
            pl.BlockSpec((1, D, D), lambda i, bexp: (bexp[i], 0, 0),
                         ),
        ],
        out_specs=pl.BlockSpec((BLK, D), lambda i, bexp: (i, 0)),
    ),
    out_shape=jax.ShapeDtypeStruct((P, D), jnp.float32),
)


TOK_W = NTOK // NW
BCH = 64


def _back_body(slots_hbm, ybuf_hbm, out_hbm, idx_v, rows_v, sem):
  base = _wid() * TOK_W

  pltpu.sync_copy(slots_hbm.at[pl.ds(base, TOK_W)], idx_v)

  def step(h, carry):
    pltpu.async_copy(ybuf_hbm.at[idx_v.at[pl.ds(h * BCH, BCH)]], rows_v,
                     sem).wait()
    pltpu.sync_copy(rows_v, out_hbm.at[pl.ds(base + h * BCH, BCH)])
    return carry
  lax.fori_loop(0, TOK_W // BCH, step, 0)


_back = pl.kernel(
    _back_body,
    out_type=jax.ShapeDtypeStruct((NTOK, D), jnp.float32),
    mesh=_MESH,
    scratch_types=[
        pltpu.VMEM((TOK_W,), jnp.int32),
        pltpu.VMEM((BCH, D), jnp.float32),
        pltpu.SemaphoreType.DMA,
    ],
)


@jax.jit
def kernel(inp, gate, weight):
  slots, bexp, x_buf = _routing(gate, inp)
  y_buf = _gemm(bexp, x_buf, weight)
  return _back(slots, y_buf)

# --- scband reference (transcript-rebuilt; emitter-appended) ---
"""Pipeline reference for scband-moelayer-3521873183218 (READ-ONLY COPY).

The authoritative reference and input builder live on the scoring server;
editing this copy changes nothing except your own understanding.
"""

import jax, jax.numpy as jnp
import numpy as np

NUM_EXPERT = 16
IN_FEAT = 1024
OUT_FEAT = 1024
N_TOK = 4096  # batch 2 * seq 2048


def setup_inputs(seed: int = 0) -> dict:
    key = jax.random.key(seed)
    k1, k2, k3 = jax.random.split(key, 3)
    inp = jax.random.normal(k1, (N_TOK, IN_FEAT), dtype=jnp.float32)
    gate = jax.random.randint(k2, (N_TOK,), 0, NUM_EXPERT, dtype=jnp.int32)
    # weight initialized like nn.Linear default (kaiming_uniform, a=sqrt(5)) per expert
    bound = 1.0 / np.sqrt(IN_FEAT)
    weight = jax.random.uniform(
        k3, (NUM_EXPERT, OUT_FEAT, IN_FEAT), dtype=jnp.float32,
        minval=-bound, maxval=bound)
    return {"inp": inp, "gate": gate, "weight": weight}


def reference(inp, gate, weight):
    # Faithful to MOEFunction.forward:
    #   expert_count/pos -> stable sort of tokens by expert id
    #   local_scatter    -> gather tokens into expert-contiguous buffer
    #   forward          -> per-expert batched GEMM: y = x @ W_e^T
    #   local_gather     -> scatter results back to original token order
    num_expert = weight.shape[0]
    pos = jnp.argsort(gate, stable=True)  # token order grouped by expert

    input_buf = inp[pos]  # local_scatter
    sorted_gate = gate[pos]
    output_buf = jnp.zeros((inp.shape[0], weight.shape[1]), dtype=inp.dtype)
    for e in range(num_expert):
        out_e = input_buf @ weight[e].T  # expert GEMM
        output_buf = jnp.where((sorted_gate == e)[:, None], out_e, output_buf)
    # local_gather: undo the permutation
    output = jnp.zeros_like(output_buf).at[pos].set(output_buf)
    return output

if __name__ == "__main__":
    import jax
    _d = setup_inputs()
    print(jax.jit(kernel)(*tuple(_d.values())))

</pallas_src>

<mosaic_0001>
#map = affine_map<(d0, d1) -> (0)>
#map1 = affine_map<(d0, d1) -> (0, 0)>
module attributes {stable_mosaic.version = 14 : i64} {
  func.func @_routing_body(%arg0: i32, %arg1: i32, %arg2: memref<4096xi32, #tpu.memory_space<hbm>>, %arg3: memref<4096x1024xf32, #tpu.memory_space<hbm>>, %arg4: memref<4096xi32, #tpu.memory_space<hbm>>, %arg5: memref<48xi32, #tpu.memory_space<hbm>>, %arg6: memref<6144x1024xf32, #tpu.memory_space<hbm>>, %arg7: memref<256xi32, #tpu.memory_space<vmem>>, %arg8: memref<4x64xi32, #tpu.memory_space<vmem>>, %arg9: memref<16xi32, #tpu.memory_space<vmem>>, %arg10: memref<16xi32, #tpu.memory_space<vmem>>, %arg11: memref<256xi32, #tpu.memory_space<vmem>>, %arg12: memref<48xi32, #tpu.memory_space<vmem>>, %arg13: memref<64x1024xf32, #tpu.memory_space<vmem>>, %arg14: memref<256xi32, #tpu.memory_space<vmem_shared>>, %arg15: memref<!tpu.dma_semaphore, #tpu.memory_space<semaphore_mem>>, %arg16: memref<!tpu.dma_semaphore, #tpu.memory_space<semaphore_mem>>) attributes {dimension_semantics = [#tpu.dimension_semantics<core_parallel>, #tpu.dimension_semantics<subcore_parallel>], iteration_bounds = array<i64: 2, 16>, scalar_prefetch = 0 : i64, scratch_operands = 10 : i64, tpu.core_type = #tpu.core_type<sc_vector_subcore>, window_params = [{transform_indices = #map}, {transform_indices = #map1}, {transform_indices = #map}, {transform_indices = #map}, {transform_indices = #map1}]} {
    %iota3A = tpu.iota {dimensions = array<i32: 0>} : vector<16xi32>
    %mul3A = arith.constant 256 : i32
    %mul3A_0 = arith.muli %arg1, %mul3A : i32
    "tpu.region"() ({
      %run_scoped3A = tpu.sem_alloc : memref<!tpu.dma_semaphore, #tpu.memory_space<semaphore_mem>>
      %dma_start3A = tpu.memref_slice %arg2[%mul3A_0] : memref<4096xi32, #tpu.memory_space<hbm>> -> memref<256xi32, #tpu.memory_space<hbm>>
      %dma_start3A_83 = tpu.memref_slice %arg2[%mul3A_0] : memref<4096xi32, #tpu.memory_space<hbm>> -> memref<256xi32, #tpu.memory_space<hbm>>
      tpu.enqueue_dma source(%dma_start3A_83 : memref<256xi32, #tpu.memory_space<hbm>>) target(%arg7 : memref<256xi32, #tpu.memory_space<vmem>>) target_semaphore(%run_scoped3A : memref<!tpu.dma_semaphore, #tpu.memory_space<semaphore_mem>>)
      %dma_wait3A = tpu.memref_slice %arg2[%mul3A_0] : memref<4096xi32, #tpu.memory_space<hbm>> -> memref<256xi32, #tpu.memory_space<hbm>>
      %dma_wait3A_84 = tpu.memref_slice %arg2[%mul3A_0] : memref<4096xi32, #tpu.memory_space<hbm>> -> memref<256xi32, #tpu.memory_space<hbm>>
      tpu.wait_dma2 semaphore(%run_scoped3A : memref<!tpu.dma_semaphore, #tpu.memory_space<semaphore_mem>>) src(%dma_wait3A_84 : memref<256xi32, #tpu.memory_space<hbm>>) dst(%arg7 : memref<256xi32, #tpu.memory_space<vmem>>)
      tpu.yield
    }) : () -> ()
    %broadcast_in_dim3A = arith.constant 0 : i32
    %broadcast_in_dim3A_1 = vector.broadcast %broadcast_in_dim3A : i32 to vector<16xi32>
    %swap3A = arith.constant 0 : index
    %swap3A_2 = tpu.vector_load %arg9[%swap3A] {strides = array<i32>} : memref<16xi32, #tpu.memory_space<vmem>>, vector<16xi32>,
    tpu.vector_store %arg9[%swap3A], %broadcast_in_dim3A_1 {strides = array<i32>} : memref<16xi32, #tpu.memory_space<vmem>>, vector<16xi32>,
    %scan3A = arith.constant 0 : i32
    %scan3A_3 = arith.constant 0 : i32
    %scan3A_4 = arith.constant 16 : i32
    %scan3A_5 = arith.addi %scan3A_3, %scan3A_4 : i32
    %scan3A_6 = arith.constant 1 : i32
    scf.for %scan3A_83 = %scan3A_3 to %scan3A_5 step %scan3A_6  : i32 {
      %mul3A_84 = arith.constant 16 : i32
      %mul3A_85 = arith.muli %scan3A_83, %mul3A_84 : i32
      %get3A = arith.index_cast %mul3A_85 : i32 to index
      %get3A_86 = tpu.vector_load %arg7[%get3A] {strides = array<i32>} : memref<256xi32, #tpu.memory_space<vmem>>, vector<16xi32>,
      %mul3A_87 = arith.constant 16 : i32
      %mul3A_88 = arith.muli %scan3A_83, %mul3A_87 : i32
      %add3A_89 = vector.broadcast %mul3A_88 : i32 to vector<16xi32>
      %add3A_90 = arith.addi %iota3A, %add3A_89 : vector<16xi32>
      %masked_sort3A = arith.constant dense<true> : vector<16xi1>
      %masked_sort3A_91 = arith.constant -2147483648 : i32
      %masked_sort3A_92 = vector.broadcast %masked_sort3A_91 : i32 to vector<16xi32>
      %masked_sort3A_93 = arith.xori %get3A_86, %masked_sort3A_92 : vector<16xi32>
      %masked_sort3A_94, %masked_sort3A_95, %masked_sort3A_96 = tpu.sort %masked_sort3A_93, %add3A_90 masked %masked_sort3A : (vector<16xi32>, vector<16xi32>, vector<16xi1>) -> (vector<16xi1>, vector<16xi32>, vector<16xi32>)
      %masked_sort3A_97 = arith.xori %masked_sort3A_95, %masked_sort3A_92 : vector<16xi32>
      %swap3A_98 = arith.constant 0 : index
      %swap3A_99 = tpu.vector_load %arg10[%swap3A_98] {strides = array<i32>} : memref<16xi32, #tpu.memory_space<vmem>>, vector<16xi32>,
      tpu.vector_store %arg10[%swap3A_98], %masked_sort3A_97 {strides = array<i32>} : memref<16xi32, #tpu.memory_space<vmem>>, vector<16xi32>,
      %sub3A_100 = arith.constant 1 : i32
      %sub3A_101 = vector.broadcast %sub3A_100 : i32 to vector<16xi32>
      %sub3A_102 = arith.subi %iota3A, %sub3A_101 : vector<16xi32>
      %max3A = arith.constant 0 : i32
      %max3A_103 = vector.broadcast %max3A : i32 to vector<16xi32>
      %max3A_104 = arith.maxsi %sub3A_102, %max3A_103 : vector<16xi32>
      %gather3A = tpu.vector_load_idx %arg10[%max3A_104] : memref<16xi32, #tpu.memory_space<vmem>>[vector<16xi32>], vector<16xi32>,
      %add3A_105 = arith.constant 1 : i32
      %add3A_106 = vector.broadcast %add3A_105 : i32 to vector<16xi32>
      %add3A_107 = arith.addi %iota3A, %add3A_106 : vector<16xi32>
      %min3A = arith.constant 15 : i32
      %min3A_108 = vector.broadcast %min3A : i32 to vector<16xi32>
      %min3A_109 = arith.minsi %add3A_107, %min3A_108 : vector<16xi32>
      %gather3A_110 = tpu.vector_load_idx %arg10[%min3A_109] : memref<16xi32, #tpu.memory_space<vmem>>[vector<16xi32>], vector<16xi32>,
      %eq3A_111 = arith.constant 0 : i32
      %eq3A_112 = vector.broadcast %eq3A_111 : i32 to vector<16xi32>
      %eq3A_113 = arith.cmpi eq, %iota3A, %eq3A_112 : vector<16xi32>
      %ne3A_114 = arith.cmpi ne, %masked_sort3A_97, %gather3A : vector<16xi32>
      %or3A = arith.ori %eq3A_113, %ne3A_114 : vector<16xi1>
      %eq3A_115 = arith.constant 15 : i32
      %eq3A_116 = vector.broadcast %eq3A_115 : i32 to vector<16xi32>
      %eq3A_117 = arith.cmpi eq, %iota3A, %eq3A_116 : vector<16xi32>
      %ne3A_118 = arith.cmpi ne, %masked_sort3A_97, %gather3A_110 : vector<16xi32>
      %or3A_119 = arith.ori %eq3A_117, %ne3A_118 : vector<16xi1>
      %jit3A_120 = arith.constant 0 : i32
      %broadcast_in_dim3A_121 = vector.broadcast %jit3A_120 : i32 to vector<16xi32>
      %select_n3A_122 = arith.select %or3A, %iota3A, %broadcast_in_dim3A_121 : vector<16xi1>, vector<16xi32>
      %broadcast_in_dim3A_123 = arith.constant true
      %broadcast_in_dim3A_124 = vector.broadcast %broadcast_in_dim3A_123 : i1 to vector<16xi1>
      %masked_cummax3A = arith.constant -2147483648 : i32
      %masked_cummax3A_125 = vector.broadcast %masked_cummax3A : i32 to vector<16xi32>
      %masked_cummax3A_126 = arith.xori %select_n3A_122, %masked_cummax3A_125 : vector<16xi32>
      %masked_cummax3A_127 = tpu.scan <max>, %masked_cummax3A_126 masked %broadcast_in_dim3A_124 : vector<16xi32>, vector<16xi1> -> vector<16xi32>
      %masked_cummax3A_128 = arith.xori %masked_cummax3A_127, %masked_cummax3A_125 : vector<16xi32>
      %sub3A_129 = arith.subi %iota3A, %masked_cummax3A_128 : vector<16xi32>
      %gather3A_130 = tpu.vector_load_idx %arg9[%masked_sort3A_97] : memref<16xi32, #tpu.memory_space<vmem>>[vector<16xi32>], vector<16xi32>,
      %add3A_131 = arith.addi %gather3A_130, %sub3A_129 : vector<16xi32>
      %add3A_132 = arith.constant 1 : i32
      %add3A_133 = vector.broadcast %add3A_132 : i32 to vector<16xi32>
      %add3A_134 = arith.addi %add3A_131, %add3A_133 : vector<16xi32>
      tpu.vector_store_idx %arg9[%masked_sort3A_97], %add3A_134 masked %or3A_119 : memref<16xi32, #tpu.memory_space<vmem>>[vector<16xi32>], vector<16xi32>, vector<16xi1>
    }
    %scan3A_7 = arith.constant 16 : i32
    %mul3A_8 = arith.constant 16 : i32
    %mul3A_9 = arith.muli %arg1, %mul3A_8 : i32
    "tpu.region"() ({
      %run_scoped3A = tpu.sem_alloc : memref<!tpu.dma_semaphore, #tpu.memory_space<semaphore_mem>>
      %dma_start3A = tpu.memref_slice %arg14[%mul3A_9] : memref<256xi32, #tpu.memory_space<vmem_shared>> -> memref<16xi32, #tpu.memory_space<vmem_shared>>
      %dma_start3A_83 = tpu.memref_slice %arg14[%mul3A_9] : memref<256xi32, #tpu.memory_space<vmem_shared>> -> memref<16xi32, #tpu.memory_space<vmem_shared>>
      tpu.enqueue_dma source(%arg9 : memref<16xi32, #tpu.memory_space<vmem>>) target(%dma_start3A_83 : memref<16xi32, #tpu.memory_space<vmem_shared>>) target_semaphore(%run_scoped3A : memref<!tpu.dma_semaphore, #tpu.memory_space<semaphore_mem>>)
      %dma_wait3A = tpu.memref_slice %arg14[%mul3A_9] : memref<256xi32, #tpu.memory_space<vmem_shared>> -> memref<16xi32, #tpu.memory_space<vmem_shared>>
      %dma_wait3A_84 = tpu.memref_slice %arg14[%mul3A_9] : memref<256xi32, #tpu.memory_space<vmem_shared>> -> memref<16xi32, #tpu.memory_space<vmem_shared>>
      tpu.wait_dma2 semaphore(%run_scoped3A : memref<!tpu.dma_semaphore, #tpu.memory_space<semaphore_mem>>) src(%arg9 : memref<16xi32, #tpu.memory_space<vmem>>) dst(%dma_wait3A_84 : memref<16xi32, #tpu.memory_space<vmem_shared>>)
      tpu.yield
    }) : () -> ()
    %barrier3A = arith.constant 0 : index
    tpu.barrier barrier_id(%barrier3A)
    "tpu.region"() ({
      %run_scoped3A = tpu.sem_alloc : memref<!tpu.dma_semaphore, #tpu.memory_space<semaphore_mem>>
      tpu.enqueue_dma source(%arg14 : memref<256xi32, #tpu.memory_space<vmem_shared>>) target(%arg11 : memref<256xi32, #tpu.memory_space<vmem>>) target_semaphore(%run_scoped3A : memref<!tpu.dma_semaphore, #tpu.memory_space<semaphore_mem>>)
      tpu.wait_dma2 semaphore(%run_scoped3A : memref<!tpu.dma_semaphore, #tpu.memory_space<semaphore_mem>>) src(%arg14 : memref<256xi32, #tpu.memory_space<vmem_shared>>) dst(%arg11 : memref<256xi32, #tpu.memory_space<vmem>>)
      tpu.yield
    }) : () -> ()
    %broadcast_in_dim3A_10 = arith.constant 0 : i32
    %broadcast_in_dim3A_11 = vector.broadcast %broadcast_in_dim3A_10 : i32 to vector<16xi32>
    %broadcast_in_dim3A_12 = arith.constant 0 : i32
    %broadcast_in_dim3A_13 = vector.broadcast %broadcast_in_dim3A_12 : i32 to vector<16xi32>
    %scan3A_14 = arith.constant 0 : i32
    %scan3A_15 = arith.constant 16 : i32
    %scan3A_16 = arith.addi %scan3A_14, %scan3A_15 : i32
    %scan3A_17 = arith.constant 1 : i32
    %scan3A_18:2 = scf.for %scan3A_83 = %scan3A_14 to %scan3A_16 step %scan3A_17 iter_args(%scan3A_84 = %broadcast_in_dim3A_11, %scan3A_85 = %broadcast_in_dim3A_13) -> (vector<16xi32>, vector<16xi32>)  : i32 {
      %mul3A_86 = arith.constant 16 : i32
      %mul3A_87 = arith.muli %scan3A_83, %mul3A_86 : i32
      %get3A = arith.index_cast %mul3A_87 : i32 to index
      %get3A_88 = tpu.vector_load %arg11[%get3A] {strides = array<i32>} : memref<256xi32, #tpu.memory_space<vmem>>, vector<16xi32>,
      %add3A_89 = arith.addi %scan3A_84, %get3A_88 : vector<16xi32>
      %lt3A = arith.cmpi slt, %scan3A_83, %arg1 : i32
      %jit3A_90 = arith.constant 0 : i32
      %broadcast_in_dim3A_91 = vector.broadcast %jit3A_90 : i32 to vector<16xi32>
      %select_n3A_92 = arith.select %lt3A, %get3A_88, %broadcast_in_dim3A_91 : vector<16xi32>
      %add3A_93 = arith.addi %scan3A_85, %select_n3A_92 : vector<16xi32>
      scf.yield %add3A_89, %add3A_93 : vector<16xi32>, vector<16xi32>
    }
    %scan3A_19 = arith.constant 16 : i32
    %add3A = arith.constant 128 : i32
    %add3A_20 = vector.broadcast %add3A : i32 to vector<16xi32>
    %add3A_21 = arith.addi %scan3A_18#0, %add3A_20 : vector<16xi32>
    %sub3A = arith.constant 1 : i32
    %sub3A_22 = vector.broadcast %sub3A : i32 to vector<16xi32>
    %sub3A_23 = arith.subi %add3A_21, %sub3A_22 : vector<16xi32>
    %jit3A = arith.constant 128 : i32
    %div3A = vector.broadcast %jit3A : i32 to vector<16xi32>
    %div3A_24 = arith.divsi %sub3A_23, %div3A : vector<16xi32>
    %sign3A = arith.constant 0 : i32
    %sign3A_25 = vector.broadcast %sign3A : i32 to vector<16xi32>
    %sign3A_26 = arith.cmpi sgt, %sub3A_23, %sign3A_25 : vector<16xi32>
    %sign3A_27 = arith.extui %sign3A_26 : vector<16xi1> to vector<16xi32>
    %sign3A_28 = arith.constant 0 : i32
    %sign3A_29 = vector.broadcast %sign3A_28 : i32 to vector<16xi32>
    %sign3A_30 = arith.cmpi slt, %sub3A_23, %sign3A_29 : vector<16xi32>
    %sign3A_31 = arith.extui %sign3A_30 : vector<16xi1> to vector<16xi32>
    %sign3A_32 = arith.subi %sign3A_27, %sign3A_31 : vector<16xi32>
    %sign3A_33 = arith.constant 0 : i32
    %sign3A_34 = arith.cmpi sgt, %jit3A, %sign3A_33 : i32
    %sign3A_35 = arith.extui %sign3A_34 : i1 to i32
    %sign3A_36 = arith.constant 0 : i32
    %sign3A_37 = arith.cmpi slt, %jit3A, %sign3A_36 : i32
    %sign3A_38 = arith.extui %sign3A_37 : i1 to i32
    %sign3A_39 = arith.subi %sign3A_35, %sign3A_38 : i32
    %ne3A = vector.broadcast %sign3A_39 : i32 to vector<16xi32>
    %ne3A_40 = arith.cmpi ne, %sign3A_32, %ne3A : vector<16xi32>
    %rem3A = vector.broadcast %jit3A : i32 to vector<16xi32>
    %rem3A_41 = arith.remsi %sub3A_23, %rem3A : vector<16xi32>
    %ne3A_42 = arith.constant 0 : i32
    %ne3A_43 = vector.broadcast %ne3A_42 : i32 to vector<16xi32>
    %ne3A_44 = arith.cmpi ne, %rem3A_41, %ne3A_43 : vector<16xi32>
    %and3A = arith.andi %ne3A_40, %ne3A_44 : vector<16xi1>
    %sub3A_45 = arith.constant 1 : i32
    %sub3A_46 = vector.broadcast %sub3A_45 : i32 to vector<16xi32>
    %sub3A_47 = arith.subi %div3A_24, %sub3A_46 : vector<16xi32>
    %select_n3A = arith.select %and3A, %sub3A_47, %div3A_24 : vector<16xi1>, vector<16xi32>
    %mul3A_48 = arith.constant 128 : i32
    %mul3A_49 = vector.broadcast %mul3A_48 : i32 to vector<16xi32>
    %mul3A_50 = arith.muli %select_n3A, %mul3A_49 : vector<16xi32>
    %broadcast_in_dim3A_51 = arith.constant true
    %broadcast_in_dim3A_52 = vector.broadcast %broadcast_in_dim3A_51 : i1 to vector<16xi1>
    %masked_cumsum3A = tpu.scan <sum>, %mul3A_50 masked %broadcast_in_dim3A_52 : vector<16xi32>, vector<16xi1> -> vector<16xi32>
    %sub3A_53 = arith.subi %masked_cumsum3A, %mul3A_50 : vector<16xi32>
    %add3A_54 = arith.addi %sub3A_53, %scan3A_18#1 : vector<16xi32>
    %swap3A_55 = arith.constant 0 : index
    %swap3A_56 = tpu.vector_load %arg9[%swap3A_55] {strides = array<i32>} : memref<16xi32, #tpu.memory_space<vmem>>, vector<16xi32>,
    tpu.vector_store %arg9[%swap3A_55], %add3A_54 {strides = array<i32>} : memref<16xi32, #tpu.memory_space<vmem>>, vector<16xi32>,
    %eq3A = arith.constant 0 : i32
    %eq3A_57 = arith.cmpi eq, %arg1, %eq3A : i32
    %eq3A_58 = arith.constant 0 : i32
    %eq3A_59 = arith.cmpi eq, %arg0, %eq3A_58 : i32
    %and3A_60 = arith.andi %eq3A_57, %eq3A_59 : i1
    %convert_element_type3A = arith.extui %and3A_60 : i1 to i32
    %cond3A = arith.constant 0 : i32
    %cond3A_61 = arith.cmpi ne, %convert_element_type3A, %cond3A : i32
    scf.if %cond3A_61 {
      %add3A_83 = arith.constant 0 : i32
      %add3A_84 = vector.broadcast %add3A_83 : i32 to vector<16xi32>
      %add3A_85 = arith.addi %iota3A, %add3A_84 : vector<16xi32>
      %mul3A_86 = arith.constant 128 : i32
      %mul3A_87 = vector.broadcast %mul3A_86 : i32 to vector<16xi32>
      %mul3A_88 = arith.muli %add3A_85, %mul3A_87 : vector<16xi32>
      %broadcast_in_dim3A_89 = arith.constant 0 : i32
      %broadcast_in_dim3A_90 = vector.broadcast %broadcast_in_dim3A_89 : i32 to vector<16xi32>
      %eq3A_91 = arith.constant 0 : i32
      %eq3A_92 = vector.broadcast %eq3A_91 : i32 to vector<16xi32>
      %eq3A_93 = arith.cmpi eq, %iota3A, %eq3A_92 : vector<16xi32>
      %jit3A_94 = arith.constant 0 : i32
      %broadcast_in_dim3A_95 = vector.broadcast %jit3A_94 : i32 to vector<16xi32>
      %select_n3A_96 = arith.select %eq3A_93, %masked_cumsum3A, %broadcast_in_dim3A_95 : vector<16xi1>, vector<16xi32>
      %reduce_sum3A = arith.constant true
      %reduce_sum3A_97 = vector.broadcast %reduce_sum3A : i1 to vector<16xi1>
      %reduce_sum3A_98 = tpu.scan <sum>, %select_n3A_96 masked %reduce_sum3A_97 : vector<16xi32>, vector<16xi1> -> vector<16xi32>
      %reduce_sum3A_99 = vector.extract %reduce_sum3A_98[15] : i32 from vector<16xi32>
      %ge3A = vector.broadcast %reduce_sum3A_99 : i32 to vector<16xi32>
      %ge3A_100 = arith.cmpi sge, %mul3A_88, %ge3A : vector<16xi32>
      %jit3A_101 = arith.constant 1 : i32
      %jit3A_102 = arith.constant 0 : i32
      %broadcast_in_dim3A_103 = vector.broadcast %jit3A_101 : i32 to vector<16xi32>
      %broadcast_in_dim3A_104 = vector.broadcast %jit3A_102 : i32 to vector<16xi32>
      %select_n3A_105 = arith.select %ge3A_100, %broadcast_in_dim3A_103, %broadcast_in_dim3A_104 : vector<16xi1>, vector<16xi32>
      %add3A_106 = arith.addi %broadcast_in_dim3A_90, %select_n3A_105 : vector<16xi32>
      %eq3A_107 = arith.constant 1 : i32
      %eq3A_108 = vector.broadcast %eq3A_107 : i32 to vector<16xi32>
      %eq3A_109 = arith.cmpi eq, %iota3A, %eq3A_108 : vector<16xi32>
      %jit3A_110 = arith.constant 0 : i32
      %broadcast_in_dim3A_111 = vector.broadcast %jit3A_110 : i32 to vector<16xi32>
      %select_n3A_112 = arith.select %eq3A_109, %masked_cumsum3A, %broadcast_in_dim3A_111 : vector<16xi1>, vector<16xi32>
      %reduce_sum3A_113 = arith.constant true
      %reduce_sum3A_114 = vector.broadcast %reduce_sum3A_113 : i1 to vector<16xi1>
      %reduce_sum3A_115 = tpu.scan <sum>, %select_n3A_112 masked %reduce_sum3A_114 : vector<16xi32>, vector<16xi1> -> vector<16xi32>
      %reduce_sum3A_116 = vector.extract %reduce_sum3A_115[15] : i32 from vector<16xi32>
      %ge3A_117 = vector.broadcast %reduce_sum3A_116 : i32 to vector<16xi32>
      %ge3A_118 = arith.cmpi sge, %mul3A_88, %ge3A_117 : vector<16xi32>
      %jit3A_119 = arith.constant 1 : i32
      %jit3A_120 = arith.constant 0 : i32
      %broadcast_in_dim3A_121 = vector.broadcast %jit3A_119 : i32 to vector<16xi32>
      %broadcast_in_dim3A_122 = vector.broadcast %jit3A_120 : i32 to vector<16xi32>
      %select_n3A_123 = arith.select %ge3A_118, %broadcast_in_dim3A_121, %broadcast_in_dim3A_122 : vector<16xi1>, vector<16xi32>
      %add3A_124 = arith.addi %add3A_106, %select_n3A_123 : vector<16xi32>
      %eq3A_125 = arith.constant 2 : i32
      %eq3A_126 = vector.broadcast %eq3A_125 : i32 to vector<16xi32>
      %eq3A_127 = arith.cmpi eq, %iota3A, %eq3A_126 : vector<16xi32>
      %jit3A_128 = arith.constant 0 : i32
      %broadcast_in_dim3A_129 = vector.broadcast %jit3A_128 : i32 to vector<16xi32>
      %select_n3A_130 = arith.select %eq3A_127, %masked_cumsum3A, %broadcast_in_dim3A_129 : vector<16xi1>, vector<16xi32>
      %reduce_sum3A_131 = arith.constant true
      %reduce_sum3A_132 = vector.broadcast %reduce_sum3A_131 : i1 to vector<16xi1>
      %reduce_sum3A_133 = tpu.scan <sum>, %select_n3A_130 masked %reduce_sum3A_132 : vector<16xi32>, vector<16xi1> -> vector<16xi32>
      %reduce_sum3A_134 = vector.extract %reduce_sum3A_133[15] : i32 from vector<16xi32>
      %ge3A_135 = vector.broadcast %reduce_sum3A_134 : i32 to vector<16xi32>
      %ge3A_136 = arith.cmpi sge, %mul3A_88, %ge3A_135 : vector<16xi32>
      %jit3A_137 = arith.constant 1 : i32
      %jit3A_138 = arith.constant 0 : i32
      %broadcast_in_dim3A_139 = vector.broadcast %jit3A_137 : i32 to vector<16xi32>
      %broadcast_in_dim3A_140 = vector.broadcast %jit3A_138 : i32 to vector<16xi32>
      %select_n3A_141 = arith.select %ge3A_136, %broadcast_in_dim3A_139, %broadcast_in_dim3A_140 : vector<16xi1>, vector<16xi32>
      %add3A_142 = arith.addi %add3A_124, %select_n3A_141 : vector<16xi32>
      %eq3A_143 = arith.constant 3 : i32
      %eq3A_144 = vector.broadcast %eq3A_143 : i32 to vector<16xi32>
      %eq3A_145 = arith.cmpi eq, %iota3A, %eq3A_144 : vector<16xi32>
      %jit3A_146 = arith.constant 0 : i32
      %broadcast_in_dim3A_147 = vector.broadcast %jit3A_146 : i32 to vector<16xi32>
      %select_n3A_148 = arith.select %eq3A_145, %masked_cumsum3A, %broadcast_in_dim3A_147 : vector<16xi1>, vector<16xi32>
      %reduce_sum3A_149 = arith.constant true
      %reduce_sum3A_150 = vector.broadcast %reduce_sum3A_149 : i1 to vector<16xi1>
      %reduce_sum3A_151 = tpu.scan <sum>, %select_n3A_148 masked %reduce_sum3A_150 : vector<16xi32>, vector<16xi1> -> vector<16xi32>
      %reduce_sum3A_152 = vector.extract %reduce_sum3A_151[15] : i32 from vector<16xi32>
      %ge3A_153 = vector.broadcast %reduce_sum3A_152 : i32 to vector<16xi32>
      %ge3A_154 = arith.cmpi sge, %mul3A_88, %ge3A_153 : vector<16xi32>
      %jit3A_155 = arith.constant 1 : i32
      %jit3A_156 = arith.constant 0 : i32
      %broadcast_in_dim3A_157 = vector.broadcast %jit3A_155 : i32 to vector<16xi32>
      %broadcast_in_dim3A_158 = vector.broadcast %jit3A_156 : i32 to vector<16xi32>
      %select_n3A_159 = arith.select %ge3A_154, %broadcast_in_dim3A_157, %broadcast_in_dim3A_158 : vector<16xi1>, vector<16xi32>
      %add3A_160 = arith.addi %add3A_142, %select_n3A_159 : vector<16xi32>
      %eq3A_161 = arith.constant 4 : i32
      %eq3A_162 = vector.broadcast %eq3A_161 : i32 to vector<16xi32>
      %eq3A_163 = arith.cmpi eq, %iota3A, %eq3A_162 : vector<16xi32>
      %jit3A_164 = arith.constant 0 : i32
      %broadcast_in_dim3A_165 = vector.broadcast %jit3A_164 : i32 to vector<16xi32>
      %select_n3A_166 = arith.select %eq3A_163, %masked_cumsum3A, %broadcast_in_dim3A_165 : vector<16xi1>, vector<16xi32>
      %reduce_sum3A_167 = arith.constant true
      %reduce_sum3A_168 = vector.broadcast %reduce_sum3A_167 : i1 to vector<16xi1>
      %reduce_sum3A_169 = tpu.scan <sum>, %select_n3A_166 masked %reduce_sum3A_168 : vector<16xi32>, vector<16xi1> -> vector<16xi32>
      %reduce_sum3A_170 = vector.extract %reduce_sum3A_169[15] : i32 from vector<16xi32>
      %ge3A_171 = vector.broadcast %reduce_sum3A_170 : i32 to vector<16xi32>
      %ge3A_172 = arith.cmpi sge, %mul3A_88, %ge3A_171 : vector<16xi32>
      %jit3A_173 = arith.constant 1 : i32
      %jit3A_174 = arith.constant 0 : i32
      %broadcast_in_dim3A_175 = vector.broadcast %jit3A_173 : i32 to vector<16xi32>
      %broadcast_in_dim3A_176 = vector.broadcast %jit3A_174 : i32 to vector<16xi32>
      %select_n3A_177 = arith.select %ge3A_172, %broadcast_in_dim3A_175, %broadcast_in_dim3A_176 : vector<16xi1>, vector<16xi32>
      %add3A_178 = arith.addi %add3A_160, %select_n3A_177 : vector<16xi32>
      %eq3A_179 = arith.constant 5 : i32
      %eq3A_180 = vector.broadcast %eq3A_179 : i32 to vector<16xi32>
      %eq3A_181 = arith.cmpi eq, %iota3A, %eq3A_180 : vector<16xi32>
      %jit3A_182 = arith.constant 0 : i32
      %broadcast_in_dim3A_183 = vector.broadcast %jit3A_182 : i32 to vector<16xi32>
      %select_n3A_184 = arith.select %eq3A_181, %masked_cumsum3A, %broadcast_in_dim3A_183 : vector<16xi1>, vector<16xi32>
      %reduce_sum3A_185 = arith.constant true
      %reduce_sum3A_186 = vector.broadcast %reduce_sum3A_185 : i1 to vector<16xi1>
      %reduce_sum3A_187 = tpu.scan <sum>, %select_n3A_184 masked %reduce_sum3A_186 : vector<16xi32>, vector<16xi1> -> vector<16xi32>
      %reduce_sum3A_188 = vector.extract %reduce_sum3A_187[15] : i32 from vector<16xi32>
      %ge3A_189 = vector.broadcast %reduce_sum3A_188 : i32 to vector<16xi32>
      %ge3A_190 = arith.cmpi sge, %mul3A_88, %ge3A_189 : vector<16xi32>
      %jit3A_191 = arith.constant 1 : i32
      %jit3A_192 = arith.constant 0 : i32
      %broadcast_in_dim3A_193 = vector.broadcast %jit3A_191 : i32 to vector<16xi32>
      %broadcast_in_dim3A_194 = vector.broadcast %jit3A_192 : i32 to vector<16xi32>
      %select_n3A_195 = arith.select %ge3A_190, %broadcast_in_dim3A_193, %broadcast_in_dim3A_194 : vector<16xi1>, vector<16xi32>
      %add3A_196 = arith.addi %add3A_178, %select_n3A_195 : vector<16xi32>
      %eq3A_197 = arith.constant 6 : i32
      %eq3A_198 = vector.broadcast %eq3A_197 : i32 to vector<16xi32>
      %eq3A_199 = arith.cmpi eq, %iota3A, %eq3A_198 : vector<16xi32>
      %jit3A_200 = arith.constant 0 : i32
      %broadcast_in_dim3A_201 = vector.broadcast %jit3A_200 : i32 to vector<16xi32>
      %select_n3A_202 = arith.select %eq3A_199, %masked_cumsum3A, %broadcast_in_dim3A_201 : vector<16xi1>, vector<16xi32>
      %reduce_sum3A_203 = arith.constant true
      %reduce_sum3A_204 = vector.broadcast %reduce_sum3A_203 : i1 to vector<16xi1>
      %reduce_sum3A_205 = tpu.scan <sum>, %select_n3A_202 masked %reduce_sum3A_204 : vector<16xi32>, vector<16xi1> -> vector<16xi32>
      %reduce_sum3A_206 = vector.extract %reduce_sum3A_205[15] : i32 from vector<16xi32>
      %ge3A_207 = vector.broadcast %reduce_sum3A_206 : i32 to vector<16xi32>
      %ge3A_208 = arith.cmpi sge, %mul3A_88, %ge3A_207 : vector<16xi32>
      %jit3A_209 = arith.constant 1 : i32
      %jit3A_210 = arith.constant 0 : i32
      %broadcast_in_dim3A_211 = vector.broadcast %jit3A_209 : i32 to vector<16xi32>
      %broadcast_in_dim3A_212 = vector.broadcast %jit3A_210 : i32 to vector<16xi32>
      %select_n3A_213 = arith.select %ge3A_208, %broadcast_in_dim3A_211, %broadcast_in_dim3A_212 : vector<16xi1>, vector<16xi32>
      %add3A_214 = arith.addi %add3A_196, %select_n3A_213 : vector<16xi32>
      %eq3A_215 = arith.constant 7 : i32
      %eq3A_216 = vector.broadcast %eq3A_215 : i32 to vector<16xi32>
      %eq3A_217 = arith.cmpi eq, %iota3A, %eq3A_216 : vector<16xi32>
      %jit3A_218 = arith.constant 0 : i32
      %broadcast_in_dim3A_219 = vector.broadcast %jit3A_218 : i32 to vector<16xi32>
      %select_n3A_220 = arith.select %eq3A_217, %masked_cumsum3A, %broadcast_in_dim3A_219 : vector<16xi1>, vector<16xi32>
      %reduce_sum3A_221 = arith.constant true
      %reduce_sum3A_222 = vector.broadcast %reduce_sum3A_221 : i1 to vector<16xi1>
      %reduce_sum3A_223 = tpu.scan <sum>, %select_n3A_220 masked %reduce_sum3A_222 : vector<16xi32>, vector<16xi1> -> vector<16xi32>
      %reduce_sum3A_224 = vector.extract %reduce_sum3A_223[15] : i32 from vector<16xi32>
      %ge3A_225 = vector.broadcast %reduce_sum3A_224 : i32 to vector<16xi32>
      %ge3A_226 = arith.cmpi sge, %mul3A_88, %ge3A_225 : vector<16xi32>
      %jit3A_227 = arith.constant 1 : i32
      %jit3A_228 = arith.constant 0 : i32
      %broadcast_in_dim3A_229 = vector.broadcast %jit3A_227 : i32 to vector<16xi32>
      %broadcast_in_dim3A_230 = vector.broadcast %jit3A_228 : i32 to vector<16xi32>
      %select_n3A_231 = arith.select %ge3A_226, %broadcast_in_dim3A_229, %broadcast_in_dim3A_230 : vector<16xi1>, vector<16xi32>
      %add3A_232 = arith.addi %add3A_214, %select_n3A_231 : vector<16xi32>
      %eq3A_233 = arith.constant 8 : i32
      %eq3A_234 = vector.broadcast %eq3A_233 : i32 to vector<16xi32>
      %eq3A_235 = arith.cmpi eq, %iota3A, %eq3A_234 : vector<16xi32>
      %jit3A_236 = arith.constant 0 : i32
      %broadcast_in_dim3A_237 = vector.broadcast %jit3A_236 : i32 to vector<16xi32>
      %select_n3A_238 = arith.select %eq3A_235, %masked_cumsum3A, %broadcast_in_dim3A_237 : vector<16xi1>, vector<16xi32>
      %reduce_sum3A_239 = arith.constant true
      %reduce_sum3A_240 = vector.broadcast %reduce_sum3A_239 : i1 to vector<16xi1>
      %reduce_sum3A_241 = tpu.scan <sum>, %select_n3A_238 masked %reduce_sum3A_240 : vector<16xi32>, vector<16xi1> -> vector<16xi32>
      %reduce_sum3A_242 = vector.extract %reduce_sum3A_241[15] : i32 from vector<16xi32>
      %ge3A_243 = vector.broadcast %reduce_sum3A_242 : i32 to vector<16xi32>
      %ge3A_244 = arith.cmpi sge, %mul3A_88, %ge3A_243 : vector<16xi32>
      %jit3A_245 = arith.constant 1 : i32
      %jit3A_246 = arith.constant 0 : i32
      %broadcast_in_dim3A_247 = vector.broadcast %jit3A_245 : i32 to vector<16xi32>
      %broadcast_in_dim3A_248 = vector.broadcast %jit3A_246 : i32 to vector<16xi32>
      %select_n3A_249 = arith.select %ge3A_244, %broadcast_in_dim3A_247, %broadcast_in_dim3A_248 : vector<16xi1>, vector<16xi32>
      %add3A_250 = arith.addi %add3A_232, %select_n3A_249 : vector<16xi32>
      %eq3A_251 = arith.constant 9 : i32
      %eq3A_252 = vector.broadcast %eq3A_251 : i32 to vector<16xi32>
      %eq3A_253 = arith.cmpi eq, %iota3A, %eq3A_252 : vector<16xi32>
      %jit3A_254 = arith.constant 0 : i32
      %broadcast_in_dim3A_255 = vector.broadcast %jit3A_254 : i32 to vector<16xi32>
      %select_n3A_256 = arith.select %eq3A_253, %masked_cumsum3A, %broadcast_in_dim3A_255 : vector<16xi1>, vector<16xi32>
      %reduce_sum3A_257 = arith.constant true
      %reduce_sum3A_258 = vector.broadcast %reduce_sum3A_257 : i1 to vector<16xi1>
      %reduce_sum3A_259 = tpu.scan <sum>, %select_n3A_256 masked %reduce_sum3A_258 : vector<16xi32>, vector<16xi1> -> vector<16xi32>
      %reduce_sum3A_260 = vector.extract %reduce_sum3A_259[15] : i32 from vector<16xi32>
      %ge3A_261 = vector.broadcast %reduce_sum3A_260 : i32 to vector<16xi32>
      %ge3A_262 = arith.cmpi sge, %mul3A_88, %ge3A_261 : vector<16xi32>
      %jit3A_263 = arith.constant 1 : i32
      %jit3A_264 = arith.constant 0 : i32
      %broadcast_in_dim3A_265 = vector.broadcast %jit3A_263 : i32 to vector<16xi32>
      %broadcast_in_dim3A_266 = vector.broadcast %jit3A_264 : i32 to vector<16xi32>
      %select_n3A_267 = arith.select %ge3A_262, %broadcast_in_dim3A_265, %broadcast_in_dim3A_266 : vector<16xi1>, vector<16xi32>
      %add3A_268 = arith.addi %add3A_250, %select_n3A_267 : vector<16xi32>
      %eq3A_269 = arith.constant 10 : i32
      %eq3A_270 = vector.broadcast %eq3A_269 : i32 to vector<16xi32>
      %eq3A_271 = arith.cmpi eq, %iota3A, %eq3A_270 : vector<16xi32>
      %jit3A_272 = arith.constant 0 : i32
      %broadcast_in_dim3A_273 = vector.broadcast %jit3A_272 : i32 to vector<16xi32>
      %select_n3A_274 = arith.select %eq3A_271, %masked_cumsum3A, %broadcast_in_dim3A_273 : vector<16xi1>, vector<16xi32>
      %reduce_sum3A_275 = arith.constant true
      %reduce_sum3A_276 = vector.broadcast %reduce_sum3A_275 : i1 to vector<16xi1>
      %reduce_sum3A_277 = tpu.scan <sum>, %select_n3A_274 masked %reduce_sum3A_276 : vector<16xi32>, vector<16xi1> -> vector<16xi32>
      %reduce_sum3A_278 = vector.extract %reduce_sum3A_277[15] : i32 from vector<16xi32>
      %ge3A_279 = vector.broadcast %reduce_sum3A_278 : i32 to vector<16xi32>
      %ge3A_280 = arith.cmpi sge, %mul3A_88, %ge3A_279 : vector<16xi32>
      %jit3A_281 = arith.constant 1 : i32
      %jit3A_282 = arith.constant 0 : i32
      %broadcast_in_dim3A_283 = vector.broadcast %jit3A_281 : i32 to vector<16xi32>
      %broadcast_in_dim3A_284 = vector.broadcast %jit3A_282 : i32 to vector<16xi32>
      %select_n3A_285 = arith.select %ge3A_280, %broadcast_in_dim3A_283, %broadcast_in_dim3A_284 : vector<16xi1>, vector<16xi32>
      %add3A_286 = arith.addi %add3A_268, %select_n3A_285 : vector<16xi32>
      %eq3A_287 = arith.constant 11 : i32
      %eq3A_288 = vector.broadcast %eq3A_287 : i32 to vector<16xi32>
      %eq3A_289 = arith.cmpi eq, %iota3A, %eq3A_288 : vector<16xi32>
      %jit3A_290 = arith.constant 0 : i32
      %broadcast_in_dim3A_291 = vector.broadcast %jit3A_290 : i32 to vector<16xi32>
      %select_n3A_292 = arith.select %eq3A_289, %masked_cumsum3A, %broadcast_in_dim3A_291 : vector<16xi1>, vector<16xi32>
      %reduce_sum3A_293 = arith.constant true
      %reduce_sum3A_294 = vector.broadcast %reduce_sum3A_293 : i1 to vector<16xi1>
      %reduce_sum3A_295 = tpu.scan <sum>, %select_n3A_292 masked %reduce_sum3A_294 : vector<16xi32>, vector<16xi1> -> vector<16xi32>
      %reduce_sum3A_296 = vector.extract %reduce_sum3A_295[15] : i32 from vector<16xi32>
      %ge3A_297 = vector.broadcast %reduce_sum3A_296 : i32 to vector<16xi32>
      %ge3A_298 = arith.cmpi sge, %mul3A_88, %ge3A_297 : vector<16xi32>
      %jit3A_299 = arith.constant 1 : i32
      %jit3A_300 = arith.constant 0 : i32
      %broadcast_in_dim3A_301 = vector.broadcast %jit3A_299 : i32 to vector<16xi32>
      %broadcast_in_dim3A_302 = vector.broadcast %jit3A_300 : i32 to vector<16xi32>
      %select_n3A_303 = arith.select %ge3A_298, %broadcast_in_dim3A_301, %broadcast_in_dim3A_302 : vector<16xi1>, vector<16xi32>
      %add3A_304 = arith.addi %add3A_286, %select_n3A_303 : vector<16xi32>
      %eq3A_305 = arith.constant 12 : i32
      %eq3A_306 = vector.broadcast %eq3A_305 : i32 to vector<16xi32>
      %eq3A_307 = arith.cmpi eq, %iota3A, %eq3A_306 : vector<16xi32>
      %jit3A_308 = arith.constant 0 : i32
      %broadcast_in_dim3A_309 = vector.broadcast %jit3A_308 : i32 to vector<16xi32>
      %select_n3A_310 = arith.select %eq3A_307, %masked_cumsum3A, %broadcast_in_dim3A_309 : vector<16xi1>, vector<16xi32>
      %reduce_sum3A_311 = arith.constant true
      %reduce_sum3A_312 = vector.broadcast %reduce_sum3A_311 : i1 to vector<16xi1>
      %reduce_sum3A_313 = tpu.scan <sum>, %select_n3A_310 masked %reduce_sum3A_312 : vector<16xi32>, vector<16xi1> -> vector<16xi32>
      %reduce_sum3A_314 = vector.extract %reduce_sum3A_313[15] : i32 from vector<16xi32>
      %ge3A_315 = vector.broadcast %reduce_sum3A_314 : i32 to vector<16xi32>
      %ge3A_316 = arith.cmpi sge, %mul3A_88, %ge3A_315 : vector<16xi32>
      %jit3A_317 = arith.constant 1 : i32
      %jit3A_318 = arith.constant 0 : i32
      %broadcast_in_dim3A_319 = vector.broadcast %jit3A_317 : i32 to vector<16xi32>
      %broadcast_in_dim3A_320 = vector.broadcast %jit3A_318 : i32 to vector<16xi32>
      %select_n3A_321 = arith.select %ge3A_316, %broadcast_in_dim3A_319, %broadcast_in_dim3A_320 : vector<16xi1>, vector<16xi32>
      %add3A_322 = arith.addi %add3A_304, %select_n3A_321 : vector<16xi32>
      %eq3A_323 = arith.constant 13 : i32
      %eq3A_324 = vector.broadcast %eq3A_323 : i32 to vector<16xi32>
      %eq3A_325 = arith.cmpi eq, %iota3A, %eq3A_324 : vector<16xi32>
      %jit3A_326 = arith.constant 0 : i32
      %broadcast_in_dim3A_327 = vector.broadcast %jit3A_326 : i32 to vector<16xi32>
      %select_n3A_328 = arith.select %eq3A_325, %masked_cumsum3A, %broadcast_in_dim3A_327 : vector<16xi1>, vector<16xi32>
      %reduce_sum3A_329 = arith.constant true
      %reduce_sum3A_330 = vector.broadcast %reduce_sum3A_329 : i1 to vector<16xi1>
      %reduce_sum3A_331 = tpu.scan <sum>, %select_n3A_328 masked %reduce_sum3A_330 : vector<16xi32>, vector<16xi1> -> vector<16xi32>
      %reduce_sum3A_332 = vector.extract %reduce_sum3A_331[15] : i32 from vector<16xi32>
      %ge3A_333 = vector.broadcast %reduce_sum3A_332 : i32 to vector<16xi32>
      %ge3A_334 = arith.cmpi sge, %mul3A_88, %ge3A_333 : vector<16xi32>
      %jit3A_335 = arith.constant 1 : i32
      %jit3A_336 = arith.constant 0 : i32
      %broadcast_in_dim3A_337 = vector.broadcast %jit3A_335 : i32 to vector<16xi32>
      %broadcast_in_dim3A_338 = vector.broadcast %jit3A_336 : i32 to vector<16xi32>
      %select_n3A_339 = arith.select %ge3A_334, %broadcast_in_dim3A_337, %broadcast_in_dim3A_338 : vector<16xi1>, vector<16xi32>
      %add3A_340 = arith.addi %add3A_322, %select_n3A_339 : vector<16xi32>
      %eq3A_341 = arith.constant 14 : i32
      %eq3A_342 = vector.broadcast %eq3A_341 : i32 to vector<16xi32>
      %eq3A_343 = arith.cmpi eq, %iota3A, %eq3A_342 : vector<16xi32>
      %jit3A_344 = arith.constant 0 : i32
      %broadcast_in_dim3A_345 = vector.broadcast %jit3A_344 : i32 to vector<16xi32>
      %select_n3A_346 = arith.select %eq3A_343, %masked_cumsum3A, %broadcast_in_dim3A_345 : vector<16xi1>, vector<16xi32>
      %reduce_sum3A_347 = arith.constant true
      %reduce_sum3A_348 = vector.broadcast %reduce_sum3A_347 : i1 to vector<16xi1>
      %reduce_sum3A_349 = tpu.scan <sum>, %select_n3A_346 masked %reduce_sum3A_348 : vector<16xi32>, vector<16xi1> -> vector<16xi32>
      %reduce_sum3A_350 = vector.extract %reduce_sum3A_349[15] : i32 from vector<16xi32>
      %ge3A_351 = vector.broadcast %reduce_sum3A_350 : i32 to vector<16xi32>
      %ge3A_352 = arith.cmpi sge, %mul3A_88, %ge3A_351 : vector<16xi32>
      %jit3A_353 = arith.constant 1 : i32
      %jit3A_354 = arith.constant 0 : i32
      %broadcast_in_dim3A_355 = vector.broadcast %jit3A_353 : i32 to vector<16xi32>
      %broadcast_in_dim3A_356 = vector.broadcast %jit3A_354 : i32 to vector<16xi32>
      %select_n3A_357 = arith.select %ge3A_352, %broadcast_in_dim3A_355, %broadcast_in_dim3A_356 : vector<16xi1>, vector<16xi32>
      %add3A_358 = arith.addi %add3A_340, %select_n3A_357 : vector<16xi32>
      %eq3A_359 = arith.constant 15 : i32
      %eq3A_360 = vector.broadcast %eq3A_359 : i32 to vector<16xi32>
      %eq3A_361 = arith.cmpi eq, %iota3A, %eq3A_360 : vector<16xi32>
      %jit3A_362 = arith.constant 0 : i32
      %broadcast_in_dim3A_363 = vector.broadcast %jit3A_362 : i32 to vector<16xi32>
      %select_n3A_364 = arith.select %eq3A_361, %masked_cumsum3A, %broadcast_in_dim3A_363 : vector<16xi1>, vector<16xi32>
      %reduce_sum3A_365 = arith.constant true
      %reduce_sum3A_366 = vector.broadcast %reduce_sum3A_365 : i1 to vector<16xi1>
      %reduce_sum3A_367 = tpu.scan <sum>, %select_n3A_364 masked %reduce_sum3A_366 : vector<16xi32>, vector<16xi1> -> vector<16xi32>
      %reduce_sum3A_368 = vector.extract %reduce_sum3A_367[15] : i32 from vector<16xi32>
      %ge3A_369 = vector.broadcast %reduce_sum3A_368 : i32 to vector<16xi32>
      %ge3A_370 = arith.cmpi sge, %mul3A_88, %ge3A_369 : vector<16xi32>
      %jit3A_371 = arith.constant 1 : i32
      %jit3A_372 = arith.constant 0 : i32
      %broadcast_in_dim3A_373 = vector.broadcast %jit3A_371 : i32 to vector<16xi32>
      %broadcast_in_dim3A_374 = vector.broadcast %jit3A_372 : i32 to vector<16xi32>
      %select_n3A_375 = arith.select %ge3A_370, %broadcast_in_dim3A_373, %broadcast_in_dim3A_374 : vector<16xi1>, vector<16xi32>
      %add3A_376 = arith.addi %add3A_358, %select_n3A_375 : vector<16xi32>
      %min3A = arith.constant 15 : i32
      %min3A_377 = vector.broadcast %min3A : i32 to vector<16xi32>
      %min3A_378 = arith.minsi %add3A_376, %min3A_377 : vector<16xi32>
      %swap3A_379 = arith.constant 0 : index
      %swap3A_380 = tpu.vector_load %arg12[%swap3A_379] {strides = array<i32>} : memref<48xi32, #tpu.memory_space<vmem>>, vector<16xi32>,
      tpu.vector_store %arg12[%swap3A_379], %min3A_378 {strides = array<i32>} : memref<48xi32, #tpu.memory_space<vmem>>, vector<16xi32>,
      %add3A_381 = arith.constant 16 : i32
      %add3A_382 = vector.broadcast %add3A_381 : i32 to vector<16xi32>
      %add3A_383 = arith.addi %iota3A, %add3A_382 : vector<16xi32>
      %mul3A_384 = arith.constant 128 : i32
      %mul3A_385 = vector.broadcast %mul3A_384 : i32 to vector<16xi32>
      %mul3A_386 = arith.muli %add3A_383, %mul3A_385 : vector<16xi32>
      %broadcast_in_dim3A_387 = arith.constant 0 : i32
      %broadcast_in_dim3A_388 = vector.broadcast %broadcast_in_dim3A_387 : i32 to vector<16xi32>
      %eq3A_389 = arith.constant 0 : i32
      %eq3A_390 = vector.broadcast %eq3A_389 : i32 to vector<16xi32>
      %eq3A_391 = arith.cmpi eq, %iota3A, %eq3A_390 : vector<16xi32>
      %jit3A_392 = arith.constant 0 : i32
      %broadcast_in_dim3A_393 = vector.broadcast %jit3A_392 : i32 to vector<16xi32>
      %select_n3A_394 = arith.select %eq3A_391, %masked_cumsum3A, %broadcast_in_dim3A_393 : vector<16xi1>, vector<16xi32>
      %reduce_sum3A_395 = arith.constant true
      %reduce_sum3A_396 = vector.broadcast %reduce_sum3A_395 : i1 to vector<16xi1>
      %reduce_sum3A_397 = tpu.scan <sum>, %select_n3A_394 masked %reduce_sum3A_396 : vector<16xi32>, vector<16xi1> -> vector<16xi32>
      %reduce_sum3A_398 = vector.extract %reduce_sum3A_397[15] : i32 from vector<16xi32>
      %ge3A_399 = vector.broadcast %reduce_sum3A_398 : i32 to vector<16xi32>
      %ge3A_400 = arith.cmpi sge, %mul3A_386, %ge3A_399 : vector<16xi32>
      %jit3A_401 = arith.constant 1 : i32
      %jit3A_402 = arith.constant 0 : i32
      %broadcast_in_dim3A_403 = vector.broadcast %jit3A_401 : i32 to vector<16xi32>
      %broadcast_in_dim3A_404 = vector.broadcast %jit3A_402 : i32 to vector<16xi32>
      %select_n3A_405 = arith.select %ge3A_400, %broadcast_in_dim3A_403, %broadcast_in_dim3A_404 : vector<16xi1>, vector<16xi32>
      %add3A_406 = arith.addi %broadcast_in_dim3A_388, %select_n3A_405 : vector<16xi32>
      %eq3A_407 = arith.constant 1 : i32
      %eq3A_408 = vector.broadcast %eq3A_407 : i32 to vector<16xi32>
      %eq3A_409 = arith.cmpi eq, %iota3A, %eq3A_408 : vector<16xi32>
      %jit3A_410 = arith.constant 0 : i32
      %broadcast_in_dim3A_411 = vector.broadcast %jit3A_410 : i32 to vector<16xi32>
      %select_n3A_412 = arith.select %eq3A_409, %masked_cumsum3A, %broadcast_in_dim3A_411 : vector<16xi1>, vector<16xi32>
      %reduce_sum3A_413 = arith.constant true
      %reduce_sum3A_414 = vector.broadcast %reduce_sum3A_413 : i1 to vector<16xi1>
      %reduce_sum3A_415 = tpu.scan <sum>, %select_n3A_412 masked %reduce_sum3A_414 : vector<16xi32>, vector<16xi1> -> vector<16xi32>
      %reduce_sum3A_416 = vector.extract %reduce_sum3A_415[15] : i32 from vector<16xi32>
      %ge3A_417 = vector.broadcast %reduce_sum3A_416 : i32 to vector<16xi32>
      %ge3A_418 = arith.cmpi sge, %mul3A_386, %ge3A_417 : vector<16xi32>
      %jit3A_419 = arith.constant 1 : i32
      %jit3A_420 = arith.constant 0 : i32
      %broadcast_in_dim3A_421 = vector.broadcast %jit3A_419 : i32 to vector<16xi32>
      %broadcast_in_dim3A_422 = vector.broadcast %jit3A_420 : i32 to vector<16xi32>
      %select_n3A_423 = arith.select %ge3A_418, %broadcast_in_dim3A_421, %broadcast_in_dim3A_422 : vector<16xi1>, vector<16xi32>
      %add3A_424 = arith.addi %add3A_406, %select_n3A_423 : vector<16xi32>
      %eq3A_425 = arith.constant 2 : i32
      %eq3A_426 = vector.broadcast %eq3A_425 : i32 to vector<16xi32>
      %eq3A_427 = arith.cmpi eq, %iota3A, %eq3A_426 : vector<16xi32>
      %jit3A_428 = arith.constant 0 : i32
      %broadcast_in_dim3A_429 = vector.broadcast %jit3A_428 : i32 to vector<16xi32>
      %select_n3A_430 = arith.select %eq3A_427, %masked_cumsum3A, %broadcast_in_dim3A_429 : vector<16xi1>, vector<16xi32>
      %reduce_sum3A_431 = arith.constant true
      %reduce_sum3A_432 = vector.broadcast %reduce_sum3A_431 : i1 to vector<16xi1>
      %reduce_sum3A_433 = tpu.scan <sum>, %select_n3A_430 masked %reduce_sum3A_432 : vector<16xi32>, vector<16xi1> -> vector<16xi32>
      %reduce_sum3A_434 = vector.extract %reduce_sum3A_433[15] : i32 from vector<16xi32>
      %ge3A_435 = vector.broadcast %reduce_sum3A_434 : i32 to vector<16xi32>
      %ge3A_436 = arith.cmpi sge, %mul3A_386, %ge3A_435 : vector<16xi32>
      %jit3A_437 = arith.constant 1 : i32
      %jit3A_438 = arith.constant 0 : i32
      %broadcast_in_dim3A_439 = vector.broadcast %jit3A_437 : i32 to vector<16xi32>
      %broadcast_in_dim3A_440 = vector.broadcast %jit3A_438 : i32 to vector<16xi32>
      %select_n3A_441 = arith.select %ge3A_436, %broadcast_in_dim3A_439, %broadcast_in_dim3A_440 : vector<16xi1>, vector<16xi32>
      %add3A_442 = arith.addi %add3A_424, %select_n3A_441 : vector<16xi32>
      %eq3A_443 = arith.constant 3 : i32
      %eq3A_444 = vector.broadcast %eq3A_443 : i32 to vector<16xi32>
      %eq3A_445 = arith.cmpi eq, %iota3A, %eq3A_444 : vector<16xi32>
      %jit3A_446 = arith.constant 0 : i32
      %broadcast_in_dim3A_447 = vector.broadcast %jit3A_446 : i32 to vector<16xi32>
      %select_n3A_448 = arith.select %eq3A_445, %masked_cumsum3A, %broadcast_in_dim3A_447 : vector<16xi1>, vector<16xi32>
      %reduce_sum3A_449 = arith.constant true
      %reduce_sum3A_450 = vector.broadcast %reduce_sum3A_449 : i1 to vector<16xi1>
      %reduce_sum3A_451 = tpu.scan <sum>, %select_n3A_448 masked %reduce_sum3A_450 : vector<16xi32>, vector<16xi1> -> vector<16xi32>
      %reduce_sum3A_452 = vector.extract %reduce_sum3A_451[15] : i32 from vector<16xi32>
      %ge3A_453 = vector.broadcast %reduce_sum3A_452 : i32 to vector<16xi32>
      %ge3A_454 = arith.cmpi sge, %mul3A_386, %ge3A_453 : vector<16xi32>
      %jit3A_455 = arith.constant 1 : i32
      %jit3A_456 = arith.constant 0 : i32
      %broadcast_in_dim3A_457 = vector.broadcast %jit3A_455 : i32 to vector<16xi32>
      %broadcast_in_dim3A_458 = vector.broadcast %jit3A_456 : i32 to vector<16xi32>
      %select_n3A_459 = arith.select %ge3A_454, %broadcast_in_dim3A_457, %broadcast_in_dim3A_458 : vector<16xi1>, vector<16xi32>
      %add3A_460 = arith.addi %add3A_442, %select_n3A_459 : vector<16xi32>
      %eq3A_461 = arith.constant 4 : i32
      %eq3A_462 = vector.broadcast %eq3A_461 : i32 to vector<16xi32>
      %eq3A_463 = arith.cmpi eq, %iota3A, %eq3A_462 : vector<16xi32>
      %jit3A_464 = arith.constant 0 : i32
      %broadcast_in_dim3A_465 = vector.broadcast %jit3A_464 : i32 to vector<16xi32>
      %select_n3A_466 = arith.select %eq3A_463, %masked_cumsum3A, %broadcast_in_dim3A_465 : vector<16xi1>, vector<16xi32>
      %reduce_sum3A_467 = arith.constant true
      %reduce_sum3A_468 = vector.broadcast %reduce_sum3A_467 : i1 to vector<16xi1>
      %reduce_sum3A_469 = tpu.scan <sum>, %select_n3A_466 masked %reduce_sum3A_468 : vector<16xi32>, vector<16xi1> -> vector<16xi32>
      %reduce_sum3A_470 = vector.extract %reduce_sum3A_469[15] : i32 from vector<16xi32>
      %ge3A_471 = vector.broadcast %reduce_sum3A_470 : i32 to vector<16xi32>
      %ge3A_472 = arith.cmpi sge, %mul3A_386, %ge3A_471 : vector<16xi32>
      %jit3A_473 = arith.constant 1 : i32
      %jit3A_474 = arith.constant 0 : i32
      %broadcast_in_dim3A_475 = vector.broadcast %jit3A_473 : i32 to vector<16xi32>
      %broadcast_in_dim3A_476 = vector.broadcast %jit3A_474 : i32 to vector<16xi32>
      %select_n3A_477 = arith.select %ge3A_472, %broadcast_in_dim3A_475, %broadcast_in_dim3A_476 : vector<16xi1>, vector<16xi32>
      %add3A_478 = arith.addi %add3A_460, %select_n3A_477 : vector<16xi32>
      %eq3A_479 = arith.constant 5 : i32
      %eq3A_480 = vector.broadcast %eq3A_479 : i32 to vector<16xi32>
      %eq3A_481 = arith.cmpi eq, %iota3A, %eq3A_480 : vector<16xi32>
      %jit3A_482 = arith.constant 0 : i32
      %broadcast_in_dim3A_483 = vector.broadcast %jit3A_482 : i32 to vector<16xi32>
      %select_n3A_484 = arith.select %eq3A_481, %masked_cumsum3A, %broadcast_in_dim3A_483 : vector<16xi1>, vector<16xi32>
      %reduce_sum3A_485 = arith.constant true
      %reduce_sum3A_486 = vector.broadcast %reduce_sum3A_485 : i1 to vector<16xi1>
      %reduce_sum3A_487 = tpu.scan <sum>, %select_n3A_484 masked %reduce_sum3A_486 : vector<16xi32>, vector<16xi1> -> vector<16xi32>
      %reduce_sum3A_488 = vector.extract %reduce_sum3A_487[15] : i32 from vector<16xi32>
      %ge3A_489 = vector.broadcast %reduce_sum3A_488 : i32 to vector<16xi32>
      %ge3A_490 = arith.cmpi sge, %mul3A_386, %ge3A_489 : vector<16xi32>
      %jit3A_491 = arith.constant 1 : i32
      %jit3A_492 = arith.constant 0 : i32
      %broadcast_in_dim3A_493 = vector.broadcast %jit3A_491 : i32 to vector<16xi32>
      %broadcast_in_dim3A_494 = vector.broadcast %jit3A_492 : i32 to vector<16xi32>
      %select_n3A_495 = arith.select %ge3A_490, %broadcast_in_dim3A_493, %broadcast_in_dim3A_494 : vector<16xi1>, vector<16xi32>
      %add3A_496 = arith.addi %add3A_478, %select_n3A_495 : vector<16xi32>
      %eq3A_497 = arith.constant 6 : i32
      %eq3A_498 = vector.broadcast %eq3A_497 : i32 to vector<16xi32>
      %eq3A_499 = arith.cmpi eq, %iota3A, %eq3A_498 : vector<16xi32>
      %jit3A_500 = arith.constant 0 : i32
      %broadcast_in_dim3A_501 = vector.broadcast %jit3A_500 : i32 to vector<16xi32>
      %select_n3A_502 = arith.select %eq3A_499, %masked_cumsum3A, %broadcast_in_dim3A_501 : vector<16xi1>, vector<16xi32>
      %reduce_sum3A_503 = arith.constant true
      %reduce_sum3A_504 = vector.broadcast %reduce_sum3A_503 : i1 to vector<16xi1>
      %reduce_sum3A_505 = tpu.scan <sum>, %select_n3A_502 masked %reduce_sum3A_504 : vector<16xi32>, vector<16xi1> -> vector<16xi32>
      %reduce_sum3A_506 = vector.extract %reduce_sum3A_505[15] : i32 from vector<16xi32>
      %ge3A_507 = vector.broadcast %reduce_sum3A_506 : i32 to vector<16xi32>
      %ge3A_508 = arith.cmpi sge, %mul3A_386, %ge3A_507 : vector<16xi32>
      %jit3A_509 = arith.constant 1 : i32
      %jit3A_510 = arith.constant 0 : i32
      %broadcast_in_dim3A_511 = vector.broadcast %jit3A_509 : i32 to vector<16xi32>
      %broadcast_in_dim3A_512 = vector.broadcast %jit3A_510 : i32 to vector<16xi32>
      %select_n3A_513 = arith.select %ge3A_508, %broadcast_in_dim3A_511, %broadcast_in_dim3A_512 : vector<16xi1>, vector<16xi32>
      %add3A_514 = arith.addi %add3A_496, %select_n3A_513 : vector<16xi32>
      %eq3A_515 = arith.constant 7 : i32
      %eq3A_516 = vector.broadcast %eq3A_515 : i32 to vector<16xi32>
      %eq3A_517 = arith.cmpi eq, %iota3A, %eq3A_516 : vector<16xi32>
      %jit3A_518 = arith.constant 0 : i32
      %broadcast_in_dim3A_519 = vector.broadcast %jit3A_518 : i32 to vector<16xi32>
      %select_n3A_520 = arith.select %eq3A_517, %masked_cumsum3A, %broadcast_in_dim3A_519 : vector<16xi1>, vector<16xi32>
      %reduce_sum3A_521 = arith.constant true
      %reduce_sum3A_522 = vector.broadcast %reduce_sum3A_521 : i1 to vector<16xi1>
      %reduce_sum3A_523 = tpu.scan <sum>, %select_n3A_520 masked %reduce_sum3A_522 : vector<16xi32>, vector<16xi1> -> vector<16xi32>
      %reduce_sum3A_524 = vector.extract %reduce_sum3A_523[15] : i32 from vector<16xi32>
      %ge3A_525 = vector.broadcast %reduce_sum3A_524 : i32 to vector<16xi32>
      %ge3A_526 = arith.cmpi sge, %mul3A_386, %ge3A_525 : vector<16xi32>
      %jit3A_527 = arith.constant 1 : i32
      %jit3A_528 = arith.constant 0 : i32
      %broadcast_in_dim3A_529 = vector.broadcast %jit3A_527 : i32 to vector<16xi32>
      %broadcast_in_dim3A_530 = vector.broadcast %jit3A_528 : i32 to vector<16xi32>
      %select_n3A_531 = arith.select %ge3A_526, %broadcast_in_dim3A_529, %broadcast_in_dim3A_530 : vector<16xi1>, vector<16xi32>
      %add3A_532 = arith.addi %add3A_514, %select_n3A_531 : vector<16xi32>
      %eq3A_533 = arith.constant 8 : i32
      %eq3A_534 = vector.broadcast %eq3A_533 : i32 to vector<16xi32>
      %eq3A_535 = arith.cmpi eq, %iota3A, %eq3A_534 : vector<16xi32>
      %jit3A_536 = arith.constant 0 : i32
      %broadcast_in_dim3A_537 = vector.broadcast %jit3A_536 : i32 to vector<16xi32>
      %select_n3A_538 = arith.select %eq3A_535, %masked_cumsum3A, %broadcast_in_dim3A_537 : vector<16xi1>, vector<16xi32>
      %reduce_sum3A_539 = arith.constant true
      %reduce_sum3A_540 = vector.broadcast %reduce_sum3A_539 : i1 to vector<16xi1>
      %reduce_sum3A_541 = tpu.scan <sum>, %select_n3A_538 masked %reduce_sum3A_540 : vector<16xi32>, vector<16xi1> -> vector<16xi32>
      %reduce_sum3A_542 = vector.extract %reduce_sum3A_541[15] : i32 from vector<16xi32>
      %ge3A_543 = vector.broadcast %reduce_sum3A_542 : i32 to vector<16xi32>
      %ge3A_544 = arith.cmpi sge, %mul3A_386, %ge3A_543 : vector<16xi32>
      %jit3A_545 = arith.constant 1 : i32
      %jit3A_546 = arith.constant 0 : i32
      %broadcast_in_dim3A_547 = vector.broadcast %jit3A_545 : i32 to vector<16xi32>
      %broadcast_in_dim3A_548 = vector.broadcast %jit3A_546 : i32 to vector<16xi32>
      %select_n3A_549 = arith.select %ge3A_544, %broadcast_in_dim3A_547, %broadcast_in_dim3A_548 : vector<16xi1>, vector<16xi32>
      %add3A_550 = arith.addi %add3A_532, %select_n3A_549 : vector<16xi32>
      %eq3A_551 = arith.constant 9 : i32
      %eq3A_552 = vector.broadcast %eq3A_551 : i32 to vector<16xi32>
      %eq3A_553 = arith.cmpi eq, %iota3A, %eq3A_552 : vector<16xi32>
      %jit3A_554 = arith.constant 0 : i32
      %broadcast_in_dim3A_555 = vector.broadcast %jit3A_554 : i32 to vector<16xi32>
      %select_n3A_556 = arith.select %eq3A_553, %masked_cumsum3A, %broadcast_in_dim3A_555 : vector<16xi1>, vector<16xi32>
      %reduce_sum3A_557 = arith.constant true
      %reduce_sum3A_558 = vector.broadcast %reduce_sum3A_557 : i1 to vector<16xi1>
      %reduce_sum3A_559 = tpu.scan <sum>, %select_n3A_556 masked %reduce_sum3A_558 : vector<16xi32>, vector<16xi1> -> vector<16xi32>
      %reduce_sum3A_560 = vector.extract %reduce_sum3A_559[15] : i32 from vector<16xi32>
      %ge3A_561 = vector.broadcast %reduce_sum3A_560 : i32 to vector<16xi32>
      %ge3A_562 = arith.cmpi sge, %mul3A_386, %ge3A_561 : vector<16xi32>
      %jit3A_563 = arith.constant 1 : i32
      %jit3A_564 = arith.constant 0 : i32
      %broadcast_in_dim3A_565 = vector.broadcast %jit3A_563 : i32 to vector<16xi32>
      %broadcast_in_dim3A_566 = vector.broadcast %jit3A_564 : i32 to vector<16xi32>
      %select_n3A_567 = arith.select %ge3A_562, %broadcast_in_dim3A_565, %broadcast_in_dim3A_566 : vector<16xi1>, vector<16xi32>
      %add3A_568 = arith.addi %add3A_550, %select_n3A_567 : vector<16xi32>
      %eq3A_569 = arith.constant 10 : i32
      %eq3A_570 = vector.broadcast %eq3A_569 : i32 to vector<16xi32>
      %eq3A_571 = arith.cmpi eq, %iota3A, %eq3A_570 : vector<16xi32>
      %jit3A_572 = arith.constant 0 : i32
      %broadcast_in_dim3A_573 = vector.broadcast %jit3A_572 : i32 to vector<16xi32>
      %select_n3A_574 = arith.select %eq3A_571, %masked_cumsum3A, %broadcast_in_dim3A_573 : vector<16xi1>, vector<16xi32>
      %reduce_sum3A_575 = arith.constant true
      %reduce_sum3A_576 = vector.broadcast %reduce_sum3A_575 : i1 to vector<16xi1>
      %reduce_sum3A_577 = tpu.scan <sum>, %select_n3A_574 masked %reduce_sum3A_576 : vector<16xi32>, vector<16xi1> -> vector<16xi32>
      %reduce_sum3A_578 = vector.extract %reduce_sum3A_577[15] : i32 from vector<16xi32>
      %ge3A_579 = vector.broadcast %reduce_sum3A_578 : i32 to vector<16xi32>
      %ge3A_580 = arith.cmpi sge, %mul3A_386, %ge3A_579 : vector<16xi32>
      %jit3A_581 = arith.constant 1 : i32
      %jit3A_582 = arith.constant 0 : i32
      %broadcast_in_dim3A_583 = vector.broadcast %jit3A_581 : i32 to vector<16xi32>
      %broadcast_in_dim3A_584 = vector.broadcast %jit3A_582 : i32 to vector<16xi32>
      %select_n3A_585 = arith.select %ge3A_580, %broadcast_in_dim3A_583, %broadcast_in_dim3A_584 : vector<16xi1>, vector<16xi32>
      %add3A_586 = arith.addi %add3A_568, %select_n3A_585 : vector<16xi32>
      %eq3A_587 = arith.constant 11 : i32
      %eq3A_588 = vector.broadcast %eq3A_587 : i32 to vector<16xi32>
      %eq3A_589 = arith.cmpi eq, %iota3A, %eq3A_588 : vector<16xi32>
      %jit3A_590 = arith.constant 0 : i32
      %broadcast_in_dim3A_591 = vector.broadcast %jit3A_590 : i32 to vector<16xi32>
      %select_n3A_592 = arith.select %eq3A_589, %masked_cumsum3A, %broadcast_in_dim3A_591 : vector<16xi1>, vector<16xi32>
      %reduce_sum3A_593 = arith.constant true
      %reduce_sum3A_594 = vector.broadcast %reduce_sum3A_593 : i1 to vector<16xi1>
      %reduce_sum3A_595 = tpu.scan <sum>, %select_n3A_592 masked %reduce_sum3A_594 : vector<16xi32>, vector<16xi1> -> vector<16xi32>
      %reduce_sum3A_596 = vector.extract %reduce_sum3A_595[15] : i32 from vector<16xi32>
      %ge3A_597 = vector.broadcast %reduce_sum3A_596 : i32 to vector<16xi32>
      %ge3A_598 = arith.cmpi sge, %mul3A_386, %ge3A_597 : vector<16xi32>
      %jit3A_599 = arith.constant 1 : i32
      %jit3A_600 = arith.constant 0 : i32
      %broadcast_in_dim3A_601 = vector.broadcast %jit3A_599 : i32 to vector<16xi32>
      %broadcast_in_dim3A_602 = vector.broadcast %jit3A_600 : i32 to vector<16xi32>
      %select_n3A_603 = arith.select %ge3A_598, %broadcast_in_dim3A_601, %broadcast_in_dim3A_602 : vector<16xi1>, vector<16xi32>
      %add3A_604 = arith.addi %add3A_586, %select_n3A_603 : vector<16xi32>
      %eq3A_605 = arith.constant 12 : i32
      %eq3A_606 = vector.broadcast %eq3A_605 : i32 to vector<16xi32>
      %eq3A_607 = arith.cmpi eq, %iota3A, %eq3A_606 : vector<16xi32>
      %jit3A_608 = arith.constant 0 : i32
      %broadcast_in_dim3A_609 = vector.broadcast %jit3A_608 : i32 to vector<16xi32>
      %select_n3A_610 = arith.select %eq3A_607, %masked_cumsum3A, %broadcast_in_dim3A_609 : vector<16xi1>, vector<16xi32>
      %reduce_sum3A_611 = arith.constant true
      %reduce_sum3A_612 = vector.broadcast %reduce_sum3A_611 : i1 to vector<16xi1>
      %reduce_sum3A_613 = tpu.scan <sum>, %select_n3A_610 masked %reduce_sum3A_612 : vector<16xi32>, vector<16xi1> -> vector<16xi32>
      %reduce_sum3A_614 = vector.extract %reduce_sum3A_613[15] : i32 from vector<16xi32>
      %ge3A_615 = vector.broadcast %reduce_sum3A_614 : i32 to vector<16xi32>
      %ge3A_616 = arith.cmpi sge, %mul3A_386, %ge3A_615 : vector<16xi32>
      %jit3A_617 = arith.constant 1 : i32
      %jit3A_618 = arith.constant 0 : i32
      %broadcast_in_dim3A_619 = vector.broadcast %jit3A_617 : i32 to vector<16xi32>
      %broadcast_in_dim3A_620 = vector.broadcast %jit3A_618 : i32 to vector<16xi32>
      %select_n3A_621 = arith.select %ge3A_616, %broadcast_in_dim3A_619, %broadcast_in_dim3A_620 : vector<16xi1>, vector<16xi32>
      %add3A_622 = arith.addi %add3A_604, %select_n3A_621 : vector<16xi32>
      %eq3A_623 = arith.constant 13 : i32
      %eq3A_624 = vector.broadcast %eq3A_623 : i32 to vector<16xi32>
      %eq3A_625 = arith.cmpi eq, %iota3A, %eq3A_624 : vector<16xi32>
      %jit3A_626 = arith.constant 0 : i32
      %broadcast_in_dim3A_627 = vector.broadcast %jit3A_626 : i32 to vector<16xi32>
      %select_n3A_628 = arith.select %eq3A_625, %masked_cumsum3A, %broadcast_in_dim3A_627 : vector<16xi1>, vector<16xi32>
      %reduce_sum3A_629 = arith.constant true
      %reduce_sum3A_630 = vector.broadcast %reduce_sum3A_629 : i1 to vector<16xi1>
      %reduce_sum3A_631 = tpu.scan <sum>, %select_n3A_628 masked %reduce_sum3A_630 : vector<16xi32>, vector<16xi1> -> vector<16xi32>
      %reduce_sum3A_632 = vector.extract %reduce_sum3A_631[15] : i32 from vector<16xi32>
      %ge3A_633 = vector.broadcast %reduce_sum3A_632 : i32 to vector<16xi32>
      %ge3A_634 = arith.cmpi sge, %mul3A_386, %ge3A_633 : vector<16xi32>
      %jit3A_635 = arith.constant 1 : i32
      %jit3A_636 = arith.constant 0 : i32
      %broadcast_in_dim3A_637 = vector.broadcast %jit3A_635 : i32 to vector<16xi32>
      %broadcast_in_dim3A_638 = vector.broadcast %jit3A_636 : i32 to vector<16xi32>
      %select_n3A_639 = arith.select %ge3A_634, %broadcast_in_dim3A_637, %broadcast_in_dim3A_638 : vector<16xi1>, vector<16xi32>
      %add3A_640 = arith.addi %add3A_622, %select_n3A_639 : vector<16xi32>
      %eq3A_641 = arith.constant 14 : i32
      %eq3A_642 = vector.broadcast %eq3A_641 : i32 to vector<16xi32>
      %eq3A_643 = arith.cmpi eq, %iota3A, %eq3A_642 : vector<16xi32>
      %jit3A_644 = arith.constant 0 : i32
      %broadcast_in_dim3A_645 = vector.broadcast %jit3A_644 : i32 to vector<16xi32>
      %select_n3A_646 = arith.select %eq3A_643, %masked_cumsum3A, %broadcast_in_dim3A_645 : vector<16xi1>, vector<16xi32>
      %reduce_sum3A_647 = arith.constant true
      %reduce_sum3A_648 = vector.broadcast %reduce_sum3A_647 : i1 to vector<16xi1>
      %reduce_sum3A_649 = tpu.scan <sum>, %select_n3A_646 masked %reduce_sum3A_648 : vector<16xi32>, vector<16xi1> -> vector<16xi32>
      %reduce_sum3A_650 = vector.extract %reduce_sum3A_649[15] : i32 from vector<16xi32>
      %ge3A_651 = vector.broadcast %reduce_sum3A_650 : i32 to vector<16xi32>
      %ge3A_652 = arith.cmpi sge, %mul3A_386, %ge3A_651 : vector<16xi32>
      %jit3A_653 = arith.constant 1 : i32
      %jit3A_654 = arith.constant 0 : i32
      %broadcast_in_dim3A_655 = vector.broadcast %jit3A_653 : i32 to vector<16xi32>
      %broadcast_in_dim3A_656 = vector.broadcast %jit3A_654 : i32 to vector<16xi32>
      %select_n3A_657 = arith.select %ge3A_652, %broadcast_in_dim3A_655, %broadcast_in_dim3A_656 : vector<16xi1>, vector<16xi32>
      %add3A_658 = arith.addi %add3A_640, %select_n3A_657 : vector<16xi32>
      %eq3A_659 = arith.constant 15 : i32
      %eq3A_660 = vector.broadcast %eq3A_659 : i32 to vector<16xi32>
      %eq3A_661 = arith.cmpi eq, %iota3A, %eq3A_660 : vector<16xi32>
      %jit3A_662 = arith.constant 0 : i32
      %broadcast_in_dim3A_663 = vector.broadcast %jit3A_662 : i32 to vector<16xi32>
      %select_n3A_664 = arith.select %eq3A_661, %masked_cumsum3A, %broadcast_in_dim3A_663 : vector<16xi1>, vector<16xi32>
      %reduce_sum3A_665 = arith.constant true
      %reduce_sum3A_666 = vector.broadcast %reduce_sum3A_665 : i1 to vector<16xi1>
      %reduce_sum3A_667 = tpu.scan <sum>, %select_n3A_664 masked %reduce_sum3A_666 : vector<16xi32>, vector<16xi1> -> vector<16xi32>
      %reduce_sum3A_668 = vector.extract %reduce_sum3A_667[15] : i32 from vector<16xi32>
      %ge3A_669 = vector.broadcast %reduce_sum3A_668 : i32 to vector<16xi32>
      %ge3A_670 = arith.cmpi sge, %mul3A_386, %ge3A_669 : vector<16xi32>
      %jit3A_671 = arith.constant 1 : i32
      %jit3A_672 = arith.constant 0 : i32
      %broadcast_in_dim3A_673 = vector.broadcast %jit3A_671 : i32 to vector<16xi32>
      %broadcast_in_dim3A_674 = vector.broadcast %jit3A_672 : i32 to vector<16xi32>
      %select_n3A_675 = arith.select %ge3A_670, %broadcast_in_dim3A_673, %broadcast_in_dim3A_674 : vector<16xi1>, vector<16xi32>
      %add3A_676 = arith.addi %add3A_658, %select_n3A_675 : vector<16xi32>
      %min3A_677 = arith.constant 15 : i32
      %min3A_678 = vector.broadcast %min3A_677 : i32 to vector<16xi32>
      %min3A_679 = arith.minsi %add3A_676, %min3A_678 : vector<16xi32>
      %swap3A_680 = arith.constant 16 : index
      %swap3A_681 = tpu.vector_load %arg12[%swap3A_680] {strides = array<i32>} : memref<48xi32, #tpu.memory_space<vmem>>, vector<16xi32>,
      tpu.vector_store %arg12[%swap3A_680], %min3A_679 {strides = array<i32>} : memref<48xi32, #tpu.memory_space<vmem>>, vector<16xi32>,
      %add3A_682 = arith.constant 32 : i32
      %add3A_683 = vector.broadcast %add3A_682 : i32 to vector<16xi32>
      %add3A_684 = arith.addi %iota3A, %add3A_683 : vector<16xi32>
      %mul3A_685 = arith.constant 128 : i32
      %mul3A_686 = vector.broadcast %mul3A_685 : i32 to vector<16xi32>
      %mul3A_687 = arith.muli %add3A_684, %mul3A_686 : vector<16xi32>
      %broadcast_in_dim3A_688 = arith.constant 0 : i32
      %broadcast_in_dim3A_689 = vector.broadcast %broadcast_in_dim3A_688 : i32 to vector<16xi32>
      %eq3A_690 = arith.constant 0 : i32
      %eq3A_691 = vector.broadcast %eq3A_690 : i32 to vector<16xi32>
      %eq3A_692 = arith.cmpi eq, %iota3A, %eq3A_691 : vector<16xi32>
      %jit3A_693 = arith.constant 0 : i32
      %broadcast_in_dim3A_694 = vector.broadcast %jit3A_693 : i32 to vector<16xi32>
      %select_n3A_695 = arith.select %eq3A_692, %masked_cumsum3A, %broadcast_in_dim3A_694 : vector<16xi1>, vector<16xi32>
      %reduce_sum3A_696 = arith.constant true
      %reduce_sum3A_697 = vector.broadcast %reduce_sum3A_696 : i1 to vector<16xi1>
      %reduce_sum3A_698 = tpu.scan <sum>, %select_n3A_695 masked %reduce_sum3A_697 : vector<16xi32>, vector<16xi1> -> vector<16xi32>
      %reduce_sum3A_699 = vector.extract %reduce_sum3A_698[15] : i32 from vector<16xi32>
      %ge3A_700 = vector.broadcast %reduce_sum3A_699 : i32 to vector<16xi32>
      %ge3A_701 = arith.cmpi sge, %mul3A_687, %ge3A_700 : vector<16xi32>
      %jit3A_702 = arith.constant 1 : i32
      %jit3A_703 = arith.constant 0 : i32
      %broadcast_in_dim3A_704 = vector.broadcast %jit3A_702 : i32 to vector<16xi32>
      %broadcast_in_dim3A_705 = vector.broadcast %jit3A_703 : i32 to vector<16xi32>
      %select_n3A_706 = arith.select %ge3A_701, %broadcast_in_dim3A_704, %broadcast_in_dim3A_705 : vector<16xi1>, vector<16xi32>
      %add3A_707 = arith.addi %broadcast_in_dim3A_689, %select_n3A_706 : vector<16xi32>
      %eq3A_708 = arith.constant 1 : i32
      %eq3A_709 = vector.broadcast %eq3A_708 : i32 to vector<16xi32>
      %eq3A_710 = arith.cmpi eq, %iota3A, %eq3A_709 : vector<16xi32>
      %jit3A_711 = arith.constant 0 : i32
      %broadcast_in_dim3A_712 = vector.broadcast %jit3A_711 : i32 to vector<16xi32>
      %select_n3A_713 = arith.select %eq3A_710, %masked_cumsum3A, %broadcast_in_dim3A_712 : vector<16xi1>, vector<16xi32>
      %reduce_sum3A_714 = arith.constant true
      %reduce_sum3A_715 = vector.broadcast %reduce_sum3A_714 : i1 to vector<16xi1>
      %reduce_sum3A_716 = tpu.scan <sum>, %select_n3A_713 masked %reduce_sum3A_715 : vector<16xi32>, vector<16xi1> -> vector<16xi32>
      %reduce_sum3A_717 = vector.extract %reduce_sum3A_716[15] : i32 from vector<16xi32>
      %ge3A_718 = vector.broadcast %reduce_sum3A_717 : i32 to vector<16xi32>
      %ge3A_719 = arith.cmpi sge, %mul3A_687, %ge3A_718 : vector<16xi32>
      %jit3A_720 = arith.constant 1 : i32
      %jit3A_721 = arith.constant 0 : i32
      %broadcast_in_dim3A_722 = vector.broadcast %jit3A_720 : i32 to vector<16xi32>
      %broadcast_in_dim3A_723 = vector.broadcast %jit3A_721 : i32 to vector<16xi32>
      %select_n3A_724 = arith.select %ge3A_719, %broadcast_in_dim3A_722, %broadcast_in_dim3A_723 : vector<16xi1>, vector<16xi32>
      %add3A_725 = arith.addi %add3A_707, %select_n3A_724 : vector<16xi32>
      %eq3A_726 = arith.constant 2 : i32
      %eq3A_727 = vector.broadcast %eq3A_726 : i32 to vector<16xi32>
      %eq3A_728 = arith.cmpi eq, %iota3A, %eq3A_727 : vector<16xi32>
      %jit3A_729 = arith.constant 0 : i32
      %broadcast_in_dim3A_730 = vector.broadcast %jit3A_729 : i32 to vector<16xi32>
      %select_n3A_731 = arith.select %eq3A_728, %masked_cumsum3A, %broadcast_in_dim3A_730 : vector<16xi1>, vector<16xi32>
      %reduce_sum3A_732 = arith.constant true
      %reduce_sum3A_733 = vector.broadcast %reduce_sum3A_732 : i1 to vector<16xi1>
      %reduce_sum3A_734 = tpu.scan <sum>, %select_n3A_731 masked %reduce_sum3A_733 : vector<16xi32>, vector<16xi1> -> vector<16xi32>
      %reduce_sum3A_735 = vector.extract %reduce_sum3A_734[15] : i32 from vector<16xi32>
      %ge3A_736 = vector.broadcast %reduce_sum3A_735 : i32 to vector<16xi32>
      %ge3A_737 = arith.cmpi sge, %mul3A_687, %ge3A_736 : vector<16xi32>
      %jit3A_738 = arith.constant 1 : i32
      %jit3A_739 = arith.constant 0 : i32
      %broadcast_in_dim3A_740 = vector.broadcast %jit3A_738 : i32 to vector<16xi32>
      %broadcast_in_dim3A_741 = vector.broadcast %jit3A_739 : i32 to vector<16xi32>
      %select_n3A_742 = arith.select %ge3A_737, %broadcast_in_dim3A_740, %broadcast_in_dim3A_741 : vector<16xi1>, vector<16xi32>
      %add3A_743 = arith.addi %add3A_725, %select_n3A_742 : vector<16xi32>
      %eq3A_744 = arith.constant 3 : i32
      %eq3A_745 = vector.broadcast %eq3A_744 : i32 to vector<16xi32>
      %eq3A_746 = arith.cmpi eq, %iota3A, %eq3A_745 : vector<16xi32>
      %jit3A_747 = arith.constant 0 : i32
      %broadcast_in_dim3A_748 = vector.broadcast %jit3A_747 : i32 to vector<16xi32>
      %select_n3A_749 = arith.select %eq3A_746, %masked_cumsum3A, %broadcast_in_dim3A_748 : vector<16xi1>, vector<16xi32>
      %reduce_sum3A_750 = arith.constant true
      %reduce_sum3A_751 = vector.broadcast %reduce_sum3A_750 : i1 to vector<16xi1>
      %reduce_sum3A_752 = tpu.scan <sum>, %select_n3A_749 masked %reduce_sum3A_751 : vector<16xi32>, vector<16xi1> -> vector<16xi32>
      %reduce_sum3A_753 = vector.extract %reduce_sum3A_752[15] : i32 from vector<16xi32>
      %ge3A_754 = vector.broadcast %reduce_sum3A_753 : i32 to vector<16xi32>
      %ge3A_755 = arith.cmpi sge, %mul3A_687, %ge3A_754 : vector<16xi32>
      %jit3A_756 = arith.constant 1 : i32
      %jit3A_757 = arith.constant 0 : i32
      %broadcast_in_dim3A_758 = vector.broadcast %jit3A_756 : i32 to vector<16xi32>
      %broadcast_in_dim3A_759 = vector.broadcast %jit3A_757 : i32 to vector<16xi32>
      %select_n3A_760 = arith.select %ge3A_755, %broadcast_in_dim3A_758, %broadcast_in_dim3A_759 : vector<16xi1>, vector<16xi32>
      %add3A_761 = arith.addi %add3A_743, %select_n3A_760 : vector<16xi32>
      %eq3A_762 = arith.constant 4 : i32
      %eq3A_763 = vector.broadcast %eq3A_762 : i32 to vector<16xi32>
      %eq3A_764 = arith.cmpi eq, %iota3A, %eq3A_763 : vector<16xi32>
      %jit3A_765 = arith.constant 0 : i32
      %broadcast_in_dim3A_766 = vector.broadcast %jit3A_765 : i32 to vector<16xi32>
      %select_n3A_767 = arith.select %eq3A_764, %masked_cumsum3A, %broadcast_in_dim3A_766 : vector<16xi1>, vector<16xi32>
      %reduce_sum3A_768 = arith.constant true
      %reduce_sum3A_769 = vector.broadcast %reduce_sum3A_768 : i1 to vector<16xi1>
      %reduce_sum3A_770 = tpu.scan <sum>, %select_n3A_767 masked %reduce_sum3A_769 : vector<16xi32>, vector<16xi1> -> vector<16xi32>
      %reduce_sum3A_771 = vector.extract %reduce_sum3A_770[15] : i32 from vector<16xi32>
      %ge3A_772 = vector.broadcast %reduce_sum3A_771 : i32 to vector<16xi32>
      %ge3A_773 = arith.cmpi sge, %mul3A_687, %ge3A_772 : vector<16xi32>
      %jit3A_774 = arith.constant 1 : i32
      %jit3A_775 = arith.constant 0 : i32
      %broadcast_in_dim3A_776 = vector.broadcast %jit3A_774 : i32 to vector<16xi32>
      %broadcast_in_dim3A_777 = vector.broadcast %jit3A_775 : i32 to vector<16xi32>
      %select_n3A_778 = arith.select %ge3A_773, %broadcast_in_dim3A_776, %broadcast_in_dim3A_777 : vector<16xi1>, vector<16xi32>
      %add3A_779 = arith.addi %add3A_761, %select_n3A_778 : vector<16xi32>
      %eq3A_780 = arith.constant 5 : i32
      %eq3A_781 = vector.broadcast %eq3A_780 : i32 to vector<16xi32>
      %eq3A_782 = arith.cmpi eq, %iota3A, %eq3A_781 : vector<16xi32>
      %jit3A_783 = arith.constant 0 : i32
      %broadcast_in_dim3A_784 = vector.broadcast %jit3A_783 : i32 to vector<16xi32>
      %select_n3A_785 = arith.select %eq3A_782, %masked_cumsum3A, %broadcast_in_dim3A_784 : vector<16xi1>, vector<16xi32>
      %reduce_sum3A_786 = arith.constant true
      %reduce_sum3A_787 = vector.broadcast %reduce_sum3A_786 : i1 to vector<16xi1>
      %reduce_sum3A_788 = tpu.scan <sum>, %select_n3A_785 masked %reduce_sum3A_787 : vector<16xi32>, vector<16xi1> -> vector<16xi32>
      %reduce_sum3A_789 = vector.extract %reduce_sum3A_788[15] : i32 from vector<16xi32>
      %ge3A_790 = vector.broadcast %reduce_sum3A_789 : i32 to vector<16xi32>
      %ge3A_791 = arith.cmpi sge, %mul3A_687, %ge3A_790 : vector<16xi32>
      %jit3A_792 = arith.constant 1 : i32
      %jit3A_793 = arith.constant 0 : i32
      %broadcast_in_dim3A_794 = vector.broadcast %jit3A_792 : i32 to vector<16xi32>
      %broadcast_in_dim3A_795 = vector.broadcast %jit3A_793 : i32 to vector<16xi32>
      %select_n3A_796 = arith.select %ge3A_791, %broadcast_in_dim3A_794, %broadcast_in_dim3A_795 : vector<16xi1>, vector<16xi32>
      %add3A_797 = arith.addi %add3A_779, %select_n3A_796 : vector<16xi32>
      %eq3A_798 = arith.constant 6 : i32
      %eq3A_799 = vector.broadcast %eq3A_798 : i32 to vector<16xi32>
      %eq3A_800 = arith.cmpi eq, %iota3A, %eq3A_799 : vector<16xi32>
      %jit3A_801 = arith.constant 0 : i32
      %broadcast_in_dim3A_802 = vector.broadcast %jit3A_801 : i32 to vector<16xi32>
      %select_n3A_803 = arith.select %eq3A_800, %masked_cumsum3A, %broadcast_in_dim3A_802 : vector<16xi1>, vector<16xi32>
      %reduce_sum3A_804 = arith.constant true
      %reduce_sum3A_805 = vector.broadcast %reduce_sum3A_804 : i1 to vector<16xi1>
      %reduce_sum3A_806 = tpu.scan <sum>, %select_n3A_803 masked %reduce_sum3A_805 : vector<16xi32>, vector<16xi1> -> vector<16xi32>
      %reduce_sum3A_807 = vector.extract %reduce_sum3A_806[15] : i32 from vector<16xi32>
      %ge3A_808 = vector.broadcast %reduce_sum3A_807 : i32 to vector<16xi32>
      %ge3A_809 = arith.cmpi sge, %mul3A_687, %ge3A_808 : vector<16xi32>
      %jit3A_810 = arith.constant 1 : i32
      %jit3A_811 = arith.constant 0 : i32
      %broadcast_in_dim3A_812 = vector.broadcast %jit3A_810 : i32 to vector<16xi32>
      %broadcast_in_dim3A_813 = vector.broadcast %jit3A_811 : i32 to vector<16xi32>
      %select_n3A_814 = arith.select %ge3A_809, %broadcast_in_dim3A_812, %broadcast_in_dim3A_813 : vector<16xi1>, vector<16xi32>
      %add3A_815 = arith.addi %add3A_797, %select_n3A_814 : vector<16xi32>
      %eq3A_816 = arith.constant 7 : i32
      %eq3A_817 = vector.broadcast %eq3A_816 : i32 to vector<16xi32>
      %eq3A_818 = arith.cmpi eq, %iota3A, %eq3A_817 : vector<16xi32>
      %jit3A_819 = arith.constant 0 : i32
      %broadcast_in_dim3A_820 = vector.broadcast %jit3A_819 : i32 to vector<16xi32>
      %select_n3A_821 = arith.select %eq3A_818, %masked_cumsum3A, %broadcast_in_dim3A_820 : vector<16xi1>, vector<16xi32>
      %reduce_sum3A_822 = arith.constant true
      %reduce_sum3A_823 = vector.broadcast %reduce_sum3A_822 : i1 to vector<16xi1>
      %reduce_sum3A_824 = tpu.scan <sum>, %select_n3A_821 masked %reduce_sum3A_823 : vector<16xi32>, vector<16xi1> -> vector<16xi32>
      %reduce_sum3A_825 = vector.extract %reduce_sum3A_824[15] : i32 from vector<16xi32>
      %ge3A_826 = vector.broadcast %reduce_sum3A_825 : i32 to vector<16xi32>
      %ge3A_827 = arith.cmpi sge, %mul3A_687, %ge3A_826 : vector<16xi32>
      %jit3A_828 = arith.constant 1 : i32
      %jit3A_829 = arith.constant 0 : i32
      %broadcast_in_dim3A_830 = vector.broadcast %jit3A_828 : i32 to vector<16xi32>
      %broadcast_in_dim3A_831 = vector.broadcast %jit3A_829 : i32 to vector<16xi32>
      %select_n3A_832 = arith.select %ge3A_827, %broadcast_in_dim3A_830, %broadcast_in_dim3A_831 : vector<16xi1>, vector<16xi32>
      %add3A_833 = arith.addi %add3A_815, %select_n3A_832 : vector<16xi32>
      %eq3A_834 = arith.constant 8 : i32
      %eq3A_835 = vector.broadcast %eq3A_834 : i32 to vector<16xi32>
      %eq3A_836 = arith.cmpi eq, %iota3A, %eq3A_835 : vector<16xi32>
      %jit3A_837 = arith.constant 0 : i32
      %broadcast_in_dim3A_838 = vector.broadcast %jit3A_837 : i32 to vector<16xi32>
      %select_n3A_839 = arith.select %eq3A_836, %masked_cumsum3A, %broadcast_in_dim3A_838 : vector<16xi1>, vector<16xi32>
      %reduce_sum3A_840 = arith.constant true
      %reduce_sum3A_841 = vector.broadcast %reduce_sum3A_840 : i1 to vector<16xi1>
      %reduce_sum3A_842 = tpu.scan <sum>, %select_n3A_839 masked %reduce_sum3A_841 : vector<16xi32>, vector<16xi1> -> vector<16xi32>
      %reduce_sum3A_843 = vector.extract %reduce_sum3A_842[15] : i32 from vector<16xi32>
      %ge3A_844 = vector.broadcast %reduce_sum3A_843 : i32 to vector<16xi32>
      %ge3A_845 = arith.cmpi sge, %mul3A_687, %ge3A_844 : vector<16xi32>
      %jit3A_846 = arith.constant 1 : i32
      %jit3A_847 = arith.constant 0 : i32
      %broadcast_in_dim3A_848 = vector.broadcast %jit3A_846 : i32 to vector<16xi32>
      %broadcast_in_dim3A_849 = vector.broadcast %jit3A_847 : i32 to vector<16xi32>
      %select_n3A_850 = arith.select %ge3A_845, %broadcast_in_dim3A_848, %broadcast_in_dim3A_849 : vector<16xi1>, vector<16xi32>
      %add3A_851 = arith.addi %add3A_833, %select_n3A_850 : vector<16xi32>
      %eq3A_852 = arith.constant 9 : i32
      %eq3A_853 = vector.broadcast %eq3A_852 : i32 to vector<16xi32>
      %eq3A_854 = arith.cmpi eq, %iota3A, %eq3A_853 : vector<16xi32>
      %jit3A_855 = arith.constant 0 : i32
      %broadcast_in_dim3A_856 = vector.broadcast %jit3A_855 : i32 to vector<16xi32>
      %select_n3A_857 = arith.select %eq3A_854, %masked_cumsum3A, %broadcast_in_dim3A_856 : vector<16xi1>, vector<16xi32>
      %reduce_sum3A_858 = arith.constant true
      %reduce_sum3A_859 = vector.broadcast %reduce_sum3A_858 : i1 to vector<16xi1>
      %reduce_sum3A_860 = tpu.scan <sum>, %select_n3A_857 masked %reduce_sum3A_859 : vector<16xi32>, vector<16xi1> -> vector<16xi32>
      %reduce_sum3A_861 = vector.extract %reduce_sum3A_860[15] : i32 from vector<16xi32>
      %ge3A_862 = vector.broadcast %reduce_sum3A_861 : i32 to vector<16xi32>
      %ge3A_863 = arith.cmpi sge, %mul3A_687, %ge3A_862 : vector<16xi32>
      %jit3A_864 = arith.constant 1 : i32
      %jit3A_865 = arith.constant 0 : i32
      %broadcast_in_dim3A_866 = vector.broadcast %jit3A_864 : i32 to vector<16xi32>
      %broadcast_in_dim3A_867 = vector.broadcast %jit3A_865 : i32 to vector<16xi32>
      %select_n3A_868 = arith.select %ge3A_863, %broadcast_in_dim3A_866, %broadcast_in_dim3A_867 : vector<16xi1>, vector<16xi32>
      %add3A_869 = arith.addi %add3A_851, %select_n3A_868 : vector<16xi32>
      %eq3A_870 = arith.constant 10 : i32
      %eq3A_871 = vector.broadcast %eq3A_870 : i32 to vector<16xi32>
      %eq3A_872 = arith.cmpi eq, %iota3A, %eq3A_871 : vector<16xi32>
      %jit3A_873 = arith.constant 0 : i32
      %broadcast_in_dim3A_874 = vector.broadcast %jit3A_873 : i32 to vector<16xi32>
      %select_n3A_875 = arith.select %eq3A_872, %masked_cumsum3A, %broadcast_in_dim3A_874 : vector<16xi1>, vector<16xi32>
      %reduce_sum3A_876 = arith.constant true
      %reduce_sum3A_877 = vector.broadcast %reduce_sum3A_876 : i1 to vector<16xi1>
      %reduce_sum3A_878 = tpu.scan <sum>, %select_n3A_875 masked %reduce_sum3A_877 : vector<16xi32>, vector<16xi1> -> vector<16xi32>
      %reduce_sum3A_879 = vector.extract %reduce_sum3A_878[15] : i32 from vector<16xi32>
      %ge3A_880 = vector.broadcast %reduce_sum3A_879 : i32 to vector<16xi32>
      %ge3A_881 = arith.cmpi sge, %mul3A_687, %ge3A_880 : vector<16xi32>
      %jit3A_882 = arith.constant 1 : i32
      %jit3A_883 = arith.constant 0 : i32
      %broadcast_in_dim3A_884 = vector.broadcast %jit3A_882 : i32 to vector<16xi32>
      %broadcast_in_dim3A_885 = vector.broadcast %jit3A_883 : i32 to vector<16xi32>
      %select_n3A_886 = arith.select %ge3A_881, %broadcast_in_dim3A_884, %broadcast_in_dim3A_885 : vector<16xi1>, vector<16xi32>
      %add3A_887 = arith.addi %add3A_869, %select_n3A_886 : vector<16xi32>
      %eq3A_888 = arith.constant 11 : i32
      %eq3A_889 = vector.broadcast %eq3A_888 : i32 to vector<16xi32>
      %eq3A_890 = arith.cmpi eq, %iota3A, %eq3A_889 : vector<16xi32>
      %jit3A_891 = arith.constant 0 : i32
      %broadcast_in_dim3A_892 = vector.broadcast %jit3A_891 : i32 to vector<16xi32>
      %select_n3A_893 = arith.select %eq3A_890, %masked_cumsum3A, %broadcast_in_dim3A_892 : vector<16xi1>, vector<16xi32>
      %reduce_sum3A_894 = arith.constant true
      %reduce_sum3A_895 = vector.broadcast %reduce_sum3A_894 : i1 to vector<16xi1>
      %reduce_sum3A_896 = tpu.scan <sum>, %select_n3A_893 masked %reduce_sum3A_895 : vector<16xi32>, vector<16xi1> -> vector<16xi32>
      %reduce_sum3A_897 = vector.extract %reduce_sum3A_896[15] : i32 from vector<16xi32>
      %ge3A_898 = vector.broadcast %reduce_sum3A_897 : i32 to vector<16xi32>
      %ge3A_899 = arith.cmpi sge, %mul3A_687, %ge3A_898 : vector<16xi32>
      %jit3A_900 = arith.constant 1 : i32
      %jit3A_901 = arith.constant 0 : i32
      %broadcast_in_dim3A_902 = vector.broadcast %jit3A_900 : i32 to vector<16xi32>
      %broadcast_in_dim3A_903 = vector.broadcast %jit3A_901 : i32 to vector<16xi32>
      %select_n3A_904 = arith.select %ge3A_899, %broadcast_in_dim3A_902, %broadcast_in_dim3A_903 : vector<16xi1>, vector<16xi32>
      %add3A_905 = arith.addi %add3A_887, %select_n3A_904 : vector<16xi32>
      %eq3A_906 = arith.constant 12 : i32
      %eq3A_907 = vector.broadcast %eq3A_906 : i32 to vector<16xi32>
      %eq3A_908 = arith.cmpi eq, %iota3A, %eq3A_907 : vector<16xi32>
      %jit3A_909 = arith.constant 0 : i32
      %broadcast_in_dim3A_910 = vector.broadcast %jit3A_909 : i32 to vector<16xi32>
      %select_n3A_911 = arith.select %eq3A_908, %masked_cumsum3A, %broadcast_in_dim3A_910 : vector<16xi1>, vector<16xi32>
      %reduce_sum3A_912 = arith.constant true
      %reduce_sum3A_913 = vector.broadcast %reduce_sum3A_912 : i1 to vector<16xi1>
      %reduce_sum3A_914 = tpu.scan <sum>, %select_n3A_911 masked %reduce_sum3A_913 : vector<16xi32>, vector<16xi1> -> vector<16xi32>
      %reduce_sum3A_915 = vector.extract %reduce_sum3A_914[15] : i32 from vector<16xi32>
      %ge3A_916 = vector.broadcast %reduce_sum3A_915 : i32 to vector<16xi32>
      %ge3A_917 = arith.cmpi sge, %mul3A_687, %ge3A_916 : vector<16xi32>
      %jit3A_918 = arith.constant 1 : i32
      %jit3A_919 = arith.constant 0 : i32
      %broadcast_in_dim3A_920 = vector.broadcast %jit3A_918 : i32 to vector<16xi32>
      %broadcast_in_dim3A_921 = vector.broadcast %jit3A_919 : i32 to vector<16xi32>
      %select_n3A_922 = arith.select %ge3A_917, %broadcast_in_dim3A_920, %broadcast_in_dim3A_921 : vector<16xi1>, vector<16xi32>
      %add3A_923 = arith.addi %add3A_905, %select_n3A_922 : vector<16xi32>
      %eq3A_924 = arith.constant 13 : i32
      %eq3A_925 = vector.broadcast %eq3A_924 : i32 to vector<16xi32>
      %eq3A_926 = arith.cmpi eq, %iota3A, %eq3A_925 : vector<16xi32>
      %jit3A_927 = arith.constant 0 : i32
      %broadcast_in_dim3A_928 = vector.broadcast %jit3A_927 : i32 to vector<16xi32>
      %select_n3A_929 = arith.select %eq3A_926, %masked_cumsum3A, %broadcast_in_dim3A_928 : vector<16xi1>, vector<16xi32>
      %reduce_sum3A_930 = arith.constant true
      %reduce_sum3A_931 = vector.broadcast %reduce_sum3A_930 : i1 to vector<16xi1>
      %reduce_sum3A_932 = tpu.scan <sum>, %select_n3A_929 masked %reduce_sum3A_931 : vector<16xi32>, vector<16xi1> -> vector<16xi32>
      %reduce_sum3A_933 = vector.extract %reduce_sum3A_932[15] : i32 from vector<16xi32>
      %ge3A_934 = vector.broadcast %reduce_sum3A_933 : i32 to vector<16xi32>
      %ge3A_935 = arith.cmpi sge, %mul3A_687, %ge3A_934 : vector<16xi32>
      %jit3A_936 = arith.constant 1 : i32
      %jit3A_937 = arith.constant 0 : i32
      %broadcast_in_dim3A_938 = vector.broadcast %jit3A_936 : i32 to vector<16xi32>
      %broadcast_in_dim3A_939 = vector.broadcast %jit3A_937 : i32 to vector<16xi32>
      %select_n3A_940 = arith.select %ge3A_935, %broadcast_in_dim3A_938, %broadcast_in_dim3A_939 : vector<16xi1>, vector<16xi32>
      %add3A_941 = arith.addi %add3A_923, %select_n3A_940 : vector<16xi32>
      %eq3A_942 = arith.constant 14 : i32
      %eq3A_943 = vector.broadcast %eq3A_942 : i32 to vector<16xi32>
      %eq3A_944 = arith.cmpi eq, %iota3A, %eq3A_943 : vector<16xi32>
      %jit3A_945 = arith.constant 0 : i32
      %broadcast_in_dim3A_946 = vector.broadcast %jit3A_945 : i32 to vector<16xi32>
      %select_n3A_947 = arith.select %eq3A_944, %masked_cumsum3A, %broadcast_in_dim3A_946 : vector<16xi1>, vector<16xi32>
      %reduce_sum3A_948 = arith.constant true
      %reduce_sum3A_949 = vector.broadcast %reduce_sum3A_948 : i1 to vector<16xi1>
      %reduce_sum3A_950 = tpu.scan <sum>, %select_n3A_947 masked %reduce_sum3A_949 : vector<16xi32>, vector<16xi1> -> vector<16xi32>
      %reduce_sum3A_951 = vector.extract %reduce_sum3A_950[15] : i32 from vector<16xi32>
      %ge3A_952 = vector.broadcast %reduce_sum3A_951 : i32 to vector<16xi32>
      %ge3A_953 = arith.cmpi sge, %mul3A_687, %ge3A_952 : vector<16xi32>
      %jit3A_954 = arith.constant 1 : i32
      %jit3A_955 = arith.constant 0 : i32
      %broadcast_in_dim3A_956 = vector.broadcast %jit3A_954 : i32 to vector<16xi32>
      %broadcast_in_dim3A_957 = vector.broadcast %jit3A_955 : i32 to vector<16xi32>
      %select_n3A_958 = arith.select %ge3A_953, %broadcast_in_dim3A_956, %broadcast_in_dim3A_957 : vector<16xi1>, vector<16xi32>
      %add3A_959 = arith.addi %add3A_941, %select_n3A_958 : vector<16xi32>
      %eq3A_960 = arith.constant 15 : i32
      %eq3A_961 = vector.broadcast %eq3A_960 : i32 to vector<16xi32>
      %eq3A_962 = arith.cmpi eq, %iota3A, %eq3A_961 : vector<16xi32>
      %jit3A_963 = arith.constant 0 : i32
      %broadcast_in_dim3A_964 = vector.broadcast %jit3A_963 : i32 to vector<16xi32>
      %select_n3A_965 = arith.select %eq3A_962, %masked_cumsum3A, %broadcast_in_dim3A_964 : vector<16xi1>, vector<16xi32>
      %reduce_sum3A_966 = arith.constant true
      %reduce_sum3A_967 = vector.broadcast %reduce_sum3A_966 : i1 to vector<16xi1>
      %reduce_sum3A_968 = tpu.scan <sum>, %select_n3A_965 masked %reduce_sum3A_967 : vector<16xi32>, vector<16xi1> -> vector<16xi32>
      %reduce_sum3A_969 = vector.extract %reduce_sum3A_968[15] : i32 from vector<16xi32>
      %ge3A_970 = vector.broadcast %reduce_sum3A_969 : i32 to vector<16xi32>
      %ge3A_971 = arith.cmpi sge, %mul3A_687, %ge3A_970 : vector<16xi32>
      %jit3A_972 = arith.constant 1 : i32
      %jit3A_973 = arith.constant 0 : i32
      %broadcast_in_dim3A_974 = vector.broadcast %jit3A_972 : i32 to vector<16xi32>
      %broadcast_in_dim3A_975 = vector.broadcast %jit3A_973 : i32 to vector<16xi32>
      %select_n3A_976 = arith.select %ge3A_971, %broadcast_in_dim3A_974, %broadcast_in_dim3A_975 : vector<16xi1>, vector<16xi32>
      %add3A_977 = arith.addi %add3A_959, %select_n3A_976 : vector<16xi32>
      %min3A_978 = arith.constant 15 : i32
      %min3A_979 = vector.broadcast %min3A_978 : i32 to vector<16xi32>
      %min3A_980 = arith.minsi %add3A_977, %min3A_979 : vector<16xi32>
      %swap3A_981 = arith.constant 32 : index
      %swap3A_982 = tpu.vector_load %arg12[%swap3A_981] {strides = array<i32>} : memref<48xi32, #tpu.memory_space<vmem>>, vector<16xi32>,
      tpu.vector_store %arg12[%swap3A_981], %min3A_980 {strides = array<i32>} : memref<48xi32, #tpu.memory_space<vmem>>, vector<16xi32>,
      "tpu.region"() ({
        %run_scoped3A = tpu.sem_alloc : memref<!tpu.dma_semaphore, #tpu.memory_space<semaphore_mem>>
        tpu.enqueue_dma source(%arg12 : memref<48xi32, #tpu.memory_space<vmem>>) target(%arg5 : memref<48xi32, #tpu.memory_space<hbm>>) target_semaphore(%run_scoped3A : memref<!tpu.dma_semaphore, #tpu.memory_space<semaphore_mem>>)
        tpu.wait_dma2 semaphore(%run_scoped3A : memref<!tpu.dma_semaphore, #tpu.memory_space<semaphore_mem>>) src(%arg12 : memref<48xi32, #tpu.memory_space<vmem>>) dst(%arg5 : memref<48xi32, #tpu.memory_space<hbm>>)
        tpu.yield
      }) : () -> ()
    } else {
    }
    %scan3A_62 = arith.constant 0 : i32
    %scan3A_63 = arith.constant 0 : i32
    %scan3A_64 = arith.constant 16 : i32
    %scan3A_65 = arith.addi %scan3A_63, %scan3A_64 : i32
    %scan3A_66 = arith.constant 1 : i32
    scf.for %scan3A_83 = %scan3A_63 to %scan3A_65 step %scan3A_66  : i32 {
      %mul3A_84 = arith.constant 16 : i32
      %mul3A_85 = arith.muli %scan3A_83, %mul3A_84 : i32
      %get3A = arith.index_cast %mul3A_85 : i32 to index
      %get3A_86 = tpu.vector_load %arg7[%get3A] {strides = array<i32>} : memref<256xi32, #tpu.memory_space<vmem>>, vector<16xi32>,
      %mul3A_87 = arith.constant 16 : i32
      %mul3A_88 = arith.muli %scan3A_83, %mul3A_87 : i32
      %add3A_89 = vector.broadcast %mul3A_88 : i32 to vector<16xi32>
      %add3A_90 = arith.addi %iota3A, %add3A_89 : vector<16xi32>
      %masked_sort3A = arith.constant dense<true> : vector<16xi1>
      %masked_sort3A_91 = arith.constant -2147483648 : i32
      %masked_sort3A_92 = vector.broadcast %masked_sort3A_91 : i32 to vector<16xi32>
      %masked_sort3A_93 = arith.xori %get3A_86, %masked_sort3A_92 : vector<16xi32>
      %masked_sort3A_94, %masked_sort3A_95, %masked_sort3A_96 = tpu.sort %masked_sort3A_93, %add3A_90 masked %masked_sort3A : (vector<16xi32>, vector<16xi32>, vector<16xi1>) -> (vector<16xi1>, vector<16xi32>, vector<16xi32>)
      %masked_sort3A_97 = arith.xori %masked_sort3A_95, %masked_sort3A_92 : vector<16xi32>
      %swap3A_98 = arith.constant 0 : index
      %swap3A_99 = tpu.vector_load %arg10[%swap3A_98] {strides = array<i32>} : memref<16xi32, #tpu.memory_space<vmem>>, vector<16xi32>,
      tpu.vector_store %arg10[%swap3A_98], %masked_sort3A_97 {strides = array<i32>} : memref<16xi32, #tpu.memory_space<vmem>>, vector<16xi32>,
      %sub3A_100 = arith.constant 1 : i32
      %sub3A_101 = vector.broadcast %sub3A_100 : i32 to vector<16xi32>
      %sub3A_102 = arith.subi %iota3A, %sub3A_101 : vector<16xi32>
      %max3A = arith.constant 0 : i32
      %max3A_103 = vector.broadcast %max3A : i32 to vector<16xi32>
      %max3A_104 = arith.maxsi %sub3A_102, %max3A_103 : vector<16xi32>
      %gather3A = tpu.vector_load_idx %arg10[%max3A_104] : memref<16xi32, #tpu.memory_space<vmem>>[vector<16xi32>], vector<16xi32>,
      %add3A_105 = arith.constant 1 : i32
      %add3A_106 = vector.broadcast %add3A_105 : i32 to vector<16xi32>
      %add3A_107 = arith.addi %iota3A, %add3A_106 : vector<16xi32>
      %min3A = arith.constant 15 : i32
      %min3A_108 = vector.broadcast %min3A : i32 to vector<16xi32>
      %min3A_109 = arith.minsi %add3A_107, %min3A_108 : vector<16xi32>
      %gather3A_110 = tpu.vector_load_idx %arg10[%min3A_109] : memref<16xi32, #tpu.memory_space<vmem>>[vector<16xi32>], vector<16xi32>,
      %eq3A_111 = arith.constant 0 : i32
      %eq3A_112 = vector.broadcast %eq3A_111 : i32 to vector<16xi32>
      %eq3A_113 = arith.cmpi eq, %iota3A, %eq3A_112 : vector<16xi32>
      %ne3A_114 = arith.cmpi ne, %masked_sort3A_97, %gather3A : vector<16xi32>
      %or3A = arith.ori %eq3A_113, %ne3A_114 : vector<16xi1>
      %eq3A_115 = arith.constant 15 : i32
      %eq3A_116 = vector.broadcast %eq3A_115 : i32 to vector<16xi32>
      %eq3A_117 = arith.cmpi eq, %iota3A, %eq3A_116 : vector<16xi32>
      %ne3A_118 = arith.cmpi ne, %masked_sort3A_97, %gather3A_110 : vector<16xi32>
      %or3A_119 = arith.ori %eq3A_117, %ne3A_118 : vector<16xi1>
      %jit3A_120 = arith.constant 0 : i32
      %broadcast_in_dim3A_121 = vector.broadcast %jit3A_120 : i32 to vector<16xi32>
      %select_n3A_122 = arith.select %or3A, %iota3A, %broadcast_in_dim3A_121 : vector<16xi1>, vector<16xi32>
      %broadcast_in_dim3A_123 = arith.constant true
      %broadcast_in_dim3A_124 = vector.broadcast %broadcast_in_dim3A_123 : i1 to vector<16xi1>
      %masked_cummax3A = arith.constant -2147483648 : i32
      %masked_cummax3A_125 = vector.broadcast %masked_cummax3A : i32 to vector<16xi32>
      %masked_cummax3A_126 = arith.xori %select_n3A_122, %masked_cummax3A_125 : vector<16xi32>
      %masked_cummax3A_127 = tpu.scan <max>, %masked_cummax3A_126 masked %broadcast_in_dim3A_124 : vector<16xi32>, vector<16xi1> -> vector<16xi32>
      %masked_cummax3A_128 = arith.xori %masked_cummax3A_127, %masked_cummax3A_125 : vector<16xi32>
      %sub3A_129 = arith.subi %iota3A, %masked_cummax3A_128 : vector<16xi32>
      %gather3A_130 = tpu.vector_load_idx %arg9[%masked_sort3A_97] : memref<16xi32, #tpu.memory_space<vmem>>[vector<16xi32>], vector<16xi32>,
      %add3A_131 = arith.addi %gather3A_130, %sub3A_129 : vector<16xi32>
      %jit3A_132 = arith.constant 64 : i32
      %div3A_133 = vector.broadcast %jit3A_132 : i32 to vector<16xi32>
      %div3A_134 = arith.divsi %masked_sort3A_96, %div3A_133 : vector<16xi32>
      %sign3A_135 = arith.constant 0 : i32
      %sign3A_136 = vector.broadcast %sign3A_135 : i32 to vector<16xi32>
      %sign3A_137 = arith.cmpi sgt, %masked_sort3A_96, %sign3A_136 : vector<16xi32>
      %sign3A_138 = arith.extui %sign3A_137 : vector<16xi1> to vector<16xi32>
      %sign3A_139 = arith.constant 0 : i32
      %sign3A_140 = vector.broadcast %sign3A_139 : i32 to vector<16xi32>
      %sign3A_141 = arith.cmpi slt, %masked_sort3A_96, %sign3A_140 : vector<16xi32>
      %sign3A_142 = arith.extui %sign3A_141 : vector<16xi1> to vector<16xi32>
      %sign3A_143 = arith.subi %sign3A_138, %sign3A_142 : vector<16xi32>
      %sign3A_144 = arith.constant 0 : i32
      %sign3A_145 = arith.cmpi sgt, %jit3A_132, %sign3A_144 : i32
      %sign3A_146 = arith.extui %sign3A_145 : i1 to i32
      %sign3A_147 = arith.constant 0 : i32
      %sign3A_148 = arith.cmpi slt, %jit3A_132, %sign3A_147 : i32
      %sign3A_149 = arith.extui %sign3A_148 : i1 to i32
      %sign3A_150 = arith.subi %sign3A_146, %sign3A_149 : i32
      %ne3A_151 = vector.broadcast %sign3A_150 : i32 to vector<16xi32>
      %ne3A_152 = arith.cmpi ne, %sign3A_143, %ne3A_151 : vector<16xi32>
      %rem3A_153 = vector.broadcast %jit3A_132 : i32 to vector<16xi32>
      %rem3A_154 = arith.remsi %masked_sort3A_96, %rem3A_153 : vector<16xi32>
      %ne3A_155 = arith.constant 0 : i32
      %ne3A_156 = vector.broadcast %ne3A_155 : i32 to vector<16xi32>
      %ne3A_157 = arith.cmpi ne, %rem3A_154, %ne3A_156 : vector<16xi32>
      %and3A_158 = arith.andi %ne3A_152, %ne3A_157 : vector<16xi1>
      %sub3A_159 = arith.constant 1 : i32
      %sub3A_160 = vector.broadcast %sub3A_159 : i32 to vector<16xi32>
      %sub3A_161 = arith.subi %div3A_134, %sub3A_160 : vector<16xi32>
      %select_n3A_162 = arith.select %and3A_158, %sub3A_161, %div3A_134 : vector<16xi1>, vector<16xi32>
      %jit3A_163 = arith.constant 64 : i32
      %eq3A_164 = arith.constant 0 : i32
      %eq3A_165 = arith.cmpi eq, %jit3A_163, %eq3A_164 : i32
      %jit3A_166 = arith.constant 1 : i32
      %select_n3A_167 = arith.select %eq3A_165, %jit3A_166, %jit3A_163 : i32
      %rem3A_168 = vector.broadcast %select_n3A_167 : i32 to vector<16xi32>
      %rem3A_169 = arith.remsi %masked_sort3A_96, %rem3A_168 : vector<16xi32>
      %ne3A_170 = arith.constant 0 : i32
      %ne3A_171 = vector.broadcast %ne3A_170 : i32 to vector<16xi32>
      %ne3A_172 = arith.cmpi ne, %rem3A_169, %ne3A_171 : vector<16xi32>
      %lt3A = arith.constant 0 : i32
      %lt3A_173 = vector.broadcast %lt3A : i32 to vector<16xi32>
      %lt3A_174 = arith.cmpi slt, %rem3A_169, %lt3A_173 : vector<16xi32>
      %lt3A_175 = arith.constant 0 : i32
      %lt3A_176 = arith.cmpi slt, %select_n3A_167, %lt3A_175 : i32
      %ne3A_177 = vector.broadcast %lt3A_176 : i1 to vector<16xi1>
      %ne3A_178 = vector.broadcast %ne3A_177 : vector<16xi1> to vector<16xi1>
      %ne3A_179 = arith.xori %lt3A_174, %ne3A_178 : vector<16xi1>
      %and3A_180 = arith.andi %ne3A_179, %ne3A_172 : vector<16xi1>
      %add3A_181 = vector.broadcast %select_n3A_167 : i32 to vector<16xi32>
      %add3A_182 = arith.addi %rem3A_169, %add3A_181 : vector<16xi32>
      %select_n3A_183 = arith.select %and3A_180, %add3A_182, %rem3A_169 : vector<16xi1>, vector<16xi32>
      tpu.vector_store_idx %arg8[%select_n3A_162, %select_n3A_183], %add3A_131 : memref<4x64xi32, #tpu.memory_space<vmem>>[vector<16xi32>, vector<16xi32>], vector<16xi32>,
      %add3A_184 = arith.constant 1 : i32
      %add3A_185 = vector.broadcast %add3A_184 : i32 to vector<16xi32>
      %add3A_186 = arith.addi %add3A_131, %add3A_185 : vector<16xi32>
      tpu.vector_store_idx %arg9[%masked_sort3A_97], %add3A_186 masked %or3A_119 : memref<16xi32, #tpu.memory_space<vmem>>[vector<16xi32>], vector<16xi32>, vector<16xi1>
    }
    %scan3A_67 = arith.constant 16 : i32
    %eq3A_68 = arith.constant 0 : i32
    %eq3A_69 = arith.cmpi eq, %arg0, %eq3A_68 : i32
    %convert_element_type3A_70 = arith.extui %eq3A_69 : i1 to i32
    %cond3A_71 = arith.constant 0 : i32
    %cond3A_72 = arith.cmpi ne, %convert_element_type3A_70, %cond3A_71 : i32
    scf.if %cond3A_72 {
      %mul3A_83 = arith.constant 256 : i32
      %mul3A_84 = arith.muli %arg1, %mul3A_83 : i32
      %add3A_85 = arith.constant 0 : i32
      %add3A_86 = arith.addi %mul3A_84, %add3A_85 : i32
      %run_scoped3A = arith.constant 0 : i32
      "tpu.region"() ({
        %run_scoped3A_102 = tpu.sem_alloc : memref<!tpu.dma_semaphore, #tpu.memory_space<semaphore_mem>>
        %dma_start3A = arith.constant 0 : i32
        %dma_start3A_103 = tpu.memref_slice %arg8[%run_scoped3A, %dma_start3A] : memref<4x64xi32, #tpu.memory_space<vmem>> -> memref<1x64xi32, #tpu.memory_space<vmem>>
        %dma_start3A_104 = tpu.memref_squeeze %dma_start3A_103 : memref<1x64xi32, #tpu.memory_space<vmem>> -> memref<64xi32, #tpu.memory_space<vmem>>
        %dma_start3A_105 = tpu.memref_slice %arg4[%add3A_86] : memref<4096xi32, #tpu.memory_space<hbm>> -> memref<64xi32, #tpu.memory_space<hbm>>
        %dma_start3A_106 = tpu.memref_slice %arg4[%add3A_86] : memref<4096xi32, #tpu.memory_space<hbm>> -> memref<64xi32, #tpu.memory_space<hbm>>
        %dma_start3A_107 = arith.constant 0 : i32
        %dma_start3A_108 = tpu.memref_slice %arg8[%run_scoped3A, %dma_start3A_107] : memref<4x64xi32, #tpu.memory_space<vmem>> -> memref<1x64xi32, #tpu.memory_space<vmem>>
        %dma_start3A_109 = tpu.memref_squeeze %dma_start3A_108 : memref<1x64xi32, #tpu.memory_space<vmem>> -> memref<64xi32, #tpu.memory_space<vmem>>
        tpu.enqueue_dma source(%dma_start3A_109 : memref<64xi32, #tpu.memory_space<vmem>>) target(%dma_start3A_106 : memref<64xi32, #tpu.memory_space<hbm>>) target_semaphore(%run_scoped3A_102 : memref<!tpu.dma_semaphore, #tpu.memory_space<semaphore_mem>>)
        %dma_wait3A = arith.constant 0 : i32
        %dma_wait3A_110 = tpu.memref_slice %arg8[%run_scoped3A, %dma_wait3A] : memref<4x64xi32, #tpu.memory_space<vmem>> -> memref<1x64xi32, #tpu.memory_space<vmem>>
        %dma_wait3A_111 = tpu.memref_squeeze %dma_wait3A_110 : memref<1x64xi32, #tpu.memory_space<vmem>> -> memref<64xi32, #tpu.memory_space<vmem>>
        %dma_wait3A_112 = tpu.memref_slice %arg4[%add3A_86] : memref<4096xi32, #tpu.memory_space<hbm>> -> memref<64xi32, #tpu.memory_space<hbm>>
        %dma_wait3A_113 = tpu.memref_slice %arg4[%add3A_86] : memref<4096xi32, #tpu.memory_space<hbm>> -> memref<64xi32, #tpu.memory_space<hbm>>
        %dma_wait3A_114 = arith.constant 0 : i32
        %dma_wait3A_115 = tpu.memref_slice %arg8[%run_scoped3A, %dma_wait3A_114] : memref<4x64xi32, #tpu.memory_space<vmem>> -> memref<1x64xi32, #tpu.memory_space<vmem>>
        %dma_wait3A_116 = tpu.memref_squeeze %dma_wait3A_115 : memref<1x64xi32, #tpu.memory_space<vmem>> -> memref<64xi32, #tpu.memory_space<vmem>>
        tpu.wait_dma2 semaphore(%run_scoped3A_102 : memref<!tpu.dma_semaphore, #tpu.memory_space<semaphore_mem>>) src(%dma_wait3A_116 : memref<64xi32, #tpu.memory_space<vmem>>) dst(%dma_wait3A_113 : memref<64xi32, #tpu.memory_space<hbm>>)
        tpu.yield
      }) : () -> ()
      %mul3A_87 = arith.constant 256 : i32
      %mul3A_88 = arith.muli %arg1, %mul3A_87 : i32
      %add3A_89 = arith.constant 64 : i32
      %add3A_90 = arith.addi %mul3A_88, %add3A_89 : i32
      %run_scoped3A_91 = arith.constant 1 : i32
      "tpu.region"() ({
        %run_scoped3A_102 = tpu.sem_alloc : memref<!tpu.dma_semaphore, #tpu.memory_space<semaphore_mem>>
        %dma_start3A = arith.constant 0 : i32
        %dma_start3A_103 = tpu.memref_slice %arg8[%run_scoped3A_91, %dma_start3A] : memref<4x64xi32, #tpu.memory_space<vmem>> -> memref<1x64xi32, #tpu.memory_space<vmem>>
        %dma_start3A_104 = tpu.memref_squeeze %dma_start3A_103 : memref<1x64xi32, #tpu.memory_space<vmem>> -> memref<64xi32, #tpu.memory_space<vmem>>
        %dma_start3A_105 = tpu.memref_slice %arg4[%add3A_90] : memref<4096xi32, #tpu.memory_space<hbm>> -> memref<64xi32, #tpu.memory_space<hbm>>
        %dma_start3A_106 = tpu.memref_slice %arg4[%add3A_90] : memref<4096xi32, #tpu.memory_space<hbm>> -> memref<64xi32, #tpu.memory_space<hbm>>
        %dma_start3A_107 = arith.constant 0 : i32
        %dma_start3A_108 = tpu.memref_slice %arg8[%run_scoped3A_91, %dma_start3A_107] : memref<4x64xi32, #tpu.memory_space<vmem>> -> memref<1x64xi32, #tpu.memory_space<vmem>>
        %dma_start3A_109 = tpu.memref_squeeze %dma_start3A_108 : memref<1x64xi32, #tpu.memory_space<vmem>> -> memref<64xi32, #tpu.memory_space<vmem>>
        tpu.enqueue_dma source(%dma_start3A_109 : memref<64xi32, #tpu.memory_space<vmem>>) target(%dma_start3A_106 : memref<64xi32, #tpu.memory_space<hbm>>) target_semaphore(%run_scoped3A_102 : memref<!tpu.dma_semaphore, #tpu.memory_space<semaphore_mem>>)
        %dma_wait3A = arith.constant 0 : i32
        %dma_wait3A_110 = tpu.memref_slice %arg8[%run_scoped3A_91, %dma_wait3A] : memref<4x64xi32, #tpu.memory_space<vmem>> -> memref<1x64xi32, #tpu.memory_space<vmem>>
        %dma_wait3A_111 = tpu.memref_squeeze %dma_wait3A_110 : memref<1x64xi32, #tpu.memory_space<vmem>> -> memref<64xi32, #tpu.memory_space<vmem>>
        %dma_wait3A_112 = tpu.memref_slice %arg4[%add3A_90] : memref<4096xi32, #tpu.memory_space<hbm>> -> memref<64xi32, #tpu.memory_space<hbm>>
        %dma_wait3A_113 = tpu.memref_slice %arg4[%add3A_90] : memref<4096xi32, #tpu.memory_space<hbm>> -> memref<64xi32, #tpu.memory_space<hbm>>
        %dma_wait3A_114 = arith.constant 0 : i32
        %dma_wait3A_115 = tpu.memref_slice %arg8[%run_scoped3A_91, %dma_wait3A_114] : memref<4x64xi32, #tpu.memory_space<vmem>> -> memref<1x64xi32, #tpu.memory_space<vmem>>
        %dma_wait3A_116 = tpu.memref_squeeze %dma_wait3A_115 : memref<1x64xi32, #tpu.memory_space<vmem>> -> memref<64xi32, #tpu.memory_space<vmem>>
        tpu.wait_dma2 semaphore(%run_scoped3A_102 : memref<!tpu.dma_semaphore, #tpu.memory_space<semaphore_mem>>) src(%dma_wait3A_116 : memref<64xi32, #tpu.memory_space<vmem>>) dst(%dma_wait3A_113 : memref<64xi32, #tpu.memory_space<hbm>>)
        tpu.yield
      }) : () -> ()
      %mul3A_92 = arith.constant 256 : i32
      %mul3A_93 = arith.muli %arg1, %mul3A_92 : i32
      %add3A_94 = arith.constant 128 : i32
      %add3A_95 = arith.addi %mul3A_93, %add3A_94 : i32
      %run_scoped3A_96 = arith.constant 2 : i32
      "tpu.region"() ({
        %run_scoped3A_102 = tpu.sem_alloc : memref<!tpu.dma_semaphore, #tpu.memory_space<semaphore_mem>>
        %dma_start3A = arith.constant 0 : i32
        %dma_start3A_103 = tpu.memref_slice %arg8[%run_scoped3A_96, %dma_start3A] : memref<4x64xi32, #tpu.memory_space<vmem>> -> memref<1x64xi32, #tpu.memory_space<vmem>>
        %dma_start3A_104 = tpu.memref_squeeze %dma_start3A_103 : memref<1x64xi32, #tpu.memory_space<vmem>> -> memref<64xi32, #tpu.memory_space<vmem>>
        %dma_start3A_105 = tpu.memref_slice %arg4[%add3A_95] : memref<4096xi32, #tpu.memory_space<hbm>> -> memref<64xi32, #tpu.memory_space<hbm>>
        %dma_start3A_106 = tpu.memref_slice %arg4[%add3A_95] : memref<4096xi32, #tpu.memory_space<hbm>> -> memref<64xi32, #tpu.memory_space<hbm>>
        %dma_start3A_107 = arith.constant 0 : i32
        %dma_start3A_108 = tpu.memref_slice %arg8[%run_scoped3A_96, %dma_start3A_107] : memref<4x64xi32, #tpu.memory_space<vmem>> -> memref<1x64xi32, #tpu.memory_space<vmem>>
        %dma_start3A_109 = tpu.memref_squeeze %dma_start3A_108 : memref<1x64xi32, #tpu.memory_space<vmem>> -> memref<64xi32, #tpu.memory_space<vmem>>
        tpu.enqueue_dma source(%dma_start3A_109 : memref<64xi32, #tpu.memory_space<vmem>>) target(%dma_start3A_106 : memref<64xi32, #tpu.memory_space<hbm>>) target_semaphore(%run_scoped3A_102 : memref<!tpu.dma_semaphore, #tpu.memory_space<semaphore_mem>>)
        %dma_wait3A = arith.constant 0 : i32
        %dma_wait3A_110 = tpu.memref_slice %arg8[%run_scoped3A_96, %dma_wait3A] : memref<4x64xi32, #tpu.memory_space<vmem>> -> memref<1x64xi32, #tpu.memory_space<vmem>>
        %dma_wait3A_111 = tpu.memref_squeeze %dma_wait3A_110 : memref<1x64xi32, #tpu.memory_space<vmem>> -> memref<64xi32, #tpu.memory_space<vmem>>
        %dma_wait3A_112 = tpu.memref_slice %arg4[%add3A_95] : memref<4096xi32, #tpu.memory_space<hbm>> -> memref<64xi32, #tpu.memory_space<hbm>>
        %dma_wait3A_113 = tpu.memref_slice %arg4[%add3A_95] : memref<4096xi32, #tpu.memory_space<hbm>> -> memref<64xi32, #tpu.memory_space<hbm>>
        %dma_wait3A_114 = arith.constant 0 : i32
        %dma_wait3A_115 = tpu.memref_slice %arg8[%run_scoped3A_96, %dma_wait3A_114] : memref<4x64xi32, #tpu.memory_space<vmem>> -> memref<1x64xi32, #tpu.memory_space<vmem>>
        %dma_wait3A_116 = tpu.memref_squeeze %dma_wait3A_115 : memref<1x64xi32, #tpu.memory_space<vmem>> -> memref<64xi32, #tpu.memory_space<vmem>>
        tpu.wait_dma2 semaphore(%run_scoped3A_102 : memref<!tpu.dma_semaphore, #tpu.memory_space<semaphore_mem>>) src(%dma_wait3A_116 : memref<64xi32, #tpu.memory_space<vmem>>) dst(%dma_wait3A_113 : memref<64xi32, #tpu.memory_space<hbm>>)
        tpu.yield
      }) : () -> ()
      %mul3A_97 = arith.constant 256 : i32
      %mul3A_98 = arith.muli %arg1, %mul3A_97 : i32
      %add3A_99 = arith.constant 192 : i32
      %add3A_100 = arith.addi %mul3A_98, %add3A_99 : i32
      %run_scoped3A_101 = arith.constant 3 : i32
      "tpu.region"() ({
        %run_scoped3A_102 = tpu.sem_alloc : memref<!tpu.dma_semaphore, #tpu.memory_space<semaphore_mem>>
        %dma_start3A = arith.constant 0 : i32
        %dma_start3A_103 = tpu.memref_slice %arg8[%run_scoped3A_101, %dma_start3A] : memref<4x64xi32, #tpu.memory_space<vmem>> -> memref<1x64xi32, #tpu.memory_space<vmem>>
        %dma_start3A_104 = tpu.memref_squeeze %dma_start3A_103 : memref<1x64xi32, #tpu.memory_space<vmem>> -> memref<64xi32, #tpu.memory_space<vmem>>
        %dma_start3A_105 = tpu.memref_slice %arg4[%add3A_100] : memref<4096xi32, #tpu.memory_space<hbm>> -> memref<64xi32, #tpu.memory_space<hbm>>
        %dma_start3A_106 = tpu.memref_slice %arg4[%add3A_100] : memref<4096xi32, #tpu.memory_space<hbm>> -> memref<64xi32, #tpu.memory_space<hbm>>
        %dma_start3A_107 = arith.constant 0 : i32
        %dma_start3A_108 = tpu.memref_slice %arg8[%run_scoped3A_101, %dma_start3A_107] : memref<4x64xi32, #tpu.memory_space<vmem>> -> memref<1x64xi32, #tpu.memory_space<vmem>>
        %dma_start3A_109 = tpu.memref_squeeze %dma_start3A_108 : memref<1x64xi32, #tpu.memory_space<vmem>> -> memref<64xi32, #tpu.memory_space<vmem>>
        tpu.enqueue_dma source(%dma_start3A_109 : memref<64xi32, #tpu.memory_space<vmem>>) target(%dma_start3A_106 : memref<64xi32, #tpu.memory_space<hbm>>) target_semaphore(%run_scoped3A_102 : memref<!tpu.dma_semaphore, #tpu.memory_space<semaphore_mem>>)
        %dma_wait3A = arith.constant 0 : i32
        %dma_wait3A_110 = tpu.memref_slice %arg8[%run_scoped3A_101, %dma_wait3A] : memref<4x64xi32, #tpu.memory_space<vmem>> -> memref<1x64xi32, #tpu.memory_space<vmem>>
        %dma_wait3A_111 = tpu.memref_squeeze %dma_wait3A_110 : memref<1x64xi32, #tpu.memory_space<vmem>> -> memref<64xi32, #tpu.memory_space<vmem>>
        %dma_wait3A_112 = tpu.memref_slice %arg4[%add3A_100] : memref<4096xi32, #tpu.memory_space<hbm>> -> memref<64xi32, #tpu.memory_space<hbm>>
        %dma_wait3A_113 = tpu.memref_slice %arg4[%add3A_100] : memref<4096xi32, #tpu.memory_space<hbm>> -> memref<64xi32, #tpu.memory_space<hbm>>
        %dma_wait3A_114 = arith.constant 0 : i32
        %dma_wait3A_115 = tpu.memref_slice %arg8[%run_scoped3A_101, %dma_wait3A_114] : memref<4x64xi32, #tpu.memory_space<vmem>> -> memref<1x64xi32, #tpu.memory_space<vmem>>
        %dma_wait3A_116 = tpu.memref_squeeze %dma_wait3A_115 : memref<1x64xi32, #tpu.memory_space<vmem>> -> memref<64xi32, #tpu.memory_space<vmem>>
        tpu.wait_dma2 semaphore(%run_scoped3A_102 : memref<!tpu.dma_semaphore, #tpu.memory_space<semaphore_mem>>) src(%dma_wait3A_116 : memref<64xi32, #tpu.memory_space<vmem>>) dst(%dma_wait3A_113 : memref<64xi32, #tpu.memory_space<hbm>>)
        tpu.yield
      }) : () -> ()
    } else {
    }
    %eq3A_73 = arith.constant 0 : i32
    %eq3A_74 = arith.cmpi eq, %arg0, %eq3A_73 : i32
    %convert_element_type3A_75 = arith.extui %eq3A_74 : i1 to i32
    %cond3A_76 = arith.constant 0 : i32
    %cond3A_77 = arith.cmpi ne, %convert_element_type3A_75, %cond3A_76 : i32
    scf.if %cond3A_77 {
      %mul3A_83 = arith.constant 256 : i32
      %mul3A_84 = arith.muli %arg1, %mul3A_83 : i32
      %add3A_85 = arith.constant 0 : i32
      %add3A_86 = arith.addi %mul3A_84, %add3A_85 : i32
      "tpu.region"() ({
        %run_scoped3A = tpu.sem_alloc : memref<!tpu.dma_semaphore, #tpu.memory_space<semaphore_mem>>
        %dma_start3A_117 = arith.constant 0 : i32
        %dma_start3A_118 = tpu.memref_slice %arg3[%add3A_86, %dma_start3A_117] : memref<4096x1024xf32, #tpu.memory_space<hbm>> -> memref<64x1024xf32, #tpu.memory_space<hbm>>
        %dma_start3A_119 = arith.constant 0 : i32
        %dma_start3A_120 = tpu.memref_slice %arg3[%add3A_86, %dma_start3A_119] : memref<4096x1024xf32, #tpu.memory_space<hbm>> -> memref<64x1024xf32, #tpu.memory_space<hbm>>
        tpu.enqueue_dma source(%dma_start3A_120 : memref<64x1024xf32, #tpu.memory_space<hbm>>) target(%arg13 : memref<64x1024xf32, #tpu.memory_space<vmem>>) target_semaphore(%run_scoped3A : memref<!tpu.dma_semaphore, #tpu.memory_space<semaphore_mem>>)
        %dma_wait3A_121 = arith.constant 0 : i32
        %dma_wait3A_122 = tpu.memref_slice %arg3[%add3A_86, %dma_wait3A_121] : memref<4096x1024xf32, #tpu.memory_space<hbm>> -> memref<64x1024xf32, #tpu.memory_space<hbm>>
        %dma_wait3A_123 = arith.constant 0 : i32
        %dma_wait3A_124 = tpu.memref_slice %arg3[%add3A_86, %dma_wait3A_123] : memref<4096x1024xf32, #tpu.memory_space<hbm>> -> memref<64x1024xf32, #tpu.memory_space<hbm>>
        tpu.wait_dma2 semaphore(%run_scoped3A : memref<!tpu.dma_semaphore, #tpu.memory_space<semaphore_mem>>) src(%dma_wait3A_124 : memref<64x1024xf32, #tpu.memory_space<hbm>>) dst(%arg13 : memref<64x1024xf32, #tpu.memory_space<vmem>>)
        tpu.yield
      }) : () -> ()
      %dma_start3A = arith.constant 0 : i32
      %dma_start3A_87 = arith.constant 0 : i32
      %dma_start3A_88 = tpu.memref_slice %arg8[%dma_start3A, %dma_start3A_87] : memref<4x64xi32, #tpu.memory_space<vmem>> -> memref<1x64xi32, #tpu.memory_space<vmem>>
      %dma_start3A_89 = tpu.memref_squeeze %dma_start3A_88 : memref<1x64xi32, #tpu.memory_space<vmem>> -> memref<64xi32, #tpu.memory_space<vmem>>
      %dma_start3A_90 = arith.constant 0 : i32
      %dma_start3A_91 = arith.constant 0 : i32
      %dma_start3A_92 = tpu.memref_slice %arg6[%dma_start3A_90, %dma_start3A_91] : memref<6144x1024xf32, #tpu.memory_space<hbm>> -> memref<6144x1024xf32, #tpu.memory_space<hbm>>
      tpu.enqueue_indirect_dma source(%arg13 : memref<64x1024xf32, #tpu.memory_space<vmem>>) target(%dma_start3A_92 : memref<6144x1024xf32, #tpu.memory_space<hbm>>) offsets(%dma_start3A_89 : memref<64xi32, #tpu.memory_space<vmem>>) semaphore(%arg16 : memref<!tpu.dma_semaphore, #tpu.memory_space<semaphore_mem>>)
      %dma_wait3A = arith.constant 0 : i32
      %dma_wait3A_93 = arith.constant 0 : i32
      %dma_wait3A_94 = tpu.memref_slice %arg8[%dma_wait3A, %dma_wait3A_93] : memref<4x64xi32, #tpu.memory_space<vmem>> -> memref<1x64xi32, #tpu.memory_space<vmem>>
      %dma_wait3A_95 = tpu.memref_squeeze %dma_wait3A_94 : memref<1x64xi32, #tpu.memory_space<vmem>> -> memref<64xi32, #tpu.memory_space<vmem>>
      %dma_wait3A_96 = arith.constant 0 : i32
      %dma_wait3A_97 = arith.constant 0 : i32
      %dma_wait3A_98 = tpu.memref_slice %arg6[%dma_wait3A_96, %dma_wait3A_97] : memref<6144x1024xf32, #tpu.memory_space<hbm>> -> memref<6144x1024xf32, #tpu.memory_space<hbm>>
      tpu.wait_indirect_dma semaphore(%arg16 : memref<!tpu.dma_semaphore, #tpu.memory_space<semaphore_mem>>) src(%arg13 : memref<64x1024xf32, #tpu.memory_space<vmem>>) dst(%dma_wait3A_98 : memref<6144x1024xf32, #tpu.memory_space<hbm>>)
      %mul3A_99 = arith.constant 256 : i32
      %mul3A_100 = arith.muli %arg1, %mul3A_99 : i32
      %add3A_101 = arith.constant 64 : i32
      %add3A_102 = arith.addi %mul3A_100, %add3A_101 : i32
      "tpu.region"() ({
        %run_scoped3A = tpu.sem_alloc : memref<!tpu.dma_semaphore, #tpu.memory_space<semaphore_mem>>
        %dma_start3A_117 = arith.constant 0 : i32
        %dma_start3A_118 = tpu.memref_slice %arg3[%add3A_102, %dma_start3A_117] : memref<4096x1024xf32, #tpu.memory_space<hbm>> -> memref<64x1024xf32, #tpu.memory_space<hbm>>
        %dma_start3A_119 = arith.constant 0 : i32
        %dma_start3A_120 = tpu.memref_slice %arg3[%add3A_102, %dma_start3A_119] : memref<4096x1024xf32, #tpu.memory_space<hbm>> -> memref<64x1024xf32, #tpu.memory_space<hbm>>
        tpu.enqueue_dma source(%dma_start3A_120 : memref<64x1024xf32, #tpu.memory_space<hbm>>) target(%arg13 : memref<64x1024xf32, #tpu.memory_space<vmem>>) target_semaphore(%run_scoped3A : memref<!tpu.dma_semaphore, #tpu.memory_space<semaphore_mem>>)
        %dma_wait3A_121 = arith.constant 0 : i32
        %dma_wait3A_122 = tpu.memref_slice %arg3[%add3A_102, %dma_wait3A_121] : memref<4096x1024xf32, #tpu.memory_space<hbm>> -> memref<64x1024xf32, #tpu.memory_space<hbm>>
        %dma_wait3A_123 = arith.constant 0 : i32
        %dma_wait3A_124 = tpu.memref_slice %arg3[%add3A_102, %dma_wait3A_123] : memref<4096x1024xf32, #tpu.memory_space<hbm>> -> memref<64x1024xf32, #tpu.memory_space<hbm>>
        tpu.wait_dma2 semaphore(%run_scoped3A : memref<!tpu.dma_semaphore, #tpu.memory_space<semaphore_mem>>) src(%dma_wait3A_124 : memref<64x1024xf32, #tpu.memory_space<hbm>>) dst(%arg13 : memref<64x1024xf32, #tpu.memory_space<vmem>>)
        tpu.yield
      }) : () -> ()
      %dma_start3A_103 = arith.constant 1 : i32
      %dma_start3A_104 = arith.constant 0 : i32
      %dma_start3A_105 = tpu.memref_slice %arg8[%dma_start3A_103, %dma_start3A_104] : memref<4x64xi32, #tpu.memory_space<vmem>> -> memref<1x64xi32, #tpu.memory_space<vmem>>
      %dma_start3A_106 = tpu.memref_squeeze %dma_start3A_105 : memref<1x64xi32, #tpu.memory_space<vmem>> -> memref<64xi32, #tpu.memory_space<vmem>>
      %dma_start3A_107 = arith.constant 0 : i32
      %dma_start3A_108 = arith.constant 0 : i32
      %dma_start3A_109 = tpu.memref_slice %arg6[%dma_start3A_107, %dma_start3A_108] : memref<6144x1024xf32, #tpu.memory_space<hbm>> -> memref<6144x1024xf32, #tpu.memory_space<hbm>>
      tpu.enqueue_indirect_dma source(%arg13 : memref<64x1024xf32, #tpu.memory_space<vmem>>) target(%dma_start3A_109 : memref<6144x1024xf32, #tpu.memory_space<hbm>>) offsets(%dma_start3A_106 : memref<64xi32, #tpu.memory_space<vmem>>) semaphore(%arg16 : memref<!tpu.dma_semaphore, #tpu.memory_space<semaphore_mem>>)
      %dma_wait3A_110 = arith.constant 1 : i32
      %dma_wait3A_111 = arith.constant 0 : i32
      %dma_wait3A_112 = tpu.memref_slice %arg8[%dma_wait3A_110, %dma_wait3A_111] : memref<4x64xi32, #tpu.memory_space<vmem>> -> memref<1x64xi32, #tpu.memory_space<vmem>>
      %dma_wait3A_113 = tpu.memref_squeeze %dma_wait3A_112 : memref<1x64xi32, #tpu.memory_space<vmem>> -> memref<64xi32, #tpu.memory_space<vmem>>
      %dma_wait3A_114 = arith.constant 0 : i32
      %dma_wait3A_115 = arith.constant 0 : i32
      %dma_wait3A_116 = tpu.memref_slice %arg6[%dma_wait3A_114, %dma_wait3A_115] : memref<6144x1024xf32, #tpu.memory_space<hbm>> -> memref<6144x1024xf32, #tpu.memory_space<hbm>>
      tpu.wait_indirect_dma semaphore(%arg16 : memref<!tpu.dma_semaphore, #tpu.memory_space<semaphore_mem>>) src(%arg13 : memref<64x1024xf32, #tpu.memory_space<vmem>>) dst(%dma_wait3A_116 : memref<6144x1024xf32, #tpu.memory_space<hbm>>)
    } else {
    }
    %eq3A_78 = arith.constant 1 : i32
    %eq3A_79 = arith.cmpi eq, %arg0, %eq3A_78 : i32
    %convert_element_type3A_80 = arith.extui %eq3A_79 : i1 to i32
    %cond3A_81 = arith.constant 0 : i32
    %cond3A_82 = arith.cmpi ne, %convert_element_type3A_80, %cond3A_81 : i32
    scf.if %cond3A_82 {
      %mul3A_83 = arith.constant 256 : i32
      %mul3A_84 = arith.muli %arg1, %mul3A_83 : i32
      %add3A_85 = arith.constant 128 : i32
      %add3A_86 = arith.addi %mul3A_84, %add3A_85 : i32
      "tpu.region"() ({
        %run_scoped3A = tpu.sem_alloc : memref<!tpu.dma_semaphore, #tpu.memory_space<semaphore_mem>>
        %dma_start3A_117 = arith.constant 0 : i32
        %dma_start3A_118 = tpu.memref_slice %arg3[%add3A_86, %dma_start3A_117] : memref<4096x1024xf32, #tpu.memory_space<hbm>> -> memref<64x1024xf32, #tpu.memory_space<hbm>>
        %dma_start3A_119 = arith.constant 0 : i32
        %dma_start3A_120 = tpu.memref_slice %arg3[%add3A_86, %dma_start3A_119] : memref<4096x1024xf32, #tpu.memory_space<hbm>> -> memref<64x1024xf32, #tpu.memory_space<hbm>>
        tpu.enqueue_dma source(%dma_start3A_120 : memref<64x1024xf32, #tpu.memory_space<hbm>>) target(%arg13 : memref<64x1024xf32, #tpu.memory_space<vmem>>) target_semaphore(%run_scoped3A : memref<!tpu.dma_semaphore, #tpu.memory_space<semaphore_mem>>)
        %dma_wait3A_121 = arith.constant 0 : i32
        %dma_wait3A_122 = tpu.memref_slice %arg3[%add3A_86, %dma_wait3A_121] : memref<4096x1024xf32, #tpu.memory_space<hbm>> -> memref<64x1024xf32, #tpu.memory_space<hbm>>
        %dma_wait3A_123 = arith.constant 0 : i32
        %dma_wait3A_124 = tpu.memref_slice %arg3[%add3A_86, %dma_wait3A_123] : memref<4096x1024xf32, #tpu.memory_space<hbm>> -> memref<64x1024xf32, #tpu.memory_space<hbm>>
        tpu.wait_dma2 semaphore(%run_scoped3A : memref<!tpu.dma_semaphore, #tpu.memory_space<semaphore_mem>>) src(%dma_wait3A_124 : memref<64x1024xf32, #tpu.memory_space<hbm>>) dst(%arg13 : memref<64x1024xf32, #tpu.memory_space<vmem>>)
        tpu.yield
      }) : () -> ()
      %dma_start3A = arith.constant 2 : i32
      %dma_start3A_87 = arith.constant 0 : i32
      %dma_start3A_88 = tpu.memref_slice %arg8[%dma_start3A, %dma_start3A_87] : memref<4x64xi32, #tpu.memory_space<vmem>> -> memref<1x64xi32, #tpu.memory_space<vmem>>
      %dma_start3A_89 = tpu.memref_squeeze %dma_start3A_88 : memref<1x64xi32, #tpu.memory_space<vmem>> -> memref<64xi32, #tpu.memory_space<vmem>>
      %dma_start3A_90 = arith.constant 0 : i32
      %dma_start3A_91 = arith.constant 0 : i32
      %dma_start3A_92 = tpu.memref_slice %arg6[%dma_start3A_90, %dma_start3A_91] : memref<6144x1024xf32, #tpu.memory_space<hbm>> -> memref<6144x1024xf32, #tpu.memory_space<hbm>>
      tpu.enqueue_indirect_dma source(%arg13 : memref<64x1024xf32, #tpu.memory_space<vmem>>) target(%dma_start3A_92 : memref<6144x1024xf32, #tpu.memory_space<hbm>>) offsets(%dma_start3A_89 : memref<64xi32, #tpu.memory_space<vmem>>) semaphore(%arg16 : memref<!tpu.dma_semaphore, #tpu.memory_space<semaphore_mem>>)
      %dma_wait3A = arith.constant 2 : i32
      %dma_wait3A_93 = arith.constant 0 : i32
      %dma_wait3A_94 = tpu.memref_slice %arg8[%dma_wait3A, %dma_wait3A_93] : memref<4x64xi32, #tpu.memory_space<vmem>> -> memref<1x64xi32, #tpu.memory_space<vmem>>
      %dma_wait3A_95 = tpu.memref_squeeze %dma_wait3A_94 : memref<1x64xi32, #tpu.memory_space<vmem>> -> memref<64xi32, #tpu.memory_space<vmem>>
      %dma_wait3A_96 = arith.constant 0 : i32
      %dma_wait3A_97 = arith.constant 0 : i32
      %dma_wait3A_98 = tpu.memref_slice %arg6[%dma_wait3A_96, %dma_wait3A_97] : memref<6144x1024xf32, #tpu.memory_space<hbm>> -> memref<6144x1024xf32, #tpu.memory_space<hbm>>
      tpu.wait_indirect_dma semaphore(%arg16 : memref<!tpu.dma_semaphore, #tpu.memory_space<semaphore_mem>>) src(%arg13 : memref<64x1024xf32, #tpu.memory_space<vmem>>) dst(%dma_wait3A_98 : memref<6144x1024xf32, #tpu.memory_space<hbm>>)
      %mul3A_99 = arith.constant 256 : i32
      %mul3A_100 = arith.muli %arg1, %mul3A_99 : i32
      %add3A_101 = arith.constant 192 : i32
      %add3A_102 = arith.addi %mul3A_100, %add3A_101 : i32
      "tpu.region"() ({
        %run_scoped3A = tpu.sem_alloc : memref<!tpu.dma_semaphore, #tpu.memory_space<semaphore_mem>>
        %dma_start3A_117 = arith.constant 0 : i32
        %dma_start3A_118 = tpu.memref_slice %arg3[%add3A_102, %dma_start3A_117] : memref<4096x1024xf32, #tpu.memory_space<hbm>> -> memref<64x1024xf32, #tpu.memory_space<hbm>>
        %dma_start3A_119 = arith.constant 0 : i32
        %dma_start3A_120 = tpu.memref_slice %arg3[%add3A_102, %dma_start3A_119] : memref<4096x1024xf32, #tpu.memory_space<hbm>> -> memref<64x1024xf32, #tpu.memory_space<hbm>>
        tpu.enqueue_dma source(%dma_start3A_120 : memref<64x1024xf32, #tpu.memory_space<hbm>>) target(%arg13 : memref<64x1024xf32, #tpu.memory_space<vmem>>) target_semaphore(%run_scoped3A : memref<!tpu.dma_semaphore, #tpu.memory_space<semaphore_mem>>)
        %dma_wait3A_121 = arith.constant 0 : i32
        %dma_wait3A_122 = tpu.memref_slice %arg3[%add3A_102, %dma_wait3A_121] : memref<4096x1024xf32, #tpu.memory_space<hbm>> -> memref<64x1024xf32, #tpu.memory_space<hbm>>
        %dma_wait3A_123 = arith.constant 0 : i32
        %dma_wait3A_124 = tpu.memref_slice %arg3[%add3A_102, %dma_wait3A_123] : memref<4096x1024xf32, #tpu.memory_space<hbm>> -> memref<64x1024xf32, #tpu.memory_space<hbm>>
        tpu.wait_dma2 semaphore(%run_scoped3A : memref<!tpu.dma_semaphore, #tpu.memory_space<semaphore_mem>>) src(%dma_wait3A_124 : memref<64x1024xf32, #tpu.memory_space<hbm>>) dst(%arg13 : memref<64x1024xf32, #tpu.memory_space<vmem>>)
        tpu.yield
      }) : () -> ()
      %dma_start3A_103 = arith.constant 3 : i32
      %dma_start3A_104 = arith.constant 0 : i32
      %dma_start3A_105 = tpu.memref_slice %arg8[%dma_start3A_103, %dma_start3A_104] : memref<4x64xi32, #tpu.memory_space<vmem>> -> memref<1x64xi32, #tpu.memory_space<vmem>>
      %dma_start3A_106 = tpu.memref_squeeze %dma_start3A_105 : memref<1x64xi32, #tpu.memory_space<vmem>> -> memref<64xi32, #tpu.memory_space<vmem>>
      %dma_start3A_107 = arith.constant 0 : i32
      %dma_start3A_108 = arith.constant 0 : i32
      %dma_start3A_109 = tpu.memref_slice %arg6[%dma_start3A_107, %dma_start3A_108] : memref<6144x1024xf32, #tpu.memory_space<hbm>> -> memref<6144x1024xf32, #tpu.memory_space<hbm>>
      tpu.enqueue_indirect_dma source(%arg13 : memref<64x1024xf32, #tpu.memory_space<vmem>>) target(%dma_start3A_109 : memref<6144x1024xf32, #tpu.memory_space<hbm>>) offsets(%dma_start3A_106 : memref<64xi32, #tpu.memory_space<vmem>>) semaphore(%arg16 : memref<!tpu.dma_semaphore, #tpu.memory_space<semaphore_mem>>)
      %dma_wait3A_110 = arith.constant 3 : i32
      %dma_wait3A_111 = arith.constant 0 : i32
      %dma_wait3A_112 = tpu.memref_slice %arg8[%dma_wait3A_110, %dma_wait3A_111] : memref<4x64xi32, #tpu.memory_space<vmem>> -> memref<1x64xi32, #tpu.memory_space<vmem>>
      %dma_wait3A_113 = tpu.memref_squeeze %dma_wait3A_112 : memref<1x64xi32, #tpu.memory_space<vmem>> -> memref<64xi32, #tpu.memory_space<vmem>>
      %dma_wait3A_114 = arith.constant 0 : i32
      %dma_wait3A_115 = arith.constant 0 : i32
      %dma_wait3A_116 = tpu.memref_slice %arg6[%dma_wait3A_114, %dma_wait3A_115] : memref<6144x1024xf32, #tpu.memory_space<hbm>> -> memref<6144x1024xf32, #tpu.memory_space<hbm>>
      tpu.wait_indirect_dma semaphore(%arg16 : memref<!tpu.dma_semaphore, #tpu.memory_space<semaphore_mem>>) src(%arg13 : memref<64x1024xf32, #tpu.memory_space<vmem>>) dst(%dma_wait3A_116 : memref<6144x1024xf32, #tpu.memory_space<hbm>>)
    } else {
    }
    return
  }
}

#map = affine_map<(d0, d1) -> (0)>
#map1 = affine_map<(d0, d1) -> (0, 0)>
module attributes {stable_mosaic.version = 14 : i64} {
  func.func @_back_body(%arg0: i32, %arg1: i32, %arg2: memref<4096xi32, #tpu.memory_space<hbm>>, %arg3: memref<6144x1024xf32, #tpu.memory_space<hbm>>, %arg4: memref<4096x1024xf32, #tpu.memory_space<hbm>>, %arg5: memref<128xi32, #tpu.memory_space<vmem>>, %arg6: memref<64x1024xf32, #tpu.memory_space<vmem>>, %arg7: memref<!tpu.dma_semaphore, #tpu.memory_space<semaphore_mem>>) attributes {dimension_semantics = [#tpu.dimension_semantics<core_parallel>, #tpu.dimension_semantics<subcore_parallel>], iteration_bounds = array<i64: 2, 16>, scalar_prefetch = 0 : i64, scratch_operands = 3 : i64, tpu.core_type = #tpu.core_type<sc_vector_subcore>, window_params = [{transform_indices = #map}, {transform_indices = #map1}, {transform_indices = #map1}]} {
    %mul3A = arith.constant 2 : i32
    %mul3A_0 = arith.muli %arg1, %mul3A : i32
    %add3A = arith.addi %mul3A_0, %arg0 : i32
    %mul3A_1 = arith.constant 128 : i32
    %mul3A_2 = arith.muli %add3A, %mul3A_1 : i32
    "tpu.region"() ({
      %run_scoped3A = tpu.sem_alloc : memref<!tpu.dma_semaphore, #tpu.memory_space<semaphore_mem>>
      %dma_start3A = tpu.memref_slice %arg2[%mul3A_2] : memref<4096xi32, #tpu.memory_space<hbm>> -> memref<128xi32, #tpu.memory_space<hbm>>
      %dma_start3A_8 = tpu.memref_slice %arg2[%mul3A_2] : memref<4096xi32, #tpu.memory_space<hbm>> -> memref<128xi32, #tpu.memory_space<hbm>>
      tpu.enqueue_dma source(%dma_start3A_8 : memref<128xi32, #tpu.memory_space<hbm>>) target(%arg5 : memref<128xi32, #tpu.memory_space<vmem>>) target_semaphore(%run_scoped3A : memref<!tpu.dma_semaphore, #tpu.memory_space<semaphore_mem>>)
      %dma_wait3A = tpu.memref_slice %arg2[%mul3A_2] : memref<4096xi32, #tpu.memory_space<hbm>> -> memref<128xi32, #tpu.memory_space<hbm>>
      %dma_wait3A_9 = tpu.memref_slice %arg2[%mul3A_2] : memref<4096xi32, #tpu.memory_space<hbm>> -> memref<128xi32, #tpu.memory_space<hbm>>
      tpu.wait_dma2 semaphore(%run_scoped3A : memref<!tpu.dma_semaphore, #tpu.memory_space<semaphore_mem>>) src(%dma_wait3A_9 : memref<128xi32, #tpu.memory_space<hbm>>) dst(%arg5 : memref<128xi32, #tpu.memory_space<vmem>>)
      tpu.yield
    }) : () -> ()
    %scan3A = arith.constant 0 : i32
    %scan3A_3 = arith.constant 0 : i32
    %scan3A_4 = arith.constant 2 : i32
    %scan3A_5 = arith.addi %scan3A_3, %scan3A_4 : i32
    %scan3A_6 = arith.constant 1 : i32
    scf.for %scan3A_8 = %scan3A_3 to %scan3A_5 step %scan3A_6  : i32 {
      %mul3A_9 = arith.constant 64 : i32
      %mul3A_10 = arith.muli %scan3A_8, %mul3A_9 : i32
      %dma_start3A = tpu.memref_slice %arg5[%mul3A_10] : memref<128xi32, #tpu.memory_space<vmem>> -> memref<64xi32, #tpu.memory_space<vmem>>
      %dma_start3A_11 = arith.constant 0 : i32
      %dma_start3A_12 = arith.constant 0 : i32
      %dma_start3A_13 = tpu.memref_slice %arg3[%dma_start3A_11, %dma_start3A_12] : memref<6144x1024xf32, #tpu.memory_space<hbm>> -> memref<6144x1024xf32, #tpu.memory_space<hbm>>
      tpu.enqueue_indirect_dma source(%dma_start3A_13 : memref<6144x1024xf32, #tpu.memory_space<hbm>>) target(%arg6 : memref<64x1024xf32, #tpu.memory_space<vmem>>) offsets(%dma_start3A : memref<64xi32, #tpu.memory_space<vmem>>) semaphore(%arg7 : memref<!tpu.dma_semaphore, #tpu.memory_space<semaphore_mem>>)
      %dma_wait3A = tpu.memref_slice %arg5[%mul3A_10] : memref<128xi32, #tpu.memory_space<vmem>> -> memref<64xi32, #tpu.memory_space<vmem>>
      %dma_wait3A_14 = arith.constant 0 : i32
      %dma_wait3A_15 = arith.constant 0 : i32
      %dma_wait3A_16 = tpu.memref_slice %arg3[%dma_wait3A_14, %dma_wait3A_15] : memref<6144x1024xf32, #tpu.memory_space<hbm>> -> memref<6144x1024xf32, #tpu.memory_space<hbm>>
      tpu.wait_indirect_dma semaphore(%arg7 : memref<!tpu.dma_semaphore, #tpu.memory_space<semaphore_mem>>) src(%dma_wait3A_16 : memref<6144x1024xf32, #tpu.memory_space<hbm>>) dst(%arg6 : memref<64x1024xf32, #tpu.memory_space<vmem>>)
      %mul3A_17 = arith.constant 64 : i32
      %mul3A_18 = arith.muli %scan3A_8, %mul3A_17 : i32
      %add3A_19 = arith.addi %mul3A_2, %mul3A_18 : i32
      "tpu.region"() ({
        %run_scoped3A = tpu.sem_alloc : memref<!tpu.dma_semaphore, #tpu.memory_space<semaphore_mem>>
        %dma_start3A_20 = arith.constant 0 : i32
        %dma_start3A_21 = tpu.memref_slice %arg4[%add3A_19, %dma_start3A_20] : memref<4096x1024xf32, #tpu.memory_space<hbm>> -> memref<64x1024xf32, #tpu.memory_space<hbm>>
        %dma_start3A_22 = arith.constant 0 : i32
        %dma_start3A_23 = tpu.memref_slice %arg4[%add3A_19, %dma_start3A_22] : memref<4096x1024xf32, #tpu.memory_space<hbm>> -> memref<64x1024xf32, #tpu.memory_space<hbm>>
        tpu.enqueue_dma source(%arg6 : memref<64x1024xf32, #tpu.memory_space<vmem>>) target(%dma_start3A_23 : memref<64x1024xf32, #tpu.memory_space<hbm>>) target_semaphore(%run_scoped3A : memref<!tpu.dma_semaphore, #tpu.memory_space<semaphore_mem>>)
        %dma_wait3A_24 = arith.constant 0 : i32
        %dma_wait3A_25 = tpu.memref_slice %arg4[%add3A_19, %dma_wait3A_24] : memref<4096x1024xf32, #tpu.memory_space<hbm>> -> memref<64x1024xf32, #tpu.memory_space<hbm>>
        %dma_wait3A_26 = arith.constant 0 : i32
        %dma_wait3A_27 = tpu.memref_slice %arg4[%add3A_19, %dma_wait3A_26] : memref<4096x1024xf32, #tpu.memory_space<hbm>> -> memref<64x1024xf32, #tpu.memory_space<hbm>>
        tpu.wait_dma2 semaphore(%run_scoped3A : memref<!tpu.dma_semaphore, #tpu.memory_space<semaphore_mem>>) src(%arg6 : memref<64x1024xf32, #tpu.memory_space<vmem>>) dst(%dma_wait3A_27 : memref<64x1024xf32, #tpu.memory_space<hbm>>)
        tpu.yield
      }) : () -> ()
    }
    %scan3A_7 = arith.constant 2 : i32
    return
  }
}

module attributes {stable_mosaic.version = 14 : i64} {
  func.func @_gemm_body(%arg0: i32, %arg1: memref<48xi32, #tpu.memory_space<smem>>, %arg2: memref<128x1024xf32, #tpu.memory_space<vmem>>, %arg3: memref<1x1024x1024xf32, #tpu.memory_space<vmem>>, %arg4: memref<128x1024xf32, #tpu.memory_space<vmem>>) attributes {dimension_semantics = [#tpu.dimension_semantics<arbitrary>], iteration_bounds = array<i64: 48>, scalar_prefetch = 1 : i64, scratch_operands = 0 : i64, tpu.core_type = #tpu.core_type<tc>, window_params = [{transform_indices = @transform_0, window_bounds = array<i64: 128, 1024>}, {transform_indices = @transform_1, window_bounds = array<i64: 1, 1024, 1024>}, {transform_indices = @transform_2, window_bounds = array<i64: 128, 1024>}]} {
    %get3A = arith.constant 0 : index
    %get3A_0 = arith.constant 0 : index
    %get3A_1 = vector.load %arg2[%get3A, %get3A_0] : memref<128x1024xf32, #tpu.memory_space<vmem>>, vector<128x1024xf32>
    %get3A_2 = arith.constant 0 : index
    %get3A_3 = arith.constant 0 : index
    %get3A_4 = arith.constant 0 : index
    %get3A_5 = vector.load %arg3[%get3A_2, %get3A_3, %get3A_4] : memref<1x1024x1024xf32, #tpu.memory_space<vmem>>, vector<1x1024x1024xf32>
    %get3A_6 = vector.shape_cast %get3A_5 : vector<1x1024x1024xf32> to vector<1024x1024xf32>
    %dot_general3A = arith.constant dense<0.000000e+00> : vector<128x1024xf32>
    %dot_general3A_7 = tpu.matmul %get3A_1, %get3A_6, %dot_general3A {dimension_numbers = #tpu.dot_dimension_numbers<[1], [1], [0], [0], [0, 0, 1, 0], [], []>, transpose_lhs_hint = false} : vector<128x1024xf32>, vector<1024x1024xf32>, vector<128x1024xf32> -> vector<128x1024xf32>
    %swap3A = arith.constant 0 : index
    %swap3A_8 = arith.constant 0 : index
    %swap3A_9 = vector.load %arg4[%swap3A, %swap3A_8] : memref<128x1024xf32, #tpu.memory_space<vmem>>, vector<128x1024xf32>
    tpu.vector_store %arg4[%swap3A, %swap3A_8], %dot_general3A_7 {strides = array<i32>} : memref<128x1024xf32, #tpu.memory_space<vmem>>, vector<128x1024xf32>,
    return
  }
  func.func @transform_0(%arg0: i32, %arg1: memref<48xi32, #tpu.memory_space<smem>>) -> (i32, i32) {
    %c0_i32 = arith.constant 0 : i32
    %c0_i32_0 = arith.constant 0 : i32
    return %arg0, %c0_i32 : i32, i32
  }
  func.func @transform_1(%arg0: i32, %arg1: memref<48xi32, #tpu.memory_space<smem>>) -> (i32, i32, i32) {
    %get3A = arith.index_cast %arg0 : i32 to index
    %get3A_0 = memref.load %arg1[%get3A] : memref<48xi32, #tpu.memory_space<smem>>
    %c0_i32 = arith.constant 0 : i32
    %c0_i32_1 = arith.constant 0 : i32
    %c0_i32_2 = arith.constant 0 : i32
    return %get3A_0, %c0_i32, %c0_i32_1 : i32, i32, i32
  }
  func.func @transform_2(%arg0: i32, %arg1: memref<48xi32, #tpu.memory_space<smem>>) -> (i32, i32) {
    %c0_i32 = arith.constant 0 : i32
    %c0_i32_0 = arith.constant 0 : i32
    return %arg0, %c0_i32 : i32, i32
  }
}

</mosaic_0001>

<sc_bundles>
// kernel: kernel.5.cloned.1.call-start
scs
__scs_entry_jumppad:
0x0: {  	(pc) =	sbr.rel $0x88, $3  }
0x1: {  	(tag) =	ssettag $0x0;
	lr =	simm.s32 $0x1  }
0x2: {  	[smem:$0x3F9E] =	sst lr;
	_ =	strace $0xD0000000  }
0x3: {  	_ = 	snop  }
0x4: {  	_ = 	snop  }
0x5: {  	_ = 	snop  }
0x6: {  	_ = 	snop  }
0x7: {  	_ = 	snop  }
__scs_overlays_trampoline_lowered:
0x8: {  	[smem:$0x3FAD] =	sst s0  }
0x9: {  	[smem:$0x3FAE] =	sst s1  }
0xa: {  	[smem:$0x3FAF] =	sst s2  }
0xb: {  	[smem:$0x3FB0] =	sst s3  }
0xc: {  	[smem:$0x3FB1] =	sst s4  }
0xd: {  	[smem:$0x3FB2] =	sst s5  }
0xe: {  	[smem:$0x3FB3] =	sst s6  }
0xf: {  	[smem:$0x3FB4] =	sst s7  }
0x10: {  	[smem:$0x3FB5] =	sst s8  }
0x11: {  	[smem:$0x3FB6] =	sst s9;
	s0 =	simm.s32 @!p0 $0x0  }
0x12: {  	s1 =	sld [smem:$0x3F9C];
	s0 =	simm.s32 @p0 $0x1  }
0x13: {  	[smem:$0x3FB7] =	sst s0;
	s0 =	simm.s32 @!p1 $0x0  }
0x14: {  	s2 =	sld [smem:$0x3F9B];
	s0 =	simm.s32 @p1 $0x1  }
0x15: {  	[smem:$0x3FB8] =	sst s0;
	s0 =	simm.s32 @!p2 $0x0  }
0x16: {  	s3 =	sld [smem:$0x3FDB];
	s0 =	simm.s32 @p2 $0x1  }
0x17: {  	s4 =	simm.s32 $0x1BF5;
	[smem:$0x3FBA] =	sst s0  }
0x18: {  	s0 =	sld [smem:$0x3F9D];
	_ =	swait.ge [sflag:s4], $0x0  }
0x19: {  	s7 =	sld [smem:$0x3F9E]  }
0x1a: {  	s8 =	sadd.s32 $0xFFFFE003, lr  }
0x1b: {  	s9 =	sadd.s32 $0xFFFFFEF7, lr;
	s5 =	simm.s32 $0xFFFFFFFF;
	p2 =	slt.u32 s8, $0xFFFFF086  }
0x1c: {  	p1 =	slt.u32 s9, $0xF7A;
	s5 =	simm.s32 @!p2 $0x0  }
0x1d: {  	s5 =	simm.s32 @p1 $0x1;
	p0 =	seq.s32 s7, s2  }
0x1e: {  	s7 =	smul.u32 @!p0 $0xF7A, s2;
	p2 =	seq.s32 @!p0 s5, $0x0  }
0x1f: {  	s9 =	smul.u32 $0xF7A, s1;
	s8 =	simm.s32 @!p0 $0x1BF5;
	p2 =	por !p2, p0  }
0x20: {  	[sflag:s8] =	ssyncset.s32 @!p0 $0xFFFFF086;
	s6 =	sadd.s32 @!p0 s3, s7;
	s7 =	simm.s32 @!p0 $0x108  }
0x21: {  	s3 =	sadd.s32 s3, s9;
	s6 =	sadd.s32 @!p0 $0x88, s6;
	s7 =	simm.s32 @p2 $0x1082  }
0x22: {  	[simem:s7], [sflag:s8] =	dma.local @!p0 [hbm:s6], $0xF7A  }
0x23: {  	s9 =	sor.u32 $0xD0000000, s2;
	s6 =	simm.s32 $0x108;
	_ =	swait.ge @!p0 [sflag:s8], $0x0  }
0x24: {  	s3 =	sadd.s32 $0x88, s3;
	s6 =	simm.s32 @!p1 $0x1082;
	[sflag:s4] =	ssyncset.s32 $0xFFFFF086  }
0x25: {  	[simem:s6], [sflag:s4] =	dma.local [hbm:s3], $0xF7A  }
0x26: {  	[smem:$0x3F9E] =	sst s1;
	(tag) =	ssettag s2;
	_ =	strace s9  }
0x27: {  	s1 =	sld [smem:$0x3FAE]  }
0x28: {  	s2 =	sld [smem:$0x3FAF]  }
0x29: {  	s4 =	sld [smem:$0x3FB1]  }
0x2a: {  	p0 =	seq.s32 s5, $0x0;
	s5 =	sld [smem:$0x3FB2]  }
0x2b: {  	s6 =	sld [smem:$0x3FB3]  }
0x2c: {  	s7 =	sld [smem:$0x3FB4]  }
0x2d: {  	s3 =	simm.s32 $0x108;
	s8 =	sld [smem:$0x3FB5]  }
0x2e: {  	s3 =	simm.s32 @!p0 $0x1082;
	s9 =	sld [smem:$0x3FB6]  }
0x2f: {  	lr =	sadd.s32 s0, s3;
	s0 =	sld [smem:$0x3FAD]  }
0x30: {  	s3 =	sld [smem:$0x3FB0]  }
0x31: {  	[smem:$0x3FB9] =	sst s10  }
0x32: {  	s10 =	sld [smem:$0x3FB7];
	_ =	sdelay $0x3  }
0x33: {  	p0 =	seq.s32 s10, $0x1;
	s10 =	sld [smem:$0x3FB9];
	_ =	sdelay $0x3  }
0x34: {  	[smem:$0x3FB9] =	sst s10  }
0x35: {  	s10 =	sld [smem:$0x3FB8];
	_ =	sdelay $0x3  }
0x36: {  	p1 =	seq.s32 s10, $0x1;
	s10 =	sld [smem:$0x3FB9];
	_ =	sdelay $0x3  }
0x37: {  	[smem:$0x3FB9] =	sst s10  }
0x38: {  	s10 =	sld [smem:$0x3FBA]  }
0x39: {  	_ = 	snop;
	(pc) =	sbr.ind lr, $3  }
0x3a: {  	_ = 	snop  }
0x3b: {  	_ = 	snop  }
0x3c: {  	p2 =	seq.s32 s10, $0x1;
	s10 =	sld [smem:$0x3FB9]  }
0x3d: {  	_ =	shalt  }
0x3e: {  	_ =	shalt  }
0x3f: {  	_ =	shalt  }
0x40: {  	_ =	shalt  }
0x41: {  	_ =	shalt  }
0x42: {  	_ =	shalt  }
0x43: {  	_ =	shalt  }
0x44: {  	_ =	shalt  }
0x45: {  	_ =	shalt  }
0x46: {  	_ =	shalt  }
0x47: {  	_ =	shalt  }
0x48: {  	_ =	shalt  }
0x49: {  	_ =	shalt  }
0x4a: {  	_ =	shalt  }
0x4b: {  	_ =	shalt  }
0x4c: {  	_ =	shalt  }
0x4d: {  	_ =	shalt  }
0x4e: {  	_ =	shalt  }
0x4f: {  	_ =	shalt  }
0x50: {  	_ =	shalt  }
0x51: {  	_ =	shalt  }
0x52: {  	_ =	shalt  }
0x53: {  	_ =	shalt  }
0x54: {  	_ =	shalt  }
0x55: {  	_ =	shalt  }
0x56: {  	_ =	shalt  }
0x57: {  	_ =	shalt  }
0x58: {  	_ =	shalt  }
0x59: {  	_ =	shalt  }
0x5a: {  	_ =	shalt  }
0x5b: {  	_ =	shalt  }
0x5c: {  	_ =	shalt  }
0x5d: {  	_ =	shalt  }
0x5e: {  	_ =	shalt  }
0x5f: {  	_ =	shalt  }
0x60: {  	_ =	shalt  }
0x61: {  	_ =	shalt  }
0x62: {  	_ =	shalt  }
0x63: {  	_ =	shalt  }
0x64: {  	_ =	shalt  }
0x65: {  	_ =	shalt  }
0x66: {  	_ =	shalt  }
0x67: {  	_ =	shalt  }
0x68: {  	_ =	shalt  }
0x69: {  	_ =	shalt  }
0x6a: {  	_ =	shalt  }
0x6b: {  	_ =	shalt  }
0x6c: {  	_ =	shalt  }
0x6d: {  	_ =	shalt  }
0x6e: {  	_ =	shalt  }
0x6f: {  	_ =	shalt  }
0x70: {  	_ =	shalt  }
0x71: {  	_ =	shalt  }
0x72: {  	_ =	shalt  }
0x73: {  	_ =	shalt  }
0x74: {  	_ =	shalt  }
0x75: {  	_ =	shalt  }
0x76: {  	_ =	shalt  }
0x77: {  	_ =	shalt  }
0x78: {  	_ =	shalt  }
0x79: {  	_ =	shalt  }
0x7a: {  	_ =	shalt  }
0x7b: {  	_ =	shalt  }
0x7c: {  	_ =	shalt  }
0x7d: {  	_ =	shalt  }
0x7e: {  	_ =	shalt  }
0x7f: {  	_ =	shalt  }
0x80: {  	_ =	shalt  }
0x81: {  	_ =	shalt  }
0x82: {  	_ =	shalt  }
0x83: {  	_ =	shalt  }
0x84: {  	_ =	shalt  }
0x85: {  	_ =	shalt  }
0x86: {  	_ =	shalt  }
0x87: {  	_ =	shalt  }
.Lfunc_end0:
.L_simem_size_0:
called_computation_lowered:
.L_overlay_start_0:
0x88: {  	s2 =	sld [smem:$0x3FD9]  }
0x89: {  	s3 =	sld [smem:$0x3FFE];
	_ =	sdelay $0x1  }
0x8a: {  	s1 =	srdreg.scid  }
0x8b: {  	s0 =	sand.u32 $0x1, s1  }
0x8c: {  	s17 =	sshll.u32 s0, $0xA;
	s2 =	sadd.s32 s3, s2  }
0x8d: {  	s2 =	sadd.s32 s2, s17  }
0x8e: {  	[smem:$0x3FC5] =	sst s2  }
0x8f: {  	_ = 	snop  }
0x90: {  	s2 =	sld [smem:$0x3FC9]  }
0x91: {  	s18 =	sld [smem:$0x3FC8]  }
0x92: {  	s4 =	sld [smem:$0x3FD0];
	(tm) =	ssettm $0x1  }
0x93: {  	s5 =	sld [smem:$0x3FFB];
	_ =	sdelay $0x3  }
0x94: {  	_ =	strace s5  }
0x95: {  	s5 =	sld [smem:$0x3FFC];
	_ =	sdelay $0x3  }
0x96: {  	_ =	strace s5  }
0x97: {  	s5 =	sld [smem:$0x3FFD];
	_ =	sdelay $0x3  }
0x98: {  	_ =	strace s5  }
0x99: {  	_ =	strace $0x8FFFFFFF  }
0x9a: {  	s19 =	sld [smem:$0x3FDB];
	_ =	sdelay $0x1  }
0x9b: {  	s6 =	simm.s32 $_scs_section_size  }
0x9c: {  	s7 =	simm.s32 $_size__tile_overlayer_lowered;
	s8 =	simm.s32 $_tile_overlayer_lowered  }
0x9d: {  	s22 =	simm.s32 $0x1BFF;
	s21 =	sshll.u32 s8, $0x1;
	s5 =	sadd.s32 s6, s19  }
0x9e: {  	s9 =	simm.s32 $0x0;
	s20 =	sshll.u32 s7, $0x1;
	s7 =	sadd.s32 s21, s5  }
0x9f: {  	[timem:s9], [sflag:s22] =	dma.local [hbm:s7], s20  }
0xa0: {  	_ =	swait.ge [sflag:s22], s20  }
0xa1: {  	s6 =	ssub.s32 $0x0, s20;
	[sflag:s22] =	ssyncset.done $0x0  }
0xa2: {  	[sflag:s22] =	ssyncadd.s32 s6;
	_ =	sdelay $0x1  }
0xa3: {  	s23 =	simm.s32 $0x1B8B  }
0xa4: {  	_ =	swait.ge [sflag:s23], $0x1  }
0xa5: {  	[sflag:s23] =	ssyncset.done $0x0  }
0xa6: {  	s25 =	simm.s32 $0x1B8E;
	s24 =	sld [smem:$0x3FFE];
	[sflag:s23] =	ssyncadd.s32 $0xFFFFFFFF  }
0xa7: {  	s26 =	simm.s32 $execute0_lowered;
	[smem:$0x3FD2] =	sst s25  }
0xa8: {  	s7 =	sshll.u32 s26, $0x1;
	_ =	strace $0x80000046;
	[dreg:$0x1] =	wrdreg $0xFFFFFFFF  }
0xa9: {  	s28 =	simm.s32 $_size_execute0_lowered;
	s5 =	sadd.s32 s5, s7;
	[dreg:$0x0] =	wrdreg $0x0  }
0xaa: {  	s7 =	sshll.u32 s28, $0x1;
	[dreg:$0x2] =	wrdreg s5  }
0xab: {  	[dreg:$0x3] =	wrdreg s7  }
0xac: {  	[dreg:$0x4] =	wrdreg $0xC0  }
0xad: {  	_ =	task [dreg:s9], $0x5FFFF  }
0xae: {  	[dreg:$0x1] =	wrdreg $0xFFFFFFFF  }
0xaf: {  	[dreg:$0x0] =	wrdreg $0x60  }
0xb0: {  	[dreg:$0x2] =	wrdreg s18  }
0xb1: {  	[dreg:$0x3] =	wrdreg s2  }
0xb2: {  	[dreg:$0x4] =	wrdreg s24  }
0xb3: {  	[dreg:$0x5] =	wrdreg s4  }
0xb4: {  	[dreg:$0x6] =	wrdreg $0x105800  }
0xb5: {  	[dreg:$0x7] =	wrdreg $0x9  }
0xb6: {  	_ =	task.clear_ibuf [dreg:s9], $0x8FFFF;
	_ =	strace $0x90000046  }
0xb7: {  	s29 =	simm.s32 $0x9;
	_ =	strace $0x80000048  }
0xb8: {  	_ =	swait.ge [sflag:s29], $0x1  }
0xb9: {  	[sflag:s29] =	ssyncadd.s32 $0xFFFFFFFF  }
0xba: {  	_ =	strace $0x90000048  }
0xbb: {  	_ =	sfence  }
0xbc: {  	s30 =	sld [smem:$0x0];
	_ =	sdelay $0x2  }
0xbd: {  	s31 =	sshll.u32 s1, $0xD;
	s1 =	sshrl.u32 s1, $0x2  }
0xbe: {  	s3 =	sand.u32 $0x4000, s31;
	s1 =	sadd.s32 s1, s30  }
0xbf: {  	s0 =	sor.u32 s3, s0;
	s1 =	sshll.u32 s1, $0x11  }
0xc0: {  	s0 =	sor.u32 s1, s0  }
0xc1: {  	s0 =	sadd.s32 $0x8F2B, s0  }
0xc2: {  	[sflag:s0] =	ssyncadd.remote.s32 $0x1  }
0xc3: {  	_ =	sfence.sel $0xFFFF  }
0xc4: {  	[dreg:$0x0] =	wrdreg $0xFFFFFFFF;
	(pc) =	sbr.abs _section_cstart, $3  }
0xc5: {  	[dreg:$0x1] =	wrdreg $0xFFFFFFFF  }
0xc6: {  	_ =	task.clear_ibuf [dreg:s9], $0x2FFFF;
	_ =	strace $0x9FFFFFFF  }
0xc7: {  	(tm) =	ssettm $0x7FFFFFFF  }
tec
execute0_lowered:
.L_overlay_start_1:
0x0: {  	(tag) =	ssettag $0x1  }
0x1: {  	s0 =	rddreg [dreg:$0x0]  }
0x2: {  	s1 =	rddreg [dreg:$0x1]  }
0x3: {  	s2 =	rddreg [dreg:$0x2]  }
0x4: {  	s12 =	rddreg [dreg:$0x4];
	s3 =	simm.s32 $0x0  }
0x5: {  	s4 =	srdreg.scid;
	s13 =	stileid.u32;
	s20 =	simm.s32 $0x2  }
0x6: {  	[smem:$0x7FF] =	sst s3;
	s4 =	sand.u32 $0x1, s4;
	s7 =	sadd.s32 $0xC0E00, s2  }
0x7: {  	s5 =	sadd.s32 $0xE00, s2;
	s21 =	sshll.u32 s13, $0x8;
	s9 =	sshll.u32 s13, $0x5  }
0x8: {  	s10 =	sshll.u32 s13, $0x4;
	s11 =	sshll.u32 s13, $0xF;
	p0 =	seq.s32 s13, $0xF  }
0x9: {  	p4 =	sgt.u32 s13, $0x5;
	p5 =	sgt.u32 s13, $0x4;
	p6 =	sgt.u32 s13, $0x3  }
0xa: {  	p1 =	sgt.u32 s13, $0x1;
	p2 =	seq.s32 s13, $0x0;
	_ =	strace $0x80000047  }
0xb: {  	s6 =	ssub.s32 $0x2, s4;
	s0 =	sadd.s32 s0, s9;
	s22 =	sadd.s32 s10, s12  }
0xc: {  	s14 =	sadd.s32 s1, s11;
	s10 =	sadd.s32 $0xF00, s2;
	s25 =	sor.u32 $0x40, s21  }
0xd: {  	s11 =	sadd.s32 $0x1000, s2;
	s12 =	sadd.s32 $0x1100, s2;
	s2 =	sshll.u32 s25, $0x7  }
0xe: {  	s23 =	sor.u32 s4, s13;
	s9 =	sadd.s32 s7, s9;
	s1 =	sadd.s32 s1, s2  }
0xf: {  	s21 =	simm.s32 $0x380;
	[dreg:$0xf] =	wrdreg s1;
	s1 =	simm.s32 @!p0 $0x0  }
0x10: {  	[dreg:$0x6] =	wrdreg s0;
	s1 =	simm.s32 @p0 $0x1;
	p0 =	sgt.u32 s13, $0xD  }
0x11: {  	s8 =	sshrl.u32 s6, $0x1;
	[smem:$0x7F3] =	sst s1;
	s1 =	simm.s32 @!p0 $0x0  }
0x12: {  	[dreg:$0x7] =	wrdreg s22;
	s1 =	simm.s32 @p0 $0x1;
	p0 =	sgt.u32 s13, $0xC  }
0x13: {  	s24 =	sadd.s32 $0x4000, s14;
	[smem:$0x7F4] =	sst s1;
	s1 =	simm.s32 @!p0 $0x0  }
0x14: {  	[dreg:$0x8] =	wrdreg s14;
	s1 =	simm.s32 @p0 $0x1;
	p0 =	sgt.u32 s13, $0xB  }
0x15: {  	s26 =	sadd.s32 $0x6000, s14;
	[smem:$0x7F5] =	sst s1;
	s1 =	simm.s32 @!p0 $0x0  }
0x16: {  	[dreg:$0xb] =	wrdreg s9;
	s1 =	simm.s32 @p0 $0x1;
	p0 =	sgt.u32 s13, $0xA  }
0x17: {  	s28 =	sshrl.u32 s25, $0x3;
	[smem:$0x7F6] =	sst s1;
	s1 =	simm.s32 @!p0 $0x0  }
0x18: {  	[dreg:$0x9] =	wrdreg s24;
	s1 =	simm.s32 @p0 $0x1;
	p0 =	sne.s32 s23, $0x0  }
0x19: {  	v0 =	vimm.s32 $0xFFEDCBA9;
	v1 =	vimm.s32 $0x87654321;
	v2 =	vimm.s32 $0xEDCBA987;
	s29 =	sadd.s32 $0x10, s9;
	[dreg:$0xa] =	wrdreg s26;
	s0 =	simm.s32 @!p0 $0x0  }
0x1a: {  	v3 =	vimm.s32 $0x65432100;
	vm0 =	vcmask $0x3F3C;
	vm1 =	vmmov $0x1;
	[dreg:$0xd] =	wrdreg s29;
	s0 =	simm.s32 @p0 $0x1;
	p0 =	sne.s32 s4, $0x0  }
0x1b: {  	vm6 =	vcmask $0x1318;
	vm7 =	vcmask $0x171C;
	vm8 =	vcmask $0x1B20;
	s30 =	sadd.s32 $0x18, s9;
	[smem:$0x7F8] =	sst s0;
	s0 =	simm.s32 @!p0 $0x0  }
0x1c: {  	vm9 =	vcmask $0x1F24;
	vm10 =	vcmask $0x2328;
	vm11 =	vcmask $0x272C;
	[dreg:$0xe] =	wrdreg s30;
	s0 =	simm.s32 @p0 $0x1;
	p0 =	sgt.u32 s13, $0x9  }
0x1d: {  	vm12 =	vcmask $0x2B30;
	v0 =	vunpack.c.l.s4.s8 v0;
	v1 =	vunpack.c.l.s4.s8 v1;
	s7 =	sadd.s32 s7, s28;
	[smem:$0x7F9] =	sst s0;
	s0 =	simm.s32 @!p0 $0x0  }
0x1e: {  	vm13 =	vcmask $0x2F34;
	vm14 =	vcmask $0x3338;
	v2 =	vunpack.c.l.s4.s8 v2;
	[dreg:$0xc] =	wrdreg s7;
	s0 =	simm.s32 @p0 $0x1;
	p0 =	sgt.u32 s13, $0x8  }
0x1f: {  	v3 =	vunpack.c.l.s4.s8 v3;
	v0 =	vunpack.c.0.s8.s32 v0;
	v1 =	vunpack.c.0.s8.s32 v1;
	s6 =	ssub.s32 s6, s8;
	[smem:$0x7FA] =	sst s0;
	s0 =	simm.s32 @!p0 $0x0  }
0x20: {  	vm15 =	vcmask $0x373C;
	vm2 =	vmmov $0x7fff;
	v2 =	vunpack.c.0.s8.s32 v2;
	s31 =	smax.u32 s6, $0x1;
	s0 =	simm.s32 @p0 $0x1;
	p0 =	sgt.u32 s13, $0x7  }
.Ltmp0:
0x21: {  	vm3 =	vmmov $0xffff;
	v3 =	vunpack.c.0.s8.s32 v3;
	v4 =	vcombine.low v1, v0;
	[smem:$0x7FB] =	sst s0;
	s0 =	simm.s32 @!p0 $0x0;
	(pc) =	sbr.rel .LBB2_1-.Ltmp0, $4  }
0x22: {  	v0 =	vimm.s32 $0x0;
	v1 =	vlaneseq.u32;
	v2 =	vand.u32 $0xF, v2;
	[dreg:$0x10] =	wrdreg s31;
	s0 =	simm.s32 @p0 $0x1;
	p0 =	sgt.u32 s13, $0x6  }
0x23: {  	s22 =	simm.s32 $0x300;
	v2 =	vcombine.low v3, v2;
	v8 =	vmul.u32 $0x80, v1;
	v5 =	vadd.s32 $0x2, v1;
	[smem:$0x7FC] =	sst s0;
	s0 =	simm.s32 @!p0 $0x0  }
0x24: {  	s25 =	simm.s32 $0x100;
	v9 =	vadd.s32 $0x1, v1;
	v3 =	vand.u32 $0xF, v4;
	v4 =	vor.u32 $0x80000000, v1;
	[smem:$0x7F7] =	sst s1;
	s0 =	simm.s32 @p0 $0x1  }
0x25: {  	v6 =	vor.u32 $0x1, v8;
	v7 =	vor.u32 $0x801, v8;
	v8 =	vor.u32 $0x1001, v8;
	p0 =	sgt.u32 s13, $0x2;
	s13 =	simm.s32 $0x0;
	[smem:$0x7FD] =	sst s0  }
.LBB2_9:
0x26: {  	s15 =	rddreg [dreg:$0x9];
	s9 =	simm.s32 $0x580  }
0x27: {  	[tilespmem:s9], [sflag:$0x2] =	stream.linear.gather [hbm4b:s15+s3], $0x10000, $0x38;
	[tilespmem:$0x10590] =	vst v63  }
0x28: {  	_ =	swait.ge [sflag:s20], $0x10000  }
0x29: {  	[sflag:s20] =	ssyncset.done $0x0  }
0x2a: {  	[sflag:s20] =	ssyncadd.s32 $0xFFFF0000  }
0x2b: {  	v10 =	vld [tilespmem:$0x200];
	_ =	sdelay $0x4  }
0x2c: {  	v11 =	vshll.u32 v10, $0x3  }
0x2d: {  	v10 =	vand.u32 $0x7, v10;
	v11 =	vand.u32 $0xFFFFFFC0, v11  }
0x2e: {  	v12 =	vshrl.u32 v1, $0x3;
	v10 =	vor.u32 v10, v11;
	v11 =	vand.u32 $0x7, v1  }
0x2f: {  	v12 =	vmul.u32 $0x8, v12;
	v13 =	vperm.xlane v10, v11;
	_ =	sdelay $0x1  }
0x30: {  	v13 =	vadd.s32 v12, v13;
	_ =	sdelay $0x4  }
0x31: {  	v14 =	vor.u32 $0x8, v1;
	[hbm4b:s5+s3] =	stream.indirect_vreg.scatter [tilespmem:s9], [sflag:$0x1], $0x80, v13, vm3, $0xb8;
	[tilespmem:$0x10590] =	vst v63  }
0x32: {  	s16 =	simm.s32 $0xD80;
	v10 =	vperm.xlane v10, v14  }
0x33: {  	[hbm4b:s10+s3] =	stream.indirect_vreg.scatter [tilespmem:s16], [sflag:$0x1], $0x80, v13, vm3, $0xb8;
	[tilespmem:$0x10590] =	vst v63  }
0x34: {  	s0 =	simm.s32 $0x1580;
	v10 =	vadd.s32 v12, v10  }
0x35: {  	[hbm4b:s11+s3] =	stream.indirect_vreg.scatter [tilespmem:s0], [sflag:$0x1], $0x80, v13, vm3, $0xb8;
	[tilespmem:$0x10590] =	vst v63  }
0x36: {  	s23 =	simm.s32 $0x1D80  }
0x37: {  	[hbm4b:s12+s3] =	stream.indirect_vreg.scatter [tilespmem:s23], [sflag:$0x1], $0x80, v13, vm3, $0xb8;
	[tilespmem:$0x10590] =	vst v63  }
0x38: {  	s24 =	simm.s32 $0x2580  }
0x39: {  	[hbm4b:s5+s3] =	stream.indirect_vreg.scatter [tilespmem:s24], [sflag:$0x1], $0x80, v10, vm3, $0xb8;
	[tilespmem:$0x10590] =	vst v63  }
0x3a: {  	s26 =	simm.s32 $0x2D80  }
0x3b: {  	[hbm4b:s10+s3] =	stream.indirect_vreg.scatter [tilespmem:s26], [sflag:$0x1], $0x80, v10, vm3, $0xb8;
	[tilespmem:$0x10590] =	vst v63  }
0x3c: {  	s31 =	simm.s32 $0x3580  }
0x3d: {  	[hbm4b:s11+s3] =	stream.indirect_vreg.scatter [tilespmem:s31], [sflag:$0x1], $0x80, v10, vm3, $0xb8;
	[tilespmem:$0x10590] =	vst v63  }
0x3e: {  	s1 =	simm.s32 $0x3D80  }
0x3f: {  	[hbm4b:s12+s3] =	stream.indirect_vreg.scatter [tilespmem:s1], [sflag:$0x1], $0x80, v10, vm3, $0xb8;
	[tilespmem:$0x10590] =	vst v63  }
0x40: {  	v10 =	vld [tilespmem:$0x210];
	_ =	sdelay $0x4  }
0x41: {  	v59 =	vshll.u32 v10, $0x3  }
0x42: {  	v10 =	vand.u32 $0x7, v10;
	v13 =	vand.u32 $0xFFFFFFC0, v59  }
0x43: {  	v10 =	vor.u32 v10, v13  }
0x44: {  	v13 =	vperm.xlane v10, v11;
	_ =	sdelay $0x1  }
0x45: {  	v13 =	vadd.s32 v12, v13;
	_ =	sdelay $0x3  }
0x46: {  	s2 =	simm.s32 $0x4580  }
0x47: {  	[hbm4b:s5+s3] =	stream.indirect_vreg.scatter [tilespmem:s2], [sflag:$0x1], $0x80, v13, vm3, $0xb8;
	[tilespmem:$0x10590] =	vst v63  }
0x48: {  	s31 =	simm.s32 $0x4D80;
	v10 =	vperm.xlane v10, v14  }
0x49: {  	[hbm4b:s10+s3] =	stream.indirect_vreg.scatter [tilespmem:s31], [sflag:$0x1], $0x80, v13, vm3, $0xb8;
	[tilespmem:$0x10590] =	vst v63  }
0x4a: {  	s4 =	simm.s32 $0x5580;
	v10 =	vadd.s32 v12, v10  }
0x4b: {  	[hbm4b:s11+s3] =	stream.indirect_vreg.scatter [tilespmem:s4], [sflag:$0x1], $0x80, v13, vm3, $0xb8;
	[tilespmem:$0x10590] =	vst v63  }
0x4c: {  	s6 =	simm.s32 $0x5D80  }
0x4d: {  	[hbm4b:s12+s3] =	stream.indirect_vreg.scatter [tilespmem:s6], [sflag:$0x1], $0x80, v13, vm3, $0xb8;
	[tilespmem:$0x10590] =	vst v63  }
0x4e: {  	s7 =	simm.s32 $0x6580  }
0x4f: {  	[hbm4b:s5+s3] =	stream.indirect_vreg.scatter [tilespmem:s7], [sflag:$0x1], $0x80, v10, vm3, $0xb8;
	[tilespmem:$0x10590] =	vst v63  }
0x50: {  	s8 =	simm.s32 $0x6D80  }
0x51: {  	[hbm4b:s10+s3] =	stream.indirect_vreg.scatter [tilespmem:s8], [sflag:$0x1], $0x80, v10, vm3, $0xb8;
	[tilespmem:$0x10590] =	vst v63  }
0x52: {  	s14 =	simm.s32 $0x7580  }
0x53: {  	[hbm4b:s11+s3] =	stream.indirect_vreg.scatter [tilespmem:s14], [sflag:$0x1], $0x80, v10, vm3, $0xb8;
	[tilespmem:$0x10590] =	vst v63  }
0x54: {  	s15 =	simm.s32 $0x7D80  }
0x55: {  	[hbm4b:s12+s3] =	stream.indirect_vreg.scatter [tilespmem:s15], [sflag:$0x1], $0x80, v10, vm3, $0xb8;
	[tilespmem:$0x10590] =	vst v63  }
0x56: {  	v10 =	vld [tilespmem:$0x220];
	_ =	sdelay $0x4  }
0x57: {  	v60 =	vshll.u32 v10, $0x3  }
0x58: {  	v10 =	vand.u32 $0x7, v10;
	v13 =	vand.u32 $0xFFFFFFC0, v60  }
0x59: {  	v10 =	vor.u32 v10, v13  }
0x5a: {  	v13 =	vperm.xlane v10, v11;
	_ =	sdelay $0x1  }
0x5b: {  	v13 =	vadd.s32 v12, v13;
	_ =	sdelay $0x3  }
0x5c: {  	s4 =	simm.s32 $0x8580  }
0x5d: {  	[hbm4b:s5+s3] =	stream.indirect_vreg.scatter [tilespmem:s4], [sflag:$0x1], $0x80, v13, vm3, $0xb8;
	[tilespmem:$0x10590] =	vst v63  }
0x5e: {  	s2 =	simm.s32 $0x8D80;
	v10 =	vperm.xlane v10, v14  }
0x5f: {  	[hbm4b:s10+s3] =	stream.indirect_vreg.scatter [tilespmem:s2], [sflag:$0x1], $0x80, v13, vm3, $0xb8;
	[tilespmem:$0x10590] =	vst v63  }
0x60: {  	s23 =	simm.s32 $0x9580;
	v10 =	vadd.s32 v12, v10  }
0x61: {  	[hbm4b:s11+s3] =	stream.indirect_vreg.scatter [tilespmem:s23], [sflag:$0x1], $0x80, v13, vm3, $0xb8;
	[tilespmem:$0x10590] =	vst v63  }
0x62: {  	s30 =	simm.s32 $0x9D80  }
0x63: {  	[hbm4b:s12+s3] =	stream.indirect_vreg.scatter [tilespmem:s30], [sflag:$0x1], $0x80, v13, vm3, $0xb8;
	[tilespmem:$0x10590] =	vst v63  }
0x64: {  	s0 =	simm.s32 $0xA580  }
0x65: {  	[hbm4b:s5+s3] =	stream.indirect_vreg.scatter [tilespmem:s0], [sflag:$0x1], $0x80, v10, vm3, $0xb8;
	[tilespmem:$0x10590] =	vst v63  }
0x66: {  	s1 =	simm.s32 $0xAD80  }
0x67: {  	[hbm4b:s10+s3] =	stream.indirect_vreg.scatter [tilespmem:s1], [sflag:$0x1], $0x80, v10, vm3, $0xb8;
	[tilespmem:$0x10590] =	vst v63  }
0x68: {  	s6 =	simm.s32 $0xB580  }
0x69: {  	[hbm4b:s11+s3] =	stream.indirect_vreg.scatter [tilespmem:s6], [sflag:$0x1], $0x80, v10, vm3, $0xb8;
	[tilespmem:$0x10590] =	vst v63  }
0x6a: {  	s7 =	simm.s32 $0xBD80  }
0x6b: {  	[hbm4b:s12+s3] =	stream.indirect_vreg.scatter [tilespmem:s7], [sflag:$0x1], $0x80, v10, vm3, $0xb8;
	[tilespmem:$0x10590] =	vst v63  }
0x6c: {  	v10 =	vld [tilespmem:$0x230];
	_ =	sdelay $0x4  }
0x6d: {  	v61 =	vshll.u32 v10, $0x3  }
0x6e: {  	v10 =	vand.u32 $0x7, v10;
	v13 =	vand.u32 $0xFFFFFFC0, v61  }
0x6f: {  	v10 =	vor.u32 v10, v13  }
0x70: {  	v13 =	vperm.xlane v10, v11;
	_ =	sdelay $0x1  }
0x71: {  	v13 =	vadd.s32 v12, v13;
	_ =	sdelay $0x3  }
0x72: {  	s8 =	simm.s32 $0xC580  }
0x73: {  	[hbm4b:s5+s3] =	stream.indirect_vreg.scatter [tilespmem:s8], [sflag:$0x1], $0x80, v13, vm3, $0xb8;
	[tilespmem:$0x10590] =	vst v63  }
0x74: {  	s14 =	simm.s32 $0xCD80;
	v10 =	vperm.xlane v10, v14  }
0x75: {  	[hbm4b:s10+s3] =	stream.indirect_vreg.scatter [tilespmem:s14], [sflag:$0x1], $0x80, v13, vm3, $0xb8;
	[tilespmem:$0x10590] =	vst v63  }
0x76: {  	s17 =	simm.s32 $0xD580;
	v10 =	vadd.s32 v12, v10  }
0x77: {  	[hbm4b:s11+s3] =	stream.indirect_vreg.scatter [tilespmem:s17], [sflag:$0x1], $0x80, v13, vm3, $0xb8;
	[tilespmem:$0x10590] =	vst v63  }
0x78: {  	s18 =	simm.s32 $0xDD80  }
0x79: {  	[hbm4b:s12+s3] =	stream.indirect_vreg.scatter [tilespmem:s18], [sflag:$0x1], $0x80, v13, vm3, $0xb8;
	[tilespmem:$0x10590] =	vst v63  }
0x7a: {  	s19 =	simm.s32 $0xE580  }
0x7b: {  	[hbm4b:s5+s3] =	stream.indirect_vreg.scatter [tilespmem:s19], [sflag:$0x1], $0x80, v10, vm3, $0xb8;
	[tilespmem:$0x10590] =	vst v63  }
0x7c: {  	s24 =	simm.s32 $0xED80  }
0x7d: {  	[hbm4b:s10+s3] =	stream.indirect_vreg.scatter [tilespmem:s24], [sflag:$0x1], $0x80, v10, vm3, $0xb8;
	[tilespmem:$0x10590] =	vst v63  }
0x7e: {  	s26 =	simm.s32 $0xF580  }
0x7f: {  	[hbm4b:s11+s3] =	stream.indirect_vreg.scatter [tilespmem:s26], [sflag:$0x1], $0x80, v10, vm3, $0xb8;
	[tilespmem:$0x10590] =	vst v63  }
0x80: {  	s28 =	simm.s32 $0xFD80;
	s29 =	simm.s32 $0x1  }
0x81: {  	[hbm4b:s12+s3] =	stream.indirect_vreg.scatter [tilespmem:s28], [sflag:$0x1], $0x80, v10, vm3, $0xb8;
	[tilespmem:$0x10590] =	vst v63  }
0x82: {  	_ =	swait.ge [sflag:s29], $0x10000  }
0x83: {  	[sflag:s29] =	ssyncset.done $0x0  }
0x84: {  	s15 =	rddreg [dreg:$0xa];
	[sflag:s29] =	ssyncadd.s32 $0xFFFF0000  }
0x85: {  	[tilespmem:s9], [sflag:$0x2] =	stream.linear.gather [hbm4b:s15+s3], $0x10000, $0x38;
	[tilespmem:$0x10590] =	vst v63  }
0x86: {  	_ =	swait.ge [sflag:s20], $0x10000  }
0x87: {  	[sflag:s20] =	ssyncset.done $0x0  }
0x88: {  	[sflag:s20] =	ssyncadd.s32 $0xFFFF0000  }
0x89: {  	v10 =	vld [tilespmem:$0x280];
	_ =	sdelay $0x4  }
0x8a: {  	v62 =	vshll.u32 v10, $0x3  }
0x8b: {  	v10 =	vand.u32 $0x7, v10;
	v13 =	vand.u32 $0xFFFFFFC0, v62  }
0x8c: {  	v10 =	vor.u32 v10, v13  }
0x8d: {  	v13 =	vperm.xlane v10, v11;
	_ =	sdelay $0x1  }
0x8e: {  	v13 =	vadd.s32 v12, v13;
	_ =	sdelay $0x4  }
0x8f: {  	[hbm4b:s5+s3] =	stream.indirect_vreg.scatter [tilespmem:s9], [sflag:$0x1], $0x80, v13, vm3, $0xb8;
	[tilespmem:$0x10590] =	vst v63  }
0x90: {  	v10 =	vperm.xlane v10, v14  }
0x91: {  	[hbm4b:s10+s3] =	stream.indirect_vreg.scatter [tilespmem:s16], [sflag:$0x1], $0x80, v13, vm3, $0xb8;
	[tilespmem:$0x10590] =	vst v63  }
0x92: {  	v10 =	vadd.s32 v12, v10;
	s16 =	simm.s32 $0x1580  }
0x93: {  	[hbm4b:s11+s3] =	stream.indirect_vreg.scatter [tilespmem:s16], [sflag:$0x1], $0x80, v13, vm3, $0xb8;
	[tilespmem:$0x10590] =	vst v63  }
0x94: {  	s15 =	simm.s32 $0x1D80  }
0x95: {  	[hbm4b:s12+s3] =	stream.indirect_vreg.scatter [tilespmem:s15], [sflag:$0x1], $0x80, v13, vm3, $0xb8;
	[tilespmem:$0x10590] =	vst v63  }
0x96: {  	s16 =	simm.s32 $0x2580  }
0x97: {  	[hbm4b:s5+s3] =	stream.indirect_vreg.scatter [tilespmem:s16], [sflag:$0x1], $0x80, v10, vm3, $0xb8;
	[tilespmem:$0x10590] =	vst v63  }
0x98: {  	s15 =	simm.s32 $0x2D80  }
0x99: {  	[hbm4b:s10+s3] =	stream.indirect_vreg.scatter [tilespmem:s15], [sflag:$0x1], $0x80, v10, vm3, $0xb8;
	[tilespmem:$0x10590] =	vst v63  }
0x9a: {  	s16 =	simm.s32 $0x3580  }
0x9b: {  	[hbm4b:s11+s3] =	stream.indirect_vreg.scatter [tilespmem:s16], [sflag:$0x1], $0x80, v10, vm3, $0xb8;
	[tilespmem:$0x10590] =	vst v63  }
0x9c: {  	s15 =	simm.s32 $0x3D80  }
0x9d: {  	[hbm4b:s12+s3] =	stream.indirect_vreg.scatter [tilespmem:s15], [sflag:$0x1], $0x80, v10, vm3, $0xb8;
	[tilespmem:$0x10590] =	vst v63  }
0x9e: {  	v10 =	vld [tilespmem:$0x290];
	_ =	sdelay $0x4  }
0x9f: {  	v63 =	vshll.u32 v10, $0x3  }
0xa0: {  	v10 =	vand.u32 $0x7, v10;
	v13 =	vand.u32 $0xFFFFFFC0, v63  }
0xa1: {  	v10 =	vor.u32 v10, v13  }
0xa2: {  	v11 =	vperm.xlane v10, v11;
	_ =	sdelay $0x1  }
0xa3: {  	v11 =	vadd.s32 v12, v11;
	_ =	sdelay $0x3  }
0xa4: {  	s16 =	simm.s32 $0x4580  }
0xa5: {  	[hbm4b:s5+s3] =	stream.indirect_vreg.scatter [tilespmem:s16], [sflag:$0x1], $0x80, v11, vm3, $0xb8;
	[tilespmem:$0x10590] =	vst v63  }
0xa6: {  	v10 =	vperm.xlane v10, v14  }
0xa7: {  	[hbm4b:s10+s3] =	stream.indirect_vreg.scatter [tilespmem:s31], [sflag:$0x1], $0x80, v11, vm3, $0xb8;
	[tilespmem:$0x10590] =	vst v63  }
0xa8: {  	s15 =	simm.s32 $0x5580;
	v10 =	vadd.s32 v12, v10  }
0xa9: {  	[hbm4b:s11+s3] =	stream.indirect_vreg.scatter [tilespmem:s15], [sflag:$0x1], $0x80, v11, vm3, $0xb8;
	[tilespmem:$0x10590] =	vst v63  }
0xaa: {  	s16 =	simm.s32 $0x5D80  }
0xab: {  	[hbm4b:s12+s3] =	stream.indirect_vreg.scatter [tilespmem:s16], [sflag:$0x1], $0x80, v11, vm3, $0xb8;
	[tilespmem:$0x10590] =	vst v63  }
0xac: {  	s31 =	simm.s32 $0x6580  }
0xad: {  	[hbm4b:s5+s3] =	stream.indirect_vreg.scatter [tilespmem:s31], [sflag:$0x1], $0x80, v10, vm3, $0xb8;
	[tilespmem:$0x10590] =	vst v63  }
0xae: {  	s15 =	simm.s32 $0x6D80  }
0xaf: {  	[hbm4b:s10+s3] =	stream.indirect_vreg.scatter [tilespmem:s15], [sflag:$0x1], $0x80, v10, vm3, $0xb8;
	[tilespmem:$0x10590] =	vst v63  }
0xb0: {  	s16 =	simm.s32 $0x7580  }
0xb1: {  	[hbm4b:s11+s3] =	stream.indirect_vreg.scatter [tilespmem:s16], [sflag:$0x1], $0x80, v10, vm3, $0xb8;
	[tilespmem:$0x10590] =	vst v63  }
0xb2: {  	s31 =	simm.s32 $0x7D80;
	s15 =	simm.s32 $0x2B0;
	s16 =	simm.s32 $0x2A0  }
0xb3: {  	[hbm4b:s12+s3] =	stream.indirect_vreg.scatter [tilespmem:s31], [sflag:$0x1], $0x80, v10, vm3, $0xb8;
	[tilespmem:$0x10590] =	vst v63  }
.LBB2_10:
0xb4: {  	v10 =	vld [tilespmem:s16+$0x0];
	_ =	sdelay $0x4  }
0xb5: {  	v11 =	vshll.u32 v10, $0x3  }
0xb6: {  	v10 =	vand.u32 $0x7, v10;
	v11 =	vand.u32 $0xFFFFFFC0, v11  }
0xb7: {  	v12 =	vshrl.u32 v1, $0x3;
	v10 =	vor.u32 v10, v11;
	v11 =	vand.u32 $0x7, v1  }
0xb8: {  	v12 =	vmul.u32 $0x8, v12;
	v13 =	vperm.xlane v10, v11;
	_ =	sdelay $0x1  }
0xb9: {  	v13 =	vadd.s32 v12, v13;
	_ =	sdelay $0x4  }
0xba: {  	v14 =	vor.u32 $0x8, v1;
	[hbm4b:s5+s3] =	stream.indirect_vreg.scatter [tilespmem:s4], [sflag:$0x1], $0x80, v13, vm3, $0xb8;
	[tilespmem:$0x10590] =	vst v63  }
0xbb: {  	v10 =	vperm.xlane v10, v14  }
0xbc: {  	[hbm4b:s10+s3] =	stream.indirect_vreg.scatter [tilespmem:s2], [sflag:$0x1], $0x80, v13, vm3, $0xb8;
	[tilespmem:$0x10590] =	vst v63  }
0xbd: {  	v10 =	vadd.s32 v12, v10  }
0xbe: {  	[hbm4b:s11+s3] =	stream.indirect_vreg.scatter [tilespmem:s23], [sflag:$0x1], $0x80, v13, vm3, $0xb8;
	[tilespmem:$0x10590] =	vst v63  }
0xbf: {  	_ = 	snop  }
0xc0: {  	[hbm4b:s12+s3] =	stream.indirect_vreg.scatter [tilespmem:s30], [sflag:$0x1], $0x80, v13, vm3, $0xb8;
	[tilespmem:$0x10590] =	vst v63  }
0xc1: {  	_ = 	snop  }
0xc2: {  	[hbm4b:s5+s3] =	stream.indirect_vreg.scatter [tilespmem:s0], [sflag:$0x1], $0x80, v10, vm3, $0xb8;
	[tilespmem:$0x10590] =	vst v63  }
0xc3: {  	_ = 	snop  }
0xc4: {  	[hbm4b:s10+s3] =	stream.indirect_vreg.scatter [tilespmem:s1], [sflag:$0x1], $0x80, v10, vm3, $0xb8;
	[tilespmem:$0x10590] =	vst v63  }
0xc5: {  	_ = 	snop  }
0xc6: {  	[hbm4b:s11+s3] =	stream.indirect_vreg.scatter [tilespmem:s6], [sflag:$0x1], $0x80, v10, vm3, $0xb8;
	[tilespmem:$0x10590] =	vst v63  }
0xc7: {  	_ = 	snop  }
0xc8: {  	[hbm4b:s12+s3] =	stream.indirect_vreg.scatter [tilespmem:s7], [sflag:$0x1], $0x80, v10, vm3, $0xb8;
	[tilespmem:$0x10590] =	vst v63  }
0xc9: {  	v10 =	vld [tilespmem:s15+$0x0];
	_ =	sdelay $0x4  }
0xca: {  	v63 =	vshll.u32 v10, $0x3  }
0xcb: {  	v10 =	vand.u32 $0x7, v10;
	v13 =	vand.u32 $0xFFFFFFC0, v63  }
0xcc: {  	v10 =	vor.u32 v10, v13  }
0xcd: {  	v11 =	vperm.xlane v10, v11;
	_ =	sdelay $0x1  }
0xce: {  	v11 =	vadd.s32 v12, v11;
	_ =	sdelay $0x4  }
0xcf: {  	[hbm4b:s5+s3] =	stream.indirect_vreg.scatter [tilespmem:s8], [sflag:$0x1], $0x80, v11, vm3, $0xb8;
	[tilespmem:$0x10590] =	vst v63  }
0xd0: {  	v10 =	vperm.xlane v10, v14  }
0xd1: {  	[hbm4b:s10+s3] =	stream.indirect_vreg.scatter [tilespmem:s14], [sflag:$0x1], $0x80, v11, vm3, $0xb8;
	[tilespmem:$0x10590] =	vst v63  }
0xd2: {  	v10 =	vadd.s32 v12, v10  }
0xd3: {  	[hbm4b:s11+s3] =	stream.indirect_vreg.scatter [tilespmem:s17], [sflag:$0x1], $0x80, v11, vm3, $0xb8;
	[tilespmem:$0x10590] =	vst v63  }
0xd4: {  	_ = 	snop  }
0xd5: {  	[hbm4b:s12+s3] =	stream.indirect_vreg.scatter [tilespmem:s18], [sflag:$0x1], $0x80, v11, vm3, $0xb8;
	[tilespmem:$0x10590] =	vst v63  }
0xd6: {  	_ = 	snop  }
0xd7: {  	[hbm4b:s5+s3] =	stream.indirect_vreg.scatter [tilespmem:s19], [sflag:$0x1], $0x80, v10, vm3, $0xb8;
	[tilespmem:$0x10590] =	vst v63  }
0xd8: {  	_ = 	snop  }
0xd9: {  	[hbm4b:s10+s3] =	stream.indirect_vreg.scatter [tilespmem:s24], [sflag:$0x1], $0x80, v10, vm3, $0xb8;
	[tilespmem:$0x10590] =	vst v63  }
0xda: {  	_ = 	snop  }
0xdb: {  	[hbm4b:s11+s3] =	stream.indirect_vreg.scatter [tilespmem:s26], [sflag:$0x1], $0x80, v10, vm3, $0xb8;
	[tilespmem:$0x10590] =	vst v63  }
0xdc: {  	_ = 	snop  }
0xdd: {  	[hbm4b:s12+s3] =	stream.indirect_vreg.scatter [tilespmem:s28], [sflag:$0x1], $0x80, v10, vm3, $0xb8;
	[tilespmem:$0x10590] =	vst v63  }
0xde: {  	_ =	swait.ge [sflag:s29], $0x10000  }
0xdf: {  	s13 =	sadd.s32 $0x1, s13;
	s31 =	rddreg [dreg:$0x10]  }
0xe0: {  	p3 =	sne.s32 s13, s31  }
.Ltmp1:
0xe1: {  	_ = 	snop;
	(pc) =	sbr.rel @!p3 .LBB2_11-.Ltmp1, $3  }
0xe2: {  	_ =	sdelay $0x1  }
0xe3: {  	[sflag:s29] =	ssyncset.done $0x0  }
0xe4: {  	[sflag:s29] =	ssyncadd.s32 $0xFFFF0000  }
.LBB2_1:
0xe5: {  	s15 =	rddreg [dreg:$0x6]  }
0xe6: {  	[tilespmem:s3], [sflag:$0x2] =	stream.linear.gather [hbm4b:s15+s3], $0x100, $0x38;
	[tilespmem:$0x10590] =	vst v63  }
0xe7: {  	_ =	swait.ge [sflag:s20], $0x100  }
0xe8: {  	[sflag:s20] =	ssyncset.done $0x0  }
0xe9: {  	[sflag:s20] =	ssyncadd.s32 $0xFFFFFF00  }
0xea: {  	[tilespmem:$0x300] =	vst v0  }
0xeb: {  	v10 =	vld [tilespmem:s3+$0x0];
	_ =	sdelay $0x4  }
0xec: {  	v11 =	vor.u32 s3, v1;
	v10 =	vxor.u32 $0x80000000, v10  }
0xed: {  	(xrf1) =	vsort.ascd.msk.u32 $0xffff, v10, v11;
	_ =	sdelay $0xd  }
0xee: {  	v10, _, _ =	vpop (xrf1)  }
0xef: {  	v10 =	vxor.u32 $0x80000000, v10  }
0xf0: {  	[tilespmem:$0x380] =	vst v10  }
0xf1: {  	v11 =	vld.idx.msk [tilespmem:v2+s21+$0x0], $0xffff;
	_ =	sdelay $0x4  }
0xf2: {  	vm4 =	veq.s32 v10, v11  }
0xf3: {  	v11 =	vsel vm4, $0x80000000, v4  }
0xf4: {  	(xrf0) =	vmax.scan.msk.u32 $0xffff, v11;
	v11 =	vld.idx.msk [tilespmem:v3+s21+$0x0], $0xffff;
	_ =	sdelay $0x3  }
0xf5: {  	v12 =	vld.idx.msk [tilespmem:v10+s22+$0x0], $0xffff  }
0xf6: {  	vm4 =	vne.s32 v10, v11  }
0xf7: {  	vm4 =	vmor vm4, vm0  }
0xf8: {  	v13, _, _ =	vpop (xrf0)  }
0xf9: {  	v13 =	vxor.u32 $0x7FFFFFFF, v13  }
0xfa: {  	v11 =	vadd.s32 v13, v12  }
0xfb: {  	s16 =	simm.s32 $0x0;
	s15 =	simm.s32 $0x10;
	v11 =	vadd.s32 v5, v11  }
.LBB2_2:
0xfc: {  	p3 =	sne.s32 s15, $0xF0  }
0xfd: {  	[tilespmem:v10+s22+$0x0] =	vst.idx.msk vm4, v11;
	s16 =	sadd.s32 $0x10, s16;
	s17 =	smov.u32 s15;
	s15 =	sadd.s32 $0x10, s15  }
0xfe: {  	v10 =	vld [tilespmem:s16+$0x0];
	_ =	sdelay $0x4  }
0xff: {  	v11 =	vor.u32 s17, v1;
	v10 =	vxor.u32 $0x80000000, v10  }
0x100: {  	(xrf1) =	vsort.ascd.msk.u32 $0xffff, v10, v11;
	_ =	sdelay $0xd  }
0x101: {  	v10, _, _ =	vpop (xrf1)  }
0x102: {  	v10 =	vxor.u32 $0x80000000, v10  }
0x103: {  	[tilespmem:$0x380] =	vst v10  }
0x104: {  	v11 =	vld.idx.msk [tilespmem:v2+s21+$0x0], $0xffff;
	_ =	sdelay $0x4  }
0x105: {  	v12 =	vld.idx.msk [tilespmem:v3+s21+$0x0], $0xffff  }
0x106: {  	vm4 =	veq.s32 v10, v11  }
0x107: {  	v11 =	vsel vm4, $0x80000000, v4  }
0x108: {  	(xrf0) =	vmax.scan.msk.u32 $0xffff, v11;
	_ =	sdelay $0x1  }
0x109: {  	v11 =	vld.idx.msk [tilespmem:v10+s22+$0x0], $0xffff  }
0x10a: {  	vm4 =	vne.s32 v10, v12  }
0x10b: {  	vm4 =	vmor vm4, vm0  }
.Ltmp2:
0x10c: {  	(pc) =	sbr.rel @p3 .LBB2_2-.Ltmp2, $4  }
0x10d: {  	v12, _, _ =	vpop (xrf0)  }
0x10e: {  	v12 =	vxor.u32 $0x7FFFFFFF, v12  }
0x10f: {  	v11 =	vadd.s32 v12, v11  }
0x110: {  	v11 =	vadd.s32 v5, v11  }
0x111: {  	_ =	sdelay $0x4  }
0x112: {  	[tilespmem:v10+s22+$0x0] =	vst.idx.msk vm4, v11;
	s15 =	rddreg [dreg:$0x7]  }
0x113: {  	[spmem:s15] =	stream.linear.scatter [tilespmem:s22], [sflag:$0x2], $0x10, $0x38;
	[tilespmem:$0x10590] =	vst v63  }
0x114: {  	_ =	swait.ge [sflag:s20], $0x10  }
0x115: {  	[sflag:s20] =	ssyncset.done $0x0  }
0x116: {  	[sflag:s20] =	ssyncadd.s32 $0xFFFFFFF0  }
0x117: {  	[bflag:$0x0] =	sbarrier.arrive $0xFFFF  }
0x118: {  	s16 =	simm.s32 $0x400;
	s17 =	rddreg [dreg:$0x4]  }
0x119: {  	[tilespmem:s16], [sflag:$0x2] =	stream.linear.gather [spmem:s17], $0x100, $0x38;
	[tilespmem:$0x10590] =	vst v63  }
0x11a: {  	_ =	swait.ge [sflag:s20], $0x100  }
0x11b: {  	[sflag:s20] =	ssyncset.done $0x0  }
0x11c: {  	[sflag:s20] =	ssyncadd.s32 $0xFFFFFF00  }
0x11d: {  	v10 =	vld [tilespmem:$0x400]  }
0x11e: {  	v11 =	vld [tilespmem:$0x410]  }
0x11f: {  	v12 =	vld [tilespmem:$0x420]  }
0x120: {  	v13 =	vld [tilespmem:$0x430]  }
0x121: {  	v14 =	vld [tilespmem:$0x440]  }
0x122: {  	v15 =	vld [tilespmem:$0x450]  }
0x123: {  	v17 =	vld [tilespmem:$0x460];
	v16 =	vadd.s32 v10, v11  }
0x124: {  	v18 =	vld [tilespmem:$0x470];
	v16 =	vadd.s32 v16, v12  }
0x125: {  	v19 =	vld [tilespmem:$0x480];
	v16 =	vadd.s32 v16, v13  }
0x126: {  	v20 =	vld [tilespmem:$0x490];
	v16 =	vadd.s32 v16, v14  }
0x127: {  	v21 =	vld [tilespmem:$0x4A0];
	v16 =	vadd.s32 v16, v15  }
0x128: {  	v22 =	vld [tilespmem:$0x4B0];
	v16 =	vadd.s32 v16, v17  }
0x129: {  	v23 =	vld [tilespmem:$0x4C0];
	v16 =	vadd.s32 v16, v18  }
0x12a: {  	v24 =	vld [tilespmem:$0x4D0];
	v16 =	vadd.s32 v16, v19  }
0x12b: {  	v25 =	vld [tilespmem:$0x4E0];
	v16 =	vadd.s32 v16, v20  }
0x12c: {  	s0 =	sld [smem:$0x7FD];
	v26 =	vld [tilespmem:$0x4F0];
	v10 =	vpsel p2, $0x0, v10;
	v16 =	vadd.s32 v16, v21  }
0x12d: {  	s18 =	sld [smem:$0x7FC];
	v11 =	vpsel !p1, $0x0, v11;
	v54 =	vpsel !p6, $0x0, v13;
	v16 =	vadd.s32 v16, v22  }
0x12e: {  	s19 =	sld [smem:$0x7FB];
	v55 =	vpsel !p5, $0x0, v14;
	v56 =	vpsel !p4, $0x0, v15;
	v16 =	vadd.s32 v16, v23  }
0x12f: {  	p3 =	seq.s32 s0, $0x1;
	v10 =	vadd.s32 v10, v11;
	v11 =	vpsel !p0, $0x0, v12;
	v16 =	vadd.s32 v16, v24  }
0x130: {  	v59 =	vpsel !p3, $0x0, v17;
	p3 =	seq.s32 s18, $0x1;
	v10 =	vadd.s32 v10, v11;
	v53 =	vadd.s32 v16, v25  }
0x131: {  	v60 =	vpsel !p3, $0x0, v18;
	p3 =	seq.s32 s19, $0x1;
	v10 =	vadd.s32 v10, v54;
	v11 =	vadd.s32 v53, v26  }
0x132: {  	v62 =	vpsel !p3, $0x0, v19;
	v10 =	vadd.s32 v10, v55;
	v11 =	vadd.s32 $0x7F, v11  }
0x133: {  	s23 =	sld [smem:$0x7FA];
	v10 =	vadd.s32 v10, v56;
	v57 =	vand.u32 $0x7F, v11;
	v58 =	vshra.s32 v11, $0x1F  }
0x134: {  	s24 =	sld [smem:$0x7F7];
	vm5 =	vlt.s32 v11, $0x1;
	vm4 =	vne.s32 v57, $0x0;
	v12 =	vshrl.u32 v58, $0x19  }
0x135: {  	s26 =	sld [smem:$0x7F6];
	v10 =	vadd.s32 v10, v59;
	v11 =	vadd.s32 v12, v11;
	vm4 =	vmand vm5, vm4  }
0x136: {  	s28 =	sld [smem:$0x7F5];
	p3 =	seq.s32 s23, $0x1;
	v10 =	vadd.s32 v10, v60;
	v11 =	vshrl.u32 v11, $0x7;
	v61 =	vsel vm4, $0xFFFFFFFF, v0  }
0x137: {  	s29 =	sld [smem:$0x7F4];
	v63 =	vpsel !p3, $0x0, v20;
	p3 =	seq.s32 s24, $0x1;
	v10 =	vadd.s32 v10, v62;
	v11 =	vadd.s32 v61, v11  }
0x138: {  	s30 =	sld [smem:$0x7F3];
	v10 =	vadd.s32 v10, v63;
	v13 =	vshll.u32 v11, $0x7;
	v11 =	vpsel !p3, $0x0, v21;
	p3 =	seq.s32 s26, $0x1  }
0x139: {  	s31 =	sld [smem:$0x7F8];
	(xrf0) =	vadd.scan.msk.s32 $0xffff, v13;
	v10 =	vadd.s32 v10, v11;
	v11 =	vpsel !p3, $0x0, v22;
	p3 =	seq.s32 s28, $0x1  }
0x13a: {  	v10 =	vadd.s32 v10, v11;
	v11 =	vpsel !p3, $0x0, v23;
	p3 =	seq.s32 s29, $0x1  }
0x13b: {  	v10 =	vadd.s32 v10, v11;
	v11 =	vpsel !p3, $0x0, v24;
	p3 =	seq.s32 s30, $0x1  }
0x13c: {  	v10 =	vadd.s32 v10, v11;
	v11 =	vpsel !p3, $0x0, v25;
	p3 =	seq.s32 s31, $0x1  }
.Ltmp3:
0x13d: {  	_ = 	snop;
	(pc) =	sbr.rel @p3 .LBB2_5-.Ltmp3, $4  }
0x13e: {  	v10 =	vadd.s32 v10, v11  }
0x13f: {  	v10 =	vsub.s32 v10, v13;
	v11, _, _ =	vpop (xrf0)  }
0x140: {  	v10 =	vadd.s32 v11, v10  }
0x141: {  	[tilespmem:$0x300] =	vst v10  }
0x142: {  	v10 =	vnsel vm1, $0x0, v11;
	vm4 =	vcmask $0x308  }
0x143: {  	(xrf0) =	vadd.scan.msk.s32 $0xffff, v10;
	v10 =	vsel vm4, $0x0, v11;
	vm4 =	vcmask $0x70C  }
0x144: {  	(xrf0) =	vadd.scan.msk.s32 $0xffff, v10;
	v10 =	vsel vm4, $0x0, v11;
	vm4 =	vcmask $0xB10  }
0x145: {  	(xrf0) =	vadd.scan.msk.s32 $0xffff, v10;
	v10 =	vsel vm4, $0x0, v11;
	vm4 =	vcmask $0xF14  }
0x146: {  	(xrf0) =	vadd.scan.msk.s32 $0xffff, v10;
	v10 =	vsel vm4, $0x0, v11  }
0x147: {  	(xrf0) =	vadd.scan.msk.s32 $0xffff, v10  }
0x148: {  	v15 =	vsel vm10, $0x0, v11;
	v58 =	vsel vm11, $0x0, v11;
	v10 =	vsel vm6, $0x0, v11  }
0x149: {  	v59 =	vsel vm12, $0x0, v11;
	v60 =	vsel vm13, $0x0, v11;
	v12, _, _ =	vpop (xrf0);
	(xrf0) =	vadd.scan.msk.s32 $0xffff, v10;
	v10 =	vsel vm7, $0x0, v11  }
0x14a: {  	v61 =	vsel vm14, $0x0, v11;
	v12 =	vbroadcast v12, $0xF;
	v13, _, _ =	vpop (xrf0);
	(xrf0) =	vadd.scan.msk.s32 $0xffff, v10;
	v10 =	vsel vm8, $0x0, v11  }
0x14b: {  	v62 =	vsel vm15, $0x0, v11;
	v13 =	vbroadcast v13, $0xF;
	v14, _, _ =	vpop (xrf0);
	(xrf0) =	vadd.scan.msk.s32 $0xffff, v10;
	v10 =	vsel vm9, $0x0, v11  }
0x14c: {  	v11 =	vsel vm2, $0x0, v11;
	vm4 =	vlt.s32 v12, v6;
	v14 =	vbroadcast v14, $0xF;
	v16, _, _ =	vpop (xrf0)  }
0x14d: {  	(xrf0) =	vadd.scan.msk.s32 $0xffff, v10;
	v10 =	vsel vm4, $0x1, v0;
	vm4 =	vlt.s32 v13, v6;
	v16 =	vbroadcast v16, $0xF;
	v17, _, _ =	vpop (xrf0)  }
0x14e: {  	(xrf0) =	vadd.scan.msk.s32 $0xffff, v15;
	vm5 =	vlt.s32 v14, v6;
	v18 =	vsel vm4, $0x1, v0;
	v17 =	vbroadcast v17, $0xF  }
0x14f: {  	(xrf0) =	vadd.scan.msk.s32 $0xffff, v58;
	v19 =	vsel vm5, $0x1, v0;
	v20, _, _ =	vpop (xrf0);
	vm4 =	vlt.s32 v16, v6;
	v10 =	vadd.s32 v18, v10  }
0x150: {  	(xrf0) =	vadd.scan.msk.s32 $0xffff, v59;
	v21, _, _ =	vpop (xrf0);
	v22 =	vsel vm4, $0x1, v0;
	v20 =	vbroadcast v20, $0xF;
	vm4 =	vlt.s32 v17, v6  }
0x151: {  	v10 =	vadd.s32 v19, v10;
	v23, _, _ =	vpop (xrf0);
	v21 =	vbroadcast v21, $0xF;
	v63 =	vsel vm4, $0x1, v0  }
0x152: {  	(xrf0) =	vadd.scan.msk.s32 $0xffff, v60;
	v10 =	vadd.s32 v22, v10;
	vm4 =	vlt.s32 v20, v6;
	v23 =	vbroadcast v23, $0xF  }
0x153: {  	(xrf0) =	vadd.scan.msk.s32 $0xffff, v61;
	v24, _, _ =	vpop (xrf0);
	v10 =	vadd.s32 v63, v10;
	v26 =	vsel vm4, $0x1, v0;
	vm4 =	vlt.s32 v21, v6  }
0x154: {  	(xrf0) =	vadd.scan.msk.s32 $0xffff, v62;
	v25, _, _ =	vpop (xrf0);
	v24 =	vbroadcast v24, $0xF;
	v28 =	vsel vm4, $0x1, v0;
	vm4 =	vlt.s32 v23, v6  }
0x155: {  	(xrf0) =	vadd.scan.msk.s32 $0xffff, v11;
	v11, _, _ =	vpop (xrf0);
	v25 =	vbroadcast v25, $0xF;
	v10 =	vadd.s32 v26, v10;
	v30 =	vsel vm4, $0x1, v0  }
0x156: {  	v27, _, _ =	vpop (xrf0);
	vm4 =	vlt.s32 v24, v6;
	v11 =	vbroadcast v11, $0xF;
	v10 =	vadd.s32 v28, v10  }
0x157: {  	v32 =	vsel vm4, $0x1, v0;
	vm4 =	vlt.s32 v25, v6;
	v27 =	vbroadcast v27, $0xF  }
0x158: {  	v29, _, _ =	vpop (xrf0);
	v10 =	vadd.s32 v30, v10;
	v34 =	vsel vm4, $0x1, v0;
	vm4 =	vlt.s32 v11, v6  }
0x159: {  	v31, _, _ =	vpop (xrf0);
	v29 =	vbroadcast v29, $0xF;
	v10 =	vadd.s32 v32, v10;
	v35 =	vsel vm4, $0x1, v0  }
0x15a: {  	v33, _, _ =	vpop (xrf0);
	vm4 =	vlt.s32 v27, v6;
	v31 =	vbroadcast v31, $0xF;
	v10 =	vadd.s32 v34, v10  }
0x15b: {  	v36, _, _ =	vpop (xrf0);
	vm5 =	vlt.s32 v29, v6;
	v33 =	vbroadcast v33, $0xF;
	v37 =	vsel vm4, $0x1, v0  }
0x15c: {  	v10 =	vadd.s32 v35, v10;
	v36 =	vbroadcast v36, $0xF;
	vm4 =	vlt.s32 v31, v6  }
0x15d: {  	v38 =	vsel vm5, $0x1, v0;
	v10 =	vadd.s32 v37, v10;
	v39 =	vsel vm4, $0x1, v0  }
0x15e: {  	vm4 =	vlt.s32 v33, v6;
	v10 =	vadd.s32 v38, v10;
	vm5 =	vlt.s32 v36, v6  }
0x15f: {  	v40 =	vsel vm4, $0x1, v0;
	vm4 =	vlt.s32 v12, v7;
	v10 =	vadd.s32 v39, v10  }
0x160: {  	v41 =	vsel vm5, $0x1, v0;
	v42 =	vsel vm4, $0x1, v0;
	vm4 =	vlt.s32 v13, v7  }
0x161: {  	vm5 =	vlt.s32 v14, v7;
	v10 =	vadd.s32 v40, v10;
	v43 =	vsel vm4, $0x1, v0  }
0x162: {  	v44 =	vsel vm5, $0x1, v0;
	vm4 =	vlt.s32 v16, v7;
	vm5 =	vlt.s32 v20, v7  }
0x163: {  	v10 =	vadd.s32 v41, v10;
	v45 =	vsel vm4, $0x1, v0;
	vm4 =	vlt.s32 v17, v7  }
0x164: {  	v47 =	vsel vm5, $0x1, v0;
	vm5 =	vlt.s32 v24, v7;
	v61 =	vadd.s32 v43, v42  }
0x165: {  	v10 =	vmin.u32 v10, $0xF;
	v46 =	vsel vm4, $0x1, v0;
	vm4 =	vlt.s32 v21, v7  }
0x166: {  	v50 =	vsel vm5, $0x1, v0;
	vm5 =	vlt.s32 v27, v7;
	v19 =	vadd.s32 v44, v61  }
0x167: {  	v48 =	vsel vm4, $0x1, v0;
	vm4 =	vlt.s32 v23, v7;
	v53 =	vsel vm5, $0x1, v0  }
0x168: {  	vm5 =	vlt.s32 v33, v7;
	v62 =	vadd.s32 v45, v19;
	v49 =	vsel vm4, $0x1, v0  }
0x169: {  	vm4 =	vlt.s32 v25, v7;
	v56 =	vsel vm5, $0x1, v0;
	vm5 =	vlt.s32 v13, v8  }
0x16a: {  	v51 =	vsel vm4, $0x1, v0;
	vm4 =	vlt.s32 v11, v7;
	v13 =	vsel vm5, $0x1, v0  }
0x16b: {  	vm5 =	vlt.s32 v17, v8;
	v52 =	vsel vm4, $0x1, v0;
	vm4 =	vlt.s32 v29, v7  }
0x16c: {  	v17 =	vsel vm5, $0x1, v0;
	vm5 =	vlt.s32 v23, v8;
	v54 =	vsel vm4, $0x1, v0  }
0x16d: {  	vm4 =	vlt.s32 v31, v7;
	v23 =	vsel vm5, $0x1, v0;
	vm5 =	vlt.s32 v11, v8  }
0x16e: {  	v55 =	vsel vm4, $0x1, v0;
	vm4 =	vlt.s32 v36, v7;
	v58 =	vsel vm5, $0x1, v0  }
0x16f: {  	vm5 =	vlt.s32 v31, v8;
	v57 =	vsel vm4, $0x1, v0;
	vm4 =	vlt.s32 v12, v8  }
0x170: {  	v31 =	vsel vm5, $0x1, v0;
	v12 =	vsel vm4, $0x1, v0;
	vm4 =	vlt.s32 v14, v8  }
0x171: {  	v14 =	vsel vm4, $0x1, v0;
	vm4 =	vlt.s32 v16, v8;
	v12 =	vadd.s32 v13, v12  }
0x172: {  	v13 =	vadd.s32 v46, v62;
	v16 =	vsel vm4, $0x1, v0;
	vm4 =	vlt.s32 v20, v8  }
0x173: {  	v12 =	vadd.s32 v14, v12;
	v13 =	vadd.s32 v47, v13;
	v20 =	vsel vm4, $0x1, v0  }
0x174: {  	vm4 =	vlt.s32 v21, v8;
	v12 =	vadd.s32 v16, v12;
	v13 =	vadd.s32 v48, v13  }
0x175: {  	v21 =	vsel vm4, $0x1, v0;
	vm4 =	vlt.s32 v24, v8;
	v12 =	vadd.s32 v17, v12  }
0x176: {  	v13 =	vadd.s32 v49, v13;
	v24 =	vsel vm4, $0x1, v0;
	v12 =	vadd.s32 v20, v12  }
0x177: {  	vm4 =	vlt.s32 v25, v8;
	v13 =	vadd.s32 v50, v13;
	v12 =	vadd.s32 v21, v12  }
0x178: {  	v11 =	vsel vm4, $0x1, v0;
	vm4 =	vlt.s32 v27, v8;
	v12 =	vadd.s32 v23, v12  }
0x179: {  	v13 =	vadd.s32 v51, v13;
	v27 =	vsel vm4, $0x1, v0;
	v12 =	vadd.s32 v24, v12  }
0x17a: {  	vm4 =	vlt.s32 v29, v8;
	v13 =	vadd.s32 v52, v13;
	v11 =	vadd.s32 v11, v12  }
0x17b: {  	v29 =	vsel vm4, $0x1, v0;
	v63 =	vadd.s32 v53, v13;
	v11 =	vadd.s32 v58, v11  }
0x17c: {  	vm4 =	vlt.s32 v33, v8;
	v12 =	vadd.s32 v54, v63;
	v11 =	vadd.s32 v27, v11  }
0x17d: {  	v59 =	vsel vm4, $0x1, v0;
	v12 =	vadd.s32 v55, v12;
	v11 =	vadd.s32 v29, v11  }
0x17e: {  	vm4 =	vlt.s32 v36, v8;
	v12 =	vadd.s32 v56, v12;
	v11 =	vadd.s32 v31, v11  }
0x17f: {  	v60 =	vsel vm4, $0x1, v0;
	v12 =	vadd.s32 v57, v12;
	v11 =	vadd.s32 v59, v11  }
0x180: {  	[tilespmem:$0x500] =	vst v10;
	v10 =	vmin.u32 v12, $0xF;
	v11 =	vadd.s32 v60, v11  }
0x181: {  	[tilespmem:$0x510] =	vst v10;
	v10 =	vmin.u32 v11, $0xF  }
0x182: {  	s15 =	rddreg [dreg:$0x3];
	s16 =	simm.s32 $0x500;
	[tilespmem:$0x520] =	vst v10  }
0x183: {  	[hbm4b:s15+s3] =	stream.linear.scatter [tilespmem:s16], [sflag:$0x2], $0x80, $0x38;
	[tilespmem:$0x10590] =	vst v63  }
0x184: {  	_ =	swait.ge [sflag:s20], $0x80  }
0x185: {  	[sflag:s20] =	ssyncset.done $0x0  }
0x186: {  	[sflag:s20] =	ssyncadd.s32 $0xFFFFFF80  }
.LBB2_5:
0x187: {  	s15 =	simm.s32 $0x0  }
0x188: {  	v10 =	vld [tilespmem:s15+$0x0];
	_ =	sdelay $0x4  }
0x189: {  	v11 =	vor.u32 s15, v1;
	v10 =	vxor.u32 $0x80000000, v10  }
0x18a: {  	(xrf1) =	vsort.ascd.msk.u32 $0xffff, v10, v11;
	_ =	sdelay $0xd  }
0x18b: {  	v10, v11, _ =	vpop (xrf1)  }
0x18c: {  	v10 =	vxor.u32 $0x80000000, v10  }
0x18d: {  	[tilespmem:$0x380] =	vst v10  }
0x18e: {  	v12 =	vld.idx.msk [tilespmem:v2+s21+$0x0], $0xffff;
	_ =	sdelay $0x1  }
0x18f: {  	v13 =	vshra.s32 v11, $0x1F  }
0x190: {  	v13 =	vshrl.u32 v13, $0x1A  }
0x191: {  	v13 =	vadd.s32 v13, v11  }
0x192: {  	v13 =	vshra.s32 v13, $0x6;
	vm4 =	veq.s32 v10, v12  }
0x193: {  	v59 =	vshll.u32 v13, $0x6;
	v14 =	vsel vm4, $0x80000000, v4  }
0x194: {  	v62 =	vld.idx.msk [tilespmem:v3+s21+$0x0], $0xffff;
	vm5 =	vne.s32 v11, v59;
	vm4 =	vlt.s32 v11, $0x1;
	(xrf0) =	vmax.scan.msk.u32 $0xffff, v14  }
0x195: {  	vm4 =	vmand vm4, vm5  }
0x196: {  	v60 =	vsel vm4, $0xFFFFFFFF, v0  }
0x197: {  	v61 =	vld.idx.msk [tilespmem:v10+s22+$0x0], $0xffff;
	v12 =	vadd.s32 v60, v13  }
0x198: {  	v11 =	vand.u32 $0x3F, v11;
	v12 =	vshll.u32 v12, $0x7  }
0x199: {  	vm4 =	vne.s32 v10, v62;
	v11 =	vor.u32 v11, v12  }
0x19a: {  	vm4 =	vmor vm4, vm0;
	v63, _, _ =	vpop (xrf0)  }
0x19b: {  	v12 =	vxor.u32 $0x80000000, v63  }
0x19c: {  	v12 =	vsub.s32 v61, v12  }
0x19d: {  	v13 =	vadd.s32 v1, v12  }
0x19e: {  	s16 =	simm.s32 $0x10;
	[tilespmem:v11+s25+$0x0] =	vst.idx.msk $0xffff, v13;
	v11 =	vadd.s32 v9, v12  }
.LBB2_6:
0x19f: {  	p3 =	sne.s32 s16, $0xF0  }
0x1a0: {  	[tilespmem:v10+s22+$0x0] =	vst.idx.msk vm4, v11;
	s15 =	sadd.s32 $0x10, s15;
	s17 =	smov.u32 s16;
	s16 =	sadd.s32 $0x10, s16  }
0x1a1: {  	v10 =	vld [tilespmem:s15+$0x0];
	_ =	sdelay $0x4  }
0x1a2: {  	v11 =	vor.u32 s17, v1;
	v10 =	vxor.u32 $0x80000000, v10  }
0x1a3: {  	(xrf1) =	vsort.ascd.msk.u32 $0xffff, v10, v11;
	_ =	sdelay $0xd  }
0x1a4: {  	v10, v11, _ =	vpop (xrf1)  }
0x1a5: {  	v10 =	vxor.u32 $0x80000000, v10;
	v12 =	vshra.s32 v11, $0x1F  }
0x1a6: {  	[tilespmem:$0x380] =	vst v10;
	v12 =	vshrl.u32 v12, $0x1A  }
0x1a7: {  	v13 =	vld.idx.msk [tilespmem:v2+s21+$0x0], $0xffff;
	v12 =	vadd.s32 v12, v11  }
0x1a8: {  	v12 =	vshra.s32 v12, $0x6  }
0x1a9: {  	v14 =	vshll.u32 v12, $0x6  }
0x1aa: {  	vm4 =	vlt.s32 v11, $0x1;
	vm5 =	vne.s32 v11, v14  }
0x1ab: {  	vm4 =	vmand vm4, vm5  }
0x1ac: {  	v14 =	vsel vm4, $0xFFFFFFFF, v0  }
0x1ad: {  	vm4 =	veq.s32 v10, v13;
	v15 =	vld.idx.msk [tilespmem:v3+s21+$0x0], $0xffff;
	v12 =	vadd.s32 v14, v12  }
0x1ae: {  	v13 =	vsel vm4, $0x80000000, v4;
	v12 =	vshll.u32 v12, $0x7  }
0x1af: {  	(xrf0) =	vmax.scan.msk.u32 $0xffff, v13;
	_ =	sdelay $0x1  }
0x1b0: {  	v13 =	vld.idx.msk [tilespmem:v10+s22+$0x0], $0xffff;
	_ =	sdelay $0x1  }
0x1b1: {  	v11 =	vand.u32 $0x3F, v11;
	vm4 =	vne.s32 v10, v15  }
0x1b2: {  	v11 =	vor.u32 v11, v12;
	vm4 =	vmor vm4, vm0  }
.Ltmp4:
0x1b3: {  	v12, _, _ =	vpop (xrf0);
	(pc) =	sbr.rel @p3 .LBB2_6-.Ltmp4, $4  }
0x1b4: {  	v12 =	vxor.u32 $0x80000000, v12  }
0x1b5: {  	v12 =	vsub.s32 v13, v12  }
0x1b6: {  	v13 =	vadd.s32 v1, v12  }
0x1b7: {  	[tilespmem:v11+s25+$0x0] =	vst.idx.msk $0xffff, v13;
	v11 =	vadd.s32 v9, v12  }
0x1b8: {  	s0 =	sld [smem:$0x7F9];
	_ =	sdelay $0x2  }
0x1b9: {  	p3 =	seq.s32 s0, $0x1  }
.Ltmp5:
0x1ba: {  	_ = 	snop;
	(pc) =	sbr.rel @p3 .LBB2_9-.Ltmp5, $2  }
0x1bb: {  	_ =	sdelay $0x2  }
0x1bc: {  	[tilespmem:v10+s22+$0x0] =	vst.idx.msk vm4, v11  }
0x1bd: {  	s15 =	rddreg [dreg:$0xb]  }
0x1be: {  	[hbm4b:s15+s3] =	stream.linear.scatter [tilespmem:s25], [sflag:$0x2], $0x40, $0x38;
	[tilespmem:$0x10590] =	vst v63  }
0x1bf: {  	_ =	swait.ge [sflag:s20], $0x40  }
0x1c0: {  	[sflag:s20] =	ssyncset.done $0x0  }
0x1c1: {  	s16 =	simm.s32 $0x180;
	s8 =	rddreg [dreg:$0xc];
	[sflag:s20] =	ssyncadd.s32 $0xFFFFFFC0  }
0x1c2: {  	[hbm4b:s8+s3] =	stream.linear.scatter [tilespmem:s16], [sflag:$0x2], $0x40, $0x38;
	[tilespmem:$0x10590] =	vst v63  }
0x1c3: {  	_ =	swait.ge [sflag:s20], $0x40  }
0x1c4: {  	[sflag:s20] =	ssyncset.done $0x0  }
0x1c5: {  	s14 =	simm.s32 $0x200;
	s9 =	rddreg [dreg:$0xd];
	[sflag:s20] =	ssyncadd.s32 $0xFFFFFFC0  }
0x1c6: {  	[hbm4b:s9+s3] =	stream.linear.scatter [tilespmem:s14], [sflag:$0x2], $0x40, $0x38;
	[tilespmem:$0x10590] =	vst v63  }
0x1c7: {  	_ =	swait.ge [sflag:s20], $0x40  }
0x1c8: {  	[sflag:s20] =	ssyncset.done $0x0  }
0x1c9: {  	s18 =	simm.s32 $0x280;
	s17 =	rddreg [dreg:$0xe];
	[sflag:s20] =	ssyncadd.s32 $0xFFFFFFC0  }
0x1ca: {  	[hbm4b:s17+s3] =	stream.linear.scatter [tilespmem:s18], [sflag:$0x2], $0x40, $0x38;
	[tilespmem:$0x10590] =	vst v63  }
0x1cb: {  	_ =	swait.ge [sflag:s20], $0x40  }
0x1cc: {  	[sflag:s20] =	ssyncset.done $0x0  }
0x1cd: {  	s9 =	simm.s32 $0x580;
	s19 =	rddreg [dreg:$0x8];
	[sflag:s20] =	ssyncadd.s32 $0xFFFFFFC0  }
0x1ce: {  	[tilespmem:s9], [sflag:$0x2] =	stream.linear.gather [hbm4b:s19+s3], $0x10000, $0x38;
	[tilespmem:$0x10590] =	vst v63  }
0x1cf: {  	_ =	swait.ge [sflag:s20], $0x10000  }
0x1d0: {  	[sflag:s20] =	ssyncset.done $0x0  }
0x1d1: {  	[sflag:s20] =	ssyncadd.s32 $0xFFFF0000  }
0x1d2: {  	v10 =	vld [tilespmem:$0x100];
	_ =	sdelay $0x4  }
0x1d3: {  	v11 =	vshll.u32 v10, $0x3  }
0x1d4: {  	v10 =	vand.u32 $0x7, v10;
	v11 =	vand.u32 $0xFFFFFFC0, v11  }
0x1d5: {  	v12 =	vshrl.u32 v1, $0x3;
	v10 =	vor.u32 v10, v11;
	v11 =	vand.u32 $0x7, v1  }
0x1d6: {  	v12 =	vmul.u32 $0x8, v12;
	v13 =	vperm.xlane v10, v11;
	_ =	sdelay $0x1  }
0x1d7: {  	v13 =	vadd.s32 v12, v13;
	_ =	sdelay $0x4  }
0x1d8: {  	v14 =	vor.u32 $0x8, v1;
	[hbm4b:s5+s3] =	stream.indirect_vreg.scatter [tilespmem:s9], [sflag:$0x1], $0x80, v13, vm3, $0xb8;
	[tilespmem:$0x10590] =	vst v63  }
0x1d9: {  	s16 =	simm.s32 $0xD80;
	v10 =	vperm.xlane v10, v14  }
0x1da: {  	[hbm4b:s10+s3] =	stream.indirect_vreg.scatter [tilespmem:s16], [sflag:$0x1], $0x80, v13, vm3, $0xb8;
	[tilespmem:$0x10590] =	vst v63  }
0x1db: {  	s0 =	simm.s32 $0x1580;
	v10 =	vadd.s32 v12, v10  }
0x1dc: {  	[hbm4b:s11+s3] =	stream.indirect_vreg.scatter [tilespmem:s0], [sflag:$0x1], $0x80, v13, vm3, $0xb8;
	[tilespmem:$0x10590] =	vst v63  }
0x1dd: {  	s23 =	simm.s32 $0x1D80  }
0x1de: {  	[hbm4b:s12+s3] =	stream.indirect_vreg.scatter [tilespmem:s23], [sflag:$0x1], $0x80, v13, vm3, $0xb8;
	[tilespmem:$0x10590] =	vst v63  }
0x1df: {  	s24 =	simm.s32 $0x2580  }
0x1e0: {  	[hbm4b:s5+s3] =	stream.indirect_vreg.scatter [tilespmem:s24], [sflag:$0x1], $0x80, v10, vm3, $0xb8;
	[tilespmem:$0x10590] =	vst v63  }
0x1e1: {  	s26 =	simm.s32 $0x2D80  }
0x1e2: {  	[hbm4b:s10+s3] =	stream.indirect_vreg.scatter [tilespmem:s26], [sflag:$0x1], $0x80, v10, vm3, $0xb8;
	[tilespmem:$0x10590] =	vst v63  }
0x1e3: {  	s31 =	simm.s32 $0x3580  }
0x1e4: {  	[hbm4b:s11+s3] =	stream.indirect_vreg.scatter [tilespmem:s31], [sflag:$0x1], $0x80, v10, vm3, $0xb8;
	[tilespmem:$0x10590] =	vst v63  }
0x1e5: {  	s1 =	simm.s32 $0x3D80  }
0x1e6: {  	[hbm4b:s12+s3] =	stream.indirect_vreg.scatter [tilespmem:s1], [sflag:$0x1], $0x80, v10, vm3, $0xb8;
	[tilespmem:$0x10590] =	vst v63  }
0x1e7: {  	v10 =	vld [tilespmem:$0x110];
	_ =	sdelay $0x4  }
0x1e8: {  	v59 =	vshll.u32 v10, $0x3  }
0x1e9: {  	v10 =	vand.u32 $0x7, v10;
	v13 =	vand.u32 $0xFFFFFFC0, v59  }
0x1ea: {  	v10 =	vor.u32 v10, v13  }
0x1eb: {  	v13 =	vperm.xlane v10, v11;
	_ =	sdelay $0x1  }
0x1ec: {  	v13 =	vadd.s32 v12, v13;
	_ =	sdelay $0x3  }
0x1ed: {  	s2 =	simm.s32 $0x4580  }
0x1ee: {  	[hbm4b:s5+s3] =	stream.indirect_vreg.scatter [tilespmem:s2], [sflag:$0x1], $0x80, v13, vm3, $0xb8;
	[tilespmem:$0x10590] =	vst v63  }
0x1ef: {  	s31 =	simm.s32 $0x4D80;
	v10 =	vperm.xlane v10, v14  }
0x1f0: {  	[hbm4b:s10+s3] =	stream.indirect_vreg.scatter [tilespmem:s31], [sflag:$0x1], $0x80, v13, vm3, $0xb8;
	[tilespmem:$0x10590] =	vst v63  }
0x1f1: {  	s4 =	simm.s32 $0x5580;
	v10 =	vadd.s32 v12, v10  }
0x1f2: {  	[hbm4b:s11+s3] =	stream.indirect_vreg.scatter [tilespmem:s4], [sflag:$0x1], $0x80, v13, vm3, $0xb8;
	[tilespmem:$0x10590] =	vst v63  }
0x1f3: {  	s6 =	simm.s32 $0x5D80  }
0x1f4: {  	[hbm4b:s12+s3] =	stream.indirect_vreg.scatter [tilespmem:s6], [sflag:$0x1], $0x80, v13, vm3, $0xb8;
	[tilespmem:$0x10590] =	vst v63  }
0x1f5: {  	s7 =	simm.s32 $0x6580  }
0x1f6: {  	[hbm4b:s5+s3] =	stream.indirect_vreg.scatter [tilespmem:s7], [sflag:$0x1], $0x80, v10, vm3, $0xb8;
	[tilespmem:$0x10590] =	vst v63  }
0x1f7: {  	s8 =	simm.s32 $0x6D80  }
0x1f8: {  	[hbm4b:s10+s3] =	stream.indirect_vreg.scatter [tilespmem:s8], [sflag:$0x1], $0x80, v10, vm3, $0xb8;
	[tilespmem:$0x10590] =	vst v63  }
0x1f9: {  	s14 =	simm.s32 $0x7580  }
0x1fa: {  	[hbm4b:s11+s3] =	stream.indirect_vreg.scatter [tilespmem:s14], [sflag:$0x1], $0x80, v10, vm3, $0xb8;
	[tilespmem:$0x10590] =	vst v63  }
0x1fb: {  	s15 =	simm.s32 $0x7D80  }
0x1fc: {  	[hbm4b:s12+s3] =	stream.indirect_vreg.scatter [tilespmem:s15], [sflag:$0x1], $0x80, v10, vm3, $0xb8;
	[tilespmem:$0x10590] =	vst v63  }
0x1fd: {  	v10 =	vld [tilespmem:$0x120];
	_ =	sdelay $0x4  }
0x1fe: {  	v60 =	vshll.u32 v10, $0x3  }
0x1ff: {  	v10 =	vand.u32 $0x7, v10;
	v13 =	vand.u32 $0xFFFFFFC0, v60  }
0x200: {  	v10 =	vor.u32 v10, v13  }
0x201: {  	v13 =	vperm.xlane v10, v11;
	_ =	sdelay $0x1  }
0x202: {  	v13 =	vadd.s32 v12, v13;
	_ =	sdelay $0x3  }
0x203: {  	s4 =	simm.s32 $0x8580  }
0x204: {  	[hbm4b:s5+s3] =	stream.indirect_vreg.scatter [tilespmem:s4], [sflag:$0x1], $0x80, v13, vm3, $0xb8;
	[tilespmem:$0x10590] =	vst v63  }
0x205: {  	s2 =	simm.s32 $0x8D80;
	v10 =	vperm.xlane v10, v14  }
0x206: {  	[hbm4b:s10+s3] =	stream.indirect_vreg.scatter [tilespmem:s2], [sflag:$0x1], $0x80, v13, vm3, $0xb8;
	[tilespmem:$0x10590] =	vst v63  }
0x207: {  	s23 =	simm.s32 $0x9580;
	v10 =	vadd.s32 v12, v10  }
0x208: {  	[hbm4b:s11+s3] =	stream.indirect_vreg.scatter [tilespmem:s23], [sflag:$0x1], $0x80, v13, vm3, $0xb8;
	[tilespmem:$0x10590] =	vst v63  }
0x209: {  	s30 =	simm.s32 $0x9D80  }
0x20a: {  	[hbm4b:s12+s3] =	stream.indirect_vreg.scatter [tilespmem:s30], [sflag:$0x1], $0x80, v13, vm3, $0xb8;
	[tilespmem:$0x10590] =	vst v63  }
0x20b: {  	s0 =	simm.s32 $0xA580  }
0x20c: {  	[hbm4b:s5+s3] =	stream.indirect_vreg.scatter [tilespmem:s0], [sflag:$0x1], $0x80, v10, vm3, $0xb8;
	[tilespmem:$0x10590] =	vst v63  }
0x20d: {  	s1 =	simm.s32 $0xAD80  }
0x20e: {  	[hbm4b:s10+s3] =	stream.indirect_vreg.scatter [tilespmem:s1], [sflag:$0x1], $0x80, v10, vm3, $0xb8;
	[tilespmem:$0x10590] =	vst v63  }
0x20f: {  	s6 =	simm.s32 $0xB580  }
0x210: {  	[hbm4b:s11+s3] =	stream.indirect_vreg.scatter [tilespmem:s6], [sflag:$0x1], $0x80, v10, vm3, $0xb8;
	[tilespmem:$0x10590] =	vst v63  }
0x211: {  	s7 =	simm.s32 $0xBD80  }
0x212: {  	[hbm4b:s12+s3] =	stream.indirect_vreg.scatter [tilespmem:s7], [sflag:$0x1], $0x80, v10, vm3, $0xb8;
	[tilespmem:$0x10590] =	vst v63  }
0x213: {  	v10 =	vld [tilespmem:$0x130];
	_ =	sdelay $0x4  }
0x214: {  	v61 =	vshll.u32 v10, $0x3  }
0x215: {  	v10 =	vand.u32 $0x7, v10;
	v13 =	vand.u32 $0xFFFFFFC0, v61  }
0x216: {  	v10 =	vor.u32 v10, v13  }
0x217: {  	v13 =	vperm.xlane v10, v11;
	_ =	sdelay $0x1  }
0x218: {  	v13 =	vadd.s32 v12, v13;
	_ =	sdelay $0x3  }
0x219: {  	s8 =	simm.s32 $0xC580  }
0x21a: {  	[hbm4b:s5+s3] =	stream.indirect_vreg.scatter [tilespmem:s8], [sflag:$0x1], $0x80, v13, vm3, $0xb8;
	[tilespmem:$0x10590] =	vst v63  }
0x21b: {  	s14 =	simm.s32 $0xCD80;
	v10 =	vperm.xlane v10, v14  }
0x21c: {  	[hbm4b:s10+s3] =	stream.indirect_vreg.scatter [tilespmem:s14], [sflag:$0x1], $0x80, v13, vm3, $0xb8;
	[tilespmem:$0x10590] =	vst v63  }
0x21d: {  	s17 =	simm.s32 $0xD580;
	v10 =	vadd.s32 v12, v10  }
0x21e: {  	[hbm4b:s11+s3] =	stream.indirect_vreg.scatter [tilespmem:s17], [sflag:$0x1], $0x80, v13, vm3, $0xb8;
	[tilespmem:$0x10590] =	vst v63  }
0x21f: {  	s18 =	simm.s32 $0xDD80  }
0x220: {  	[hbm4b:s12+s3] =	stream.indirect_vreg.scatter [tilespmem:s18], [sflag:$0x1], $0x80, v13, vm3, $0xb8;
	[tilespmem:$0x10590] =	vst v63  }
0x221: {  	s19 =	simm.s32 $0xE580  }
0x222: {  	[hbm4b:s5+s3] =	stream.indirect_vreg.scatter [tilespmem:s19], [sflag:$0x1], $0x80, v10, vm3, $0xb8;
	[tilespmem:$0x10590] =	vst v63  }
0x223: {  	s24 =	simm.s32 $0xED80  }
0x224: {  	[hbm4b:s10+s3] =	stream.indirect_vreg.scatter [tilespmem:s24], [sflag:$0x1], $0x80, v10, vm3, $0xb8;
	[tilespmem:$0x10590] =	vst v63  }
0x225: {  	s26 =	simm.s32 $0xF580  }
0x226: {  	[hbm4b:s11+s3] =	stream.indirect_vreg.scatter [tilespmem:s26], [sflag:$0x1], $0x80, v10, vm3, $0xb8;
	[tilespmem:$0x10590] =	vst v63  }
0x227: {  	s28 =	simm.s32 $0xFD80;
	s29 =	simm.s32 $0x1  }
0x228: {  	[hbm4b:s12+s3] =	stream.indirect_vreg.scatter [tilespmem:s28], [sflag:$0x1], $0x80, v10, vm3, $0xb8;
	[tilespmem:$0x10590] =	vst v63  }
0x229: {  	_ =	swait.ge [sflag:s29], $0x10000  }
0x22a: {  	[sflag:s29] =	ssyncset.done $0x0  }
0x22b: {  	s15 =	rddreg [dreg:$0xf];
	[sflag:s29] =	ssyncadd.s32 $0xFFFF0000  }
0x22c: {  	[tilespmem:s9], [sflag:$0x2] =	stream.linear.gather [hbm4b:s15+s3], $0x10000, $0x38;
	[tilespmem:$0x10590] =	vst v63  }
0x22d: {  	_ =	swait.ge [sflag:s20], $0x10000  }
0x22e: {  	[sflag:s20] =	ssyncset.done $0x0  }
0x22f: {  	[sflag:s20] =	ssyncadd.s32 $0xFFFF0000  }
0x230: {  	v10 =	vld [tilespmem:$0x180];
	_ =	sdelay $0x4  }
0x231: {  	v62 =	vshll.u32 v10, $0x3  }
0x232: {  	v10 =	vand.u32 $0x7, v10;
	v13 =	vand.u32 $0xFFFFFFC0, v62  }
0x233: {  	v10 =	vor.u32 v10, v13  }
0x234: {  	v13 =	vperm.xlane v10, v11;
	_ =	sdelay $0x1  }
0x235: {  	v13 =	vadd.s32 v12, v13;
	_ =	sdelay $0x4  }
0x236: {  	[hbm4b:s5+s3] =	stream.indirect_vreg.scatter [tilespmem:s9], [sflag:$0x1], $0x80, v13, vm3, $0xb8;
	[tilespmem:$0x10590] =	vst v63  }
0x237: {  	v10 =	vperm.xlane v10, v14  }
0x238: {  	[hbm4b:s10+s3] =	stream.indirect_vreg.scatter [tilespmem:s16], [sflag:$0x1], $0x80, v13, vm3, $0xb8;
	[tilespmem:$0x10590] =	vst v63  }
0x239: {  	v10 =	vadd.s32 v12, v10;
	s16 =	simm.s32 $0x1580  }
0x23a: {  	[hbm4b:s11+s3] =	stream.indirect_vreg.scatter [tilespmem:s16], [sflag:$0x1], $0x80, v13, vm3, $0xb8;
	[tilespmem:$0x10590] =	vst v63  }
0x23b: {  	s15 =	simm.s32 $0x1D80  }
0x23c: {  	[hbm4b:s12+s3] =	stream.indirect_vreg.scatter [tilespmem:s15], [sflag:$0x1], $0x80, v13, vm3, $0xb8;
	[tilespmem:$0x10590] =	vst v63  }
0x23d: {  	s16 =	simm.s32 $0x2580  }
0x23e: {  	[hbm4b:s5+s3] =	stream.indirect_vreg.scatter [tilespmem:s16], [sflag:$0x1], $0x80, v10, vm3, $0xb8;
	[tilespmem:$0x10590] =	vst v63  }
0x23f: {  	s15 =	simm.s32 $0x2D80  }
0x240: {  	[hbm4b:s10+s3] =	stream.indirect_vreg.scatter [tilespmem:s15], [sflag:$0x1], $0x80, v10, vm3, $0xb8;
	[tilespmem:$0x10590] =	vst v63  }
0x241: {  	s16 =	simm.s32 $0x3580  }
0x242: {  	[hbm4b:s11+s3] =	stream.indirect_vreg.scatter [tilespmem:s16], [sflag:$0x1], $0x80, v10, vm3, $0xb8;
	[tilespmem:$0x10590] =	vst v63  }
0x243: {  	s15 =	simm.s32 $0x3D80  }
0x244: {  	[hbm4b:s12+s3] =	stream.indirect_vreg.scatter [tilespmem:s15], [sflag:$0x1], $0x80, v10, vm3, $0xb8;
	[tilespmem:$0x10590] =	vst v63  }
0x245: {  	v10 =	vld [tilespmem:$0x190];
	_ =	sdelay $0x4  }
0x246: {  	v63 =	vshll.u32 v10, $0x3  }
0x247: {  	v10 =	vand.u32 $0x7, v10;
	v13 =	vand.u32 $0xFFFFFFC0, v63  }
0x248: {  	v10 =	vor.u32 v10, v13  }
0x249: {  	v11 =	vperm.xlane v10, v11;
	_ =	sdelay $0x1  }
0x24a: {  	v11 =	vadd.s32 v12, v11;
	_ =	sdelay $0x3  }
0x24b: {  	s16 =	simm.s32 $0x4580  }
0x24c: {  	[hbm4b:s5+s3] =	stream.indirect_vreg.scatter [tilespmem:s16], [sflag:$0x1], $0x80, v11, vm3, $0xb8;
	[tilespmem:$0x10590] =	vst v63  }
0x24d: {  	v10 =	vperm.xlane v10, v14  }
0x24e: {  	[hbm4b:s10+s3] =	stream.indirect_vreg.scatter [tilespmem:s31], [sflag:$0x1], $0x80, v11, vm3, $0xb8;
	[tilespmem:$0x10590] =	vst v63  }
0x24f: {  	s15 =	simm.s32 $0x5580;
	v10 =	vadd.s32 v12, v10  }
0x250: {  	[hbm4b:s11+s3] =	stream.indirect_vreg.scatter [tilespmem:s15], [sflag:$0x1], $0x80, v11, vm3, $0xb8;
	[tilespmem:$0x10590] =	vst v63  }
0x251: {  	s16 =	simm.s32 $0x5D80  }
0x252: {  	[hbm4b:s12+s3] =	stream.indirect_vreg.scatter [tilespmem:s16], [sflag:$0x1], $0x80, v11, vm3, $0xb8;
	[tilespmem:$0x10590] =	vst v63  }
0x253: {  	s31 =	simm.s32 $0x6580  }
0x254: {  	[hbm4b:s5+s3] =	stream.indirect_vreg.scatter [tilespmem:s31], [sflag:$0x1], $0x80, v10, vm3, $0xb8;
	[tilespmem:$0x10590] =	vst v63  }
0x255: {  	s15 =	simm.s32 $0x6D80  }
0x256: {  	[hbm4b:s10+s3] =	stream.indirect_vreg.scatter [tilespmem:s15], [sflag:$0x1], $0x80, v10, vm3, $0xb8;
	[tilespmem:$0x10590] =	vst v63  }
.Ltmp6:
0x257: {  	_ = 	snop;
	(pc) =	sbr.rel .LBB2_10-.Ltmp6, $4  }
0x258: {  	s16 =	simm.s32 $0x7580  }
0x259: {  	[hbm4b:s11+s3] =	stream.indirect_vreg.scatter [tilespmem:s16], [sflag:$0x1], $0x80, v10, vm3, $0xb8;
	[tilespmem:$0x10590] =	vst v63  }
0x25a: {  	s31 =	simm.s32 $0x7D80;
	s15 =	simm.s32 $0x1B0;
	s16 =	simm.s32 $0x1A0  }
0x25b: {  	[hbm4b:s12+s3] =	stream.indirect_vreg.scatter [tilespmem:s31], [sflag:$0x1], $0x80, v10, vm3, $0xb8;
	[tilespmem:$0x10590] =	vst v63  }
.LBB2_11:
0x25c: {  	_ =	sfence.sel $0x180000  }
0x25d: {  	[bflag:$0x0] =	sbarrier.arrive $0xFFFF  }
0x25e: {  	_ =	strace $0x90000047  }
0x25f: {  	s0 =	stileid.u32;
	[bflag:$0x2] =	sbarrier.arrive $0xFFFF  }
0x260: {  	p0 =	sne.s32 s0, $0x0;
	s0 =	rddreg [dreg:$0x5]  }
0x261: {  	s0 =	sadd.s32 @!p0 $0x100000, s0  }
0x262: {  	[sflag:s0] =	ssyncadd.tile.s32 @!p0 $0x1;
	_ =	shalt  }
.Lfunc_end2:
_tile_overlayer_lowered:
.L_overlay_start_2:
0x263: {  	(tag) =	ssettag $0x2  }
0x264: {  	s0 =	rddreg [dreg:$0x0];
	s2 =	stileid.u32  }
0x265: {  	s1 =	rddreg [dreg:$0x1];
	p0 =	sne.s32 s2, $0x0  }
0x266: {  	s3 =	rddreg [dreg:$0x2];
	[bflag:$0x3] =	sbarrier.arrive $0xFFFF;
	s2 =	simm.s32 @!p0 $0x1C02  }
0x267: {  	[timem:s3], [sflag:s2] =	dma.local @!p0 [hbm:s0], s1  }
0x268: {  	s0 =	simm.s32 @!p0 $0x2  }
0x269: {  	_ =	swait.ge @!p0 [sflag:s0], s1  }
0x26a: {  	s1 =	ssub.s32 @!p0 $0x0, s1;
	[sflag:s0] =	ssyncset.done @!p0 $0x0  }
0x26b: {  	[sflag:s0] =	ssyncadd.s32 @!p0 s1  }
0x26c: {  	[bflag:$0x3] =	sbarrier.arrive $0xFFFF  }
0x26d: {  	_ =	shalt  }

// kernel: kernel.8.cloned.1.call-start
scs
__scs_entry_jumppad:
0x0: {  	(pc) =	sbr.rel $0x88, $3  }
0x1: {  	(tag) =	ssettag $0x0;
	lr =	simm.s32 $0x1  }
0x2: {  	[smem:$0x3F9E] =	sst lr;
	_ =	strace $0xD0000000  }
0x3: {  	_ = 	snop  }
0x4: {  	_ = 	snop  }
0x5: {  	_ = 	snop  }
0x6: {  	_ = 	snop  }
0x7: {  	_ = 	snop  }
__scs_overlays_trampoline_lowered:
0x8: {  	[smem:$0x3FAD] =	sst s0  }
0x9: {  	[smem:$0x3FAE] =	sst s1  }
0xa: {  	[smem:$0x3FAF] =	sst s2  }
0xb: {  	[smem:$0x3FB0] =	sst s3  }
0xc: {  	[smem:$0x3FB1] =	sst s4  }
0xd: {  	[smem:$0x3FB2] =	sst s5  }
0xe: {  	[smem:$0x3FB3] =	sst s6  }
0xf: {  	[smem:$0x3FB4] =	sst s7  }
0x10: {  	[smem:$0x3FB5] =	sst s8  }
0x11: {  	[smem:$0x3FB6] =	sst s9;
	s0 =	simm.s32 @!p0 $0x0  }
0x12: {  	s1 =	sld [smem:$0x3F9C];
	s0 =	simm.s32 @p0 $0x1  }
0x13: {  	[smem:$0x3FB7] =	sst s0;
	s0 =	simm.s32 @!p1 $0x0  }
0x14: {  	s2 =	sld [smem:$0x3F9B];
	s0 =	simm.s32 @p1 $0x1  }
0x15: {  	[smem:$0x3FB8] =	sst s0;
	s0 =	simm.s32 @!p2 $0x0  }
0x16: {  	s3 =	sld [smem:$0x3FDB];
	s0 =	simm.s32 @p2 $0x1  }
0x17: {  	s4 =	simm.s32 $0x1BF5;
	[smem:$0x3FBA] =	sst s0  }
0x18: {  	s0 =	sld [smem:$0x3F9D];
	_ =	swait.ge [sflag:s4], $0x0  }
0x19: {  	s7 =	sld [smem:$0x3F9E]  }
0x1a: {  	s8 =	sadd.s32 $0xFFFFE003, lr  }
0x1b: {  	s9 =	sadd.s32 $0xFFFFFEF7, lr;
	s5 =	simm.s32 $0xFFFFFFFF;
	p2 =	slt.u32 s8, $0xFFFFF086  }
0x1c: {  	p1 =	slt.u32 s9, $0xF7A;
	s5 =	simm.s32 @!p2 $0x0  }
0x1d: {  	s5 =	simm.s32 @p1 $0x1;
	p0 =	seq.s32 s7, s2  }
0x1e: {  	s7 =	smul.u32 @!p0 $0xF7A, s2;
	p2 =	seq.s32 @!p0 s5, $0x0  }
0x1f: {  	s9 =	smul.u32 $0xF7A, s1;
	s8 =	simm.s32 @!p0 $0x1BF5;
	p2 =	por !p2, p0  }
0x20: {  	[sflag:s8] =	ssyncset.s32 @!p0 $0xFFFFF086;
	s6 =	sadd.s32 @!p0 s3, s7;
	s7 =	simm.s32 @!p0 $0x108  }
0x21: {  	s3 =	sadd.s32 s3, s9;
	s6 =	sadd.s32 @!p0 $0x88, s6;
	s7 =	simm.s32 @p2 $0x1082  }
0x22: {  	[simem:s7], [sflag:s8] =	dma.local @!p0 [hbm:s6], $0xF7A  }
0x23: {  	s9 =	sor.u32 $0xD0000000, s2;
	s6 =	simm.s32 $0x108;
	_ =	swait.ge @!p0 [sflag:s8], $0x0  }
0x24: {  	s3 =	sadd.s32 $0x88, s3;
	s6 =	simm.s32 @!p1 $0x1082;
	[sflag:s4] =	ssyncset.s32 $0xFFFFF086  }
0x25: {  	[simem:s6], [sflag:s4] =	dma.local [hbm:s3], $0xF7A  }
0x26: {  	[smem:$0x3F9E] =	sst s1;
	(tag) =	ssettag s2;
	_ =	strace s9  }
0x27: {  	s1 =	sld [smem:$0x3FAE]  }
0x28: {  	s2 =	sld [smem:$0x3FAF]  }
0x29: {  	s4 =	sld [smem:$0x3FB1]  }
0x2a: {  	p0 =	seq.s32 s5, $0x0;
	s5 =	sld [smem:$0x3FB2]  }
0x2b: {  	s6 =	sld [smem:$0x3FB3]  }
0x2c: {  	s7 =	sld [smem:$0x3FB4]  }
0x2d: {  	s3 =	simm.s32 $0x108;
	s8 =	sld [smem:$0x3FB5]  }
0x2e: {  	s3 =	simm.s32 @!p0 $0x1082;
	s9 =	sld [smem:$0x3FB6]  }
0x2f: {  	lr =	sadd.s32 s0, s3;
	s0 =	sld [smem:$0x3FAD]  }
0x30: {  	s3 =	sld [smem:$0x3FB0]  }
0x31: {  	[smem:$0x3FB9] =	sst s10  }
0x32: {  	s10 =	sld [smem:$0x3FB7];
	_ =	sdelay $0x3  }
0x33: {  	p0 =	seq.s32 s10, $0x1;
	s10 =	sld [smem:$0x3FB9];
	_ =	sdelay $0x3  }
0x34: {  	[smem:$0x3FB9] =	sst s10  }
0x35: {  	s10 =	sld [smem:$0x3FB8];
	_ =	sdelay $0x3  }
0x36: {  	p1 =	seq.s32 s10, $0x1;
	s10 =	sld [smem:$0x3FB9];
	_ =	sdelay $0x3  }
0x37: {  	[smem:$0x3FB9] =	sst s10  }
0x38: {  	s10 =	sld [smem:$0x3FBA]  }
0x39: {  	_ = 	snop;
	(pc) =	sbr.ind lr, $3  }
0x3a: {  	_ = 	snop  }
0x3b: {  	_ = 	snop  }
0x3c: {  	p2 =	seq.s32 s10, $0x1;
	s10 =	sld [smem:$0x3FB9]  }
0x3d: {  	_ =	shalt  }
0x3e: {  	_ =	shalt  }
0x3f: {  	_ =	shalt  }
0x40: {  	_ =	shalt  }
0x41: {  	_ =	shalt  }
0x42: {  	_ =	shalt  }
0x43: {  	_ =	shalt  }
0x44: {  	_ =	shalt  }
0x45: {  	_ =	shalt  }
0x46: {  	_ =	shalt  }
0x47: {  	_ =	shalt  }
0x48: {  	_ =	shalt  }
0x49: {  	_ =	shalt  }
0x4a: {  	_ =	shalt  }
0x4b: {  	_ =	shalt  }
0x4c: {  	_ =	shalt  }
0x4d: {  	_ =	shalt  }
0x4e: {  	_ =	shalt  }
0x4f: {  	_ =	shalt  }
0x50: {  	_ =	shalt  }
0x51: {  	_ =	shalt  }
0x52: {  	_ =	shalt  }
0x53: {  	_ =	shalt  }
0x54: {  	_ =	shalt  }
0x55: {  	_ =	shalt  }
0x56: {  	_ =	shalt  }
0x57: {  	_ =	shalt  }
0x58: {  	_ =	shalt  }
0x59: {  	_ =	shalt  }
0x5a: {  	_ =	shalt  }
0x5b: {  	_ =	shalt  }
0x5c: {  	_ =	shalt  }
0x5d: {  	_ =	shalt  }
0x5e: {  	_ =	shalt  }
0x5f: {  	_ =	shalt  }
0x60: {  	_ =	shalt  }
0x61: {  	_ =	shalt  }
0x62: {  	_ =	shalt  }
0x63: {  	_ =	shalt  }
0x64: {  	_ =	shalt  }
0x65: {  	_ =	shalt  }
0x66: {  	_ =	shalt  }
0x67: {  	_ =	shalt  }
0x68: {  	_ =	shalt  }
0x69: {  	_ =	shalt  }
0x6a: {  	_ =	shalt  }
0x6b: {  	_ =	shalt  }
0x6c: {  	_ =	shalt  }
0x6d: {  	_ =	shalt  }
0x6e: {  	_ =	shalt  }
0x6f: {  	_ =	shalt  }
0x70: {  	_ =	shalt  }
0x71: {  	_ =	shalt  }
0x72: {  	_ =	shalt  }
0x73: {  	_ =	shalt  }
0x74: {  	_ =	shalt  }
0x75: {  	_ =	shalt  }
0x76: {  	_ =	shalt  }
0x77: {  	_ =	shalt  }
0x78: {  	_ =	shalt  }
0x79: {  	_ =	shalt  }
0x7a: {  	_ =	shalt  }
0x7b: {  	_ =	shalt  }
0x7c: {  	_ =	shalt  }
0x7d: {  	_ =	shalt  }
0x7e: {  	_ =	shalt  }
0x7f: {  	_ =	shalt  }
0x80: {  	_ =	shalt  }
0x81: {  	_ =	shalt  }
0x82: {  	_ =	shalt  }
0x83: {  	_ =	shalt  }
0x84: {  	_ =	shalt  }
0x85: {  	_ =	shalt  }
0x86: {  	_ =	shalt  }
0x87: {  	_ =	shalt  }
.Lfunc_end0:
.L_simem_size_0:
called_computation.1_lowered:
.L_overlay_start_0:
0x88: {  	s2 =	sld [smem:$0x3FD9]  }
0x89: {  	s3 =	sld [smem:$0x3FFE];
	_ =	sdelay $0x1  }
0x8a: {  	s1 =	srdreg.scid  }
0x8b: {  	s0 =	sand.u32 $0x1, s1  }
0x8c: {  	s17 =	sshll.u32 s0, $0xA;
	s2 =	sadd.s32 s3, s2  }
0x8d: {  	s2 =	sadd.s32 s2, s17  }
0x8e: {  	[smem:$0x3FC5] =	sst s2  }
0x8f: {  	_ = 	snop  }
0x90: {  	s2 =	sld [smem:$0x3FD0];
	(tm) =	ssettm $0x1  }
0x91: {  	s18 =	sld [smem:$0x3FFB];
	_ =	sdelay $0x3  }
0x92: {  	_ =	strace s18  }
0x93: {  	s3 =	sld [smem:$0x3FFC];
	_ =	sdelay $0x3  }
0x94: {  	_ =	strace s3  }
0x95: {  	s3 =	sld [smem:$0x3FFD];
	_ =	sdelay $0x3  }
0x96: {  	_ =	strace s3  }
0x97: {  	_ =	strace $0x8FFFFFFF  }
0x98: {  	s19 =	sld [smem:$0x3FDB];
	_ =	sdelay $0x1  }
0x99: {  	s4 =	simm.s32 $_scs_section_size  }
0x9a: {  	s5 =	simm.s32 $_size__tile_overlayer_lowered;
	s6 =	simm.s32 $_tile_overlayer_lowered  }
0x9b: {  	s22 =	simm.s32 $0x1BFF;
	s21 =	sshll.u32 s6, $0x1;
	s3 =	sadd.s32 s4, s19  }
0x9c: {  	s7 =	simm.s32 $0x0;
	s20 =	sshll.u32 s5, $0x1;
	s5 =	sadd.s32 s21, s3  }
0x9d: {  	[timem:s7], [sflag:s22] =	dma.local [hbm:s5], s20  }
0x9e: {  	_ =	swait.ge [sflag:s22], s20  }
0x9f: {  	s4 =	ssub.s32 $0x0, s20;
	[sflag:s22] =	ssyncset.done $0x0  }
0xa0: {  	[sflag:s22] =	ssyncadd.s32 s4;
	_ =	sdelay $0x1  }
0xa1: {  	s23 =	simm.s32 $0x1B8B  }
0xa2: {  	_ =	swait.ge [sflag:s23], $0x1  }
0xa3: {  	[sflag:s23] =	ssyncset.done $0x0  }
0xa4: {  	s25 =	simm.s32 $0x1B8E;
	s24 =	sld [smem:$0x3FFE];
	[sflag:s23] =	ssyncadd.s32 $0xFFFFFFFF  }
0xa5: {  	s26 =	simm.s32 $execute0_lowered;
	[smem:$0x3FD2] =	sst s25  }
0xa6: {  	s5 =	sshll.u32 s26, $0x1;
	_ =	strace $0x80000049;
	[dreg:$0x1] =	wrdreg $0xFFFFFFFF  }
0xa7: {  	s28 =	simm.s32 $_size_execute0_lowered;
	s3 =	sadd.s32 s3, s5;
	[dreg:$0x0] =	wrdreg $0x0  }
0xa8: {  	s5 =	sshll.u32 s28, $0x1;
	[dreg:$0x2] =	wrdreg s3  }
0xa9: {  	[dreg:$0x3] =	wrdreg s5  }
0xaa: {  	[dreg:$0x4] =	wrdreg $0xC0  }
0xab: {  	_ =	task [dreg:s7], $0x5FFFF  }
0xac: {  	[dreg:$0x1] =	wrdreg $0xFFFFFFFF  }
0xad: {  	[dreg:$0x0] =	wrdreg $0x60  }
0xae: {  	[dreg:$0x2] =	wrdreg s24  }
0xaf: {  	[dreg:$0x3] =	wrdreg s2  }
0xb0: {  	[dreg:$0x4] =	wrdreg $0x9  }
0xb1: {  	_ =	task.clear_ibuf [dreg:s7], $0x5FFFF;
	_ =	strace $0x90000049  }
0xb2: {  	s29 =	simm.s32 $0x9;
	_ =	strace $0x8000004B  }
0xb3: {  	_ =	swait.ge [sflag:s29], $0x1  }
0xb4: {  	[sflag:s29] =	ssyncadd.s32 $0xFFFFFFFF  }
0xb5: {  	_ =	strace $0x9000004B  }
0xb6: {  	_ =	sfence  }
0xb7: {  	s30 =	sld [smem:$0x0];
	_ =	sdelay $0x2  }
0xb8: {  	s31 =	sshll.u32 s1, $0xD;
	s1 =	sshrl.u32 s1, $0x2  }
0xb9: {  	s3 =	sand.u32 $0x4000, s31;
	s1 =	sadd.s32 s1, s30  }
0xba: {  	s0 =	sor.u32 s3, s0;
	s1 =	sshll.u32 s1, $0x11  }
0xbb: {  	s0 =	sor.u32 s1, s0  }
0xbc: {  	s0 =	sadd.s32 $0x8F2B, s0  }
0xbd: {  	[sflag:s0] =	ssyncadd.remote.s32 $0x1  }
0xbe: {  	_ =	sfence.sel $0xFFFF  }
0xbf: {  	[dreg:$0x0] =	wrdreg $0xFFFFFFFF;
	(pc) =	sbr.abs _section_cstart, $3  }
0xc0: {  	[dreg:$0x1] =	wrdreg $0xFFFFFFFF  }
0xc1: {  	_ =	task.clear_ibuf [dreg:s7], $0x2FFFF;
	_ =	strace $0x9FFFFFFF  }
0xc2: {  	(tm) =	ssettm $0x7FFFFFFF  }
0xc3: {  	_ =	shalt  }
tec
execute0_lowered:
.L_overlay_start_1:
0x0: {  	(tag) =	ssettag $0x1  }
0x1: {  	s0 =	srdreg.scid  }
0x2: {  	s1 =	rddreg [dreg:$0x0];
	s2 =	stileid.u32;
	s3 =	simm.s32 $0x0  }
0x3: {  	s11 =	simm.s32 $0x2;
	s12 =	simm.s32 $0x80;
	s21 =	simm.s32 $0x1  }
0x4: {  	s13 =	simm.s32 $0x6880;
	s14 =	simm.s32 $0x7080;
	s15 =	simm.s32 $0x7880  }
0x5: {  	s16 =	simm.s32 $0x8080;
	s17 =	simm.s32 $0x8880;
	s18 =	simm.s32 $0x9080  }
0x6: {  	s19 =	simm.s32 $0x9880;
	s20 =	simm.s32 $0xA080;
	s24 =	simm.s32 $0xA880  }
0x7: {  	s25 =	simm.s32 $0xB080;
	s26 =	simm.s32 $0xB880;
	s23 =	simm.s32 $0xC080  }
0x8: {  	s28 =	simm.s32 $0xC880;
	s29 =	simm.s32 $0xD080;
	s30 =	simm.s32 $0xD880  }
0x9: {  	s31 =	simm.s32 $0xE080;
	s0 =	sand.u32 $0x1, s0;
	s2 =	sshll.u32 s2, $0x8  }
0xa: {  	[smem:$0x7FF] =	sst s3;
	s5 =	sadd.s32 $0xC1000, s1;
	s7 =	sadd.s32 $0xC1100, s1  }
0xb: {  	s8 =	sadd.s32 $0xC1200, s1;
	s4 =	sshll.u32 s0, $0x7;
	s0 =	ssub.s32 $0x2, s0  }
0xc: {  	s9 =	sadd.s32 $0xC1300, s1;
	s4 =	sor.u32 s4, s2;
	s6 =	sshrl.u32 s0, $0x1  }
0xd: {  	_ =	strace $0x8000004A;
	s2 =	sshrl.u32 s4, $0x3;
	s0 =	ssub.s32 s0, s6  }
0xe: {  	v2 =	vlaneseq.u32;
	s6 =	simm.s32 $0xF880;
	s2 =	sadd.s32 s2, s1;
	s0 =	smax.u32 s0, $0x1  }
0xf: {  	vm0 =	vmmov $0xffff;
	v1 =	vshrl.u32 v2, $0x3;
	s1 =	simm.s32 $0xE880;
	s2 =	sadd.s32 $0xC0E00, s2;
	[dreg:$0x4] =	wrdreg s0  }
0x10: {  	v0 =	vand.u32 $0x7, v2;
	v2 =	vor.u32 $0x8, v2;
	v1 =	vmul.u32 $0x8, v1;
	s0 =	simm.s32 $0x0;
	[dreg:$0x3] =	wrdreg s2;
	s2 =	simm.s32 $0x6080  }
.LBB2_1:
0x11: {  	[dreg:$0x5] =	wrdreg s0  }
0x12: {  	s22 =	rddreg [dreg:$0x3]  }
0x13: {  	[tilespmem:s3], [sflag:$0x2] =	stream.linear.gather [hbm4b:s22+s3], $0x80, $0x38;
	[tilespmem:$0x10080] =	vst v63  }
0x14: {  	_ =	swait.ge [sflag:s11], $0x80  }
0x15: {  	p0 =	por $0x1, $0x1;
	[sflag:s11] =	ssyncset.done $0x0  }
0x16: {  	s0 =	simm.s32 $0xF080;
	s22 =	simm.s32 $0x0;
	[sflag:s11] =	ssyncadd.s32 $0xFFFFFF80  }
.LBB2_2:
0x17: {  	v3 =	vld [tilespmem:s22+$0x0];
	_ =	sdelay $0x4  }
0x18: {  	v4 =	vshll.u32 v3, $0x3  }
0x19: {  	v3 =	vand.u32 $0x7, v3;
	v4 =	vand.u32 $0xFFFFFFC0, v4  }
0x1a: {  	v3 =	vor.u32 v3, v4  }
0x1b: {  	v4 =	vperm.xlane v3, v0;
	_ =	sdelay $0x1  }
0x1c: {  	v4 =	vadd.s32 v1, v4;
	_ =	sdelay $0x4  }
0x1d: {  	[tilespmem:s12], [sflag:$0x1] =	stream.indirect_vreg.gather [hbm4b:s5+s3], $0x80, v4, vm0, $0xb8;
	[tilespmem:$0x10080] =	vst v63  }
0x1e: {  	s10 =	simm.s32 $0x880;
	v3 =	vperm.xlane v3, v2  }
0x1f: {  	[tilespmem:s10], [sflag:$0x1] =	stream.indirect_vreg.gather [hbm4b:s7+s3], $0x80, v4, vm0, $0xb8;
	[tilespmem:$0x10080] =	vst v63  }
0x20: {  	v3 =	vadd.s32 v1, v3;
	s10 =	simm.s32 $0x1080  }
0x21: {  	[tilespmem:s10], [sflag:$0x1] =	stream.indirect_vreg.gather [hbm4b:s8+s3], $0x80, v4, vm0, $0xb8;
	[tilespmem:$0x10080] =	vst v63  }
0x22: {  	s10 =	simm.s32 $0x1880  }
0x23: {  	[tilespmem:s10], [sflag:$0x1] =	stream.indirect_vreg.gather [hbm4b:s9+s3], $0x80, v4, vm0, $0xb8;
	[tilespmem:$0x10080] =	vst v63  }
0x24: {  	s10 =	simm.s32 $0x2080  }
0x25: {  	[tilespmem:s10], [sflag:$0x1] =	stream.indirect_vreg.gather [hbm4b:s5+s3], $0x80, v3, vm0, $0xb8;
	[tilespmem:$0x10080] =	vst v63  }
0x26: {  	s10 =	simm.s32 $0x2880  }
0x27: {  	[tilespmem:s10], [sflag:$0x1] =	stream.indirect_vreg.gather [hbm4b:s7+s3], $0x80, v3, vm0, $0xb8;
	[tilespmem:$0x10080] =	vst v63  }
0x28: {  	s10 =	simm.s32 $0x3080  }
0x29: {  	[tilespmem:s10], [sflag:$0x1] =	stream.indirect_vreg.gather [hbm4b:s8+s3], $0x80, v3, vm0, $0xb8;
	[tilespmem:$0x10080] =	vst v63  }
0x2a: {  	s10 =	simm.s32 $0x3880  }
0x2b: {  	[tilespmem:s10], [sflag:$0x1] =	stream.indirect_vreg.gather [hbm4b:s9+s3], $0x80, v3, vm0, $0xb8;
	[tilespmem:$0x10080] =	vst v63  }
0x2c: {  	v3 =	vld [tilespmem:s22+$0x10];
	_ =	sdelay $0x4  }
0x2d: {  	v61 =	vshll.u32 v3, $0x3  }
0x2e: {  	v3 =	vand.u32 $0x7, v3;
	v4 =	vand.u32 $0xFFFFFFC0, v61  }
0x2f: {  	v3 =	vor.u32 v3, v4  }
0x30: {  	v4 =	vperm.xlane v3, v0;
	_ =	sdelay $0x1  }
0x31: {  	v4 =	vadd.s32 v1, v4;
	_ =	sdelay $0x3  }
0x32: {  	s10 =	simm.s32 $0x4080  }
0x33: {  	[tilespmem:s10], [sflag:$0x1] =	stream.indirect_vreg.gather [hbm4b:s5+s3], $0x80, v4, vm0, $0xb8;
	[tilespmem:$0x10080] =	vst v63  }
0x34: {  	v3 =	vperm.xlane v3, v2;
	s10 =	simm.s32 $0x4880  }
0x35: {  	[tilespmem:s10], [sflag:$0x1] =	stream.indirect_vreg.gather [hbm4b:s7+s3], $0x80, v4, vm0, $0xb8;
	[tilespmem:$0x10080] =	vst v63  }
0x36: {  	v3 =	vadd.s32 v1, v3;
	s10 =	simm.s32 $0x5080  }
0x37: {  	[tilespmem:s10], [sflag:$0x1] =	stream.indirect_vreg.gather [hbm4b:s8+s3], $0x80, v4, vm0, $0xb8;
	[tilespmem:$0x10080] =	vst v63  }
0x38: {  	s10 =	simm.s32 $0x5880  }
0x39: {  	[tilespmem:s10], [sflag:$0x1] =	stream.indirect_vreg.gather [hbm4b:s9+s3], $0x80, v4, vm0, $0xb8;
	[tilespmem:$0x10080] =	vst v63  }
0x3a: {  	_ = 	snop  }
0x3b: {  	[tilespmem:s2], [sflag:$0x1] =	stream.indirect_vreg.gather [hbm4b:s5+s3], $0x80, v3, vm0, $0xb8;
	[tilespmem:$0x10080] =	vst v63  }
0x3c: {  	_ = 	snop  }
0x3d: {  	[tilespmem:s13], [sflag:$0x1] =	stream.indirect_vreg.gather [hbm4b:s7+s3], $0x80, v3, vm0, $0xb8;
	[tilespmem:$0x10080] =	vst v63  }
0x3e: {  	_ = 	snop  }
0x3f: {  	[tilespmem:s14], [sflag:$0x1] =	stream.indirect_vreg.gather [hbm4b:s8+s3], $0x80, v3, vm0, $0xb8;
	[tilespmem:$0x10080] =	vst v63  }
0x40: {  	_ = 	snop  }
0x41: {  	[tilespmem:s15], [sflag:$0x1] =	stream.indirect_vreg.gather [hbm4b:s9+s3], $0x80, v3, vm0, $0xb8;
	[tilespmem:$0x10080] =	vst v63  }
0x42: {  	v3 =	vld [tilespmem:s22+$0x20];
	_ =	sdelay $0x4  }
0x43: {  	v62 =	vshll.u32 v3, $0x3  }
0x44: {  	v3 =	vand.u32 $0x7, v3;
	v4 =	vand.u32 $0xFFFFFFC0, v62  }
0x45: {  	v3 =	vor.u32 v3, v4  }
0x46: {  	v4 =	vperm.xlane v3, v0;
	_ =	sdelay $0x1  }
0x47: {  	v4 =	vadd.s32 v1, v4;
	_ =	sdelay $0x4  }
0x48: {  	[tilespmem:s16], [sflag:$0x1] =	stream.indirect_vreg.gather [hbm4b:s5+s3], $0x80, v4, vm0, $0xb8;
	[tilespmem:$0x10080] =	vst v63  }
0x49: {  	v3 =	vperm.xlane v3, v2  }
0x4a: {  	[tilespmem:s17], [sflag:$0x1] =	stream.indirect_vreg.gather [hbm4b:s7+s3], $0x80, v4, vm0, $0xb8;
	[tilespmem:$0x10080] =	vst v63  }
0x4b: {  	v3 =	vadd.s32 v1, v3  }
0x4c: {  	[tilespmem:s18], [sflag:$0x1] =	stream.indirect_vreg.gather [hbm4b:s8+s3], $0x80, v4, vm0, $0xb8;
	[tilespmem:$0x10080] =	vst v63  }
0x4d: {  	_ = 	snop  }
0x4e: {  	[tilespmem:s19], [sflag:$0x1] =	stream.indirect_vreg.gather [hbm4b:s9+s3], $0x80, v4, vm0, $0xb8;
	[tilespmem:$0x10080] =	vst v63  }
0x4f: {  	_ = 	snop  }
0x50: {  	[tilespmem:s20], [sflag:$0x1] =	stream.indirect_vreg.gather [hbm4b:s5+s3], $0x80, v3, vm0, $0xb8;
	[tilespmem:$0x10080] =	vst v63  }
0x51: {  	_ = 	snop  }
0x52: {  	[tilespmem:s24], [sflag:$0x1] =	stream.indirect_vreg.gather [hbm4b:s7+s3], $0x80, v3, vm0, $0xb8;
	[tilespmem:$0x10080] =	vst v63  }
0x53: {  	_ = 	snop  }
0x54: {  	[tilespmem:s25], [sflag:$0x1] =	stream.indirect_vreg.gather [hbm4b:s8+s3], $0x80, v3, vm0, $0xb8;
	[tilespmem:$0x10080] =	vst v63  }
0x55: {  	_ = 	snop  }
0x56: {  	[tilespmem:s26], [sflag:$0x1] =	stream.indirect_vreg.gather [hbm4b:s9+s3], $0x80, v3, vm0, $0xb8;
	[tilespmem:$0x10080] =	vst v63  }
0x57: {  	v3 =	vld [tilespmem:s22+$0x30];
	_ =	sdelay $0x4  }
0x58: {  	v63 =	vshll.u32 v3, $0x3  }
0x59: {  	v3 =	vand.u32 $0x7, v3;
	v4 =	vand.u32 $0xFFFFFFC0, v63  }
0x5a: {  	v3 =	vor.u32 v3, v4  }
0x5b: {  	v4 =	vperm.xlane v3, v0;
	_ =	sdelay $0x1  }
0x5c: {  	v4 =	vadd.s32 v1, v4;
	_ =	sdelay $0x4  }
0x5d: {  	[tilespmem:s23], [sflag:$0x1] =	stream.indirect_vreg.gather [hbm4b:s5+s3], $0x80, v4, vm0, $0xb8;
	[tilespmem:$0x10080] =	vst v63  }
0x5e: {  	v3 =	vperm.xlane v3, v2  }
0x5f: {  	[tilespmem:s28], [sflag:$0x1] =	stream.indirect_vreg.gather [hbm4b:s7+s3], $0x80, v4, vm0, $0xb8;
	[tilespmem:$0x10080] =	vst v63  }
0x60: {  	v3 =	vadd.s32 v1, v3  }
0x61: {  	[tilespmem:s29], [sflag:$0x1] =	stream.indirect_vreg.gather [hbm4b:s8+s3], $0x80, v4, vm0, $0xb8;
	[tilespmem:$0x10080] =	vst v63  }
0x62: {  	_ = 	snop  }
0x63: {  	[tilespmem:s30], [sflag:$0x1] =	stream.indirect_vreg.gather [hbm4b:s9+s3], $0x80, v4, vm0, $0xb8;
	[tilespmem:$0x10080] =	vst v63  }
0x64: {  	_ = 	snop  }
0x65: {  	[tilespmem:s31], [sflag:$0x1] =	stream.indirect_vreg.gather [hbm4b:s5+s3], $0x80, v3, vm0, $0xb8;
	[tilespmem:$0x10080] =	vst v63  }
0x66: {  	_ = 	snop  }
0x67: {  	[tilespmem:s1], [sflag:$0x1] =	stream.indirect_vreg.gather [hbm4b:s7+s3], $0x80, v3, vm0, $0xb8;
	[tilespmem:$0x10080] =	vst v63  }
0x68: {  	_ = 	snop  }
0x69: {  	[tilespmem:s0], [sflag:$0x1] =	stream.indirect_vreg.gather [hbm4b:s8+s3], $0x80, v3, vm0, $0xb8;
	[tilespmem:$0x10080] =	vst v63  }
0x6a: {  	_ = 	snop  }
0x6b: {  	[tilespmem:s6], [sflag:$0x1] =	stream.indirect_vreg.gather [hbm4b:s9+s3], $0x80, v3, vm0, $0xb8;
	[tilespmem:$0x10080] =	vst v63  }
0x6c: {  	_ =	swait.ge [sflag:s21], $0x10000  }
0x6d: {  	[sflag:s21] =	ssyncset.done $0x0  }
0x6e: {  	s10 =	sor.u32 s4, s22;
	[sflag:s21] =	ssyncadd.s32 $0xFFFF0000  }
0x6f: {  	p1 =	por p0, p0;
	s22 =	sshll.u32 s10, $0x7;
	s10 =	rddreg [dreg:$0x1]  }
.Ltmp0:
0x70: {  	s22 =	sadd.s32 s10, s22;
	(pc) =	sbr.rel @p1 .LBB2_2-.Ltmp0, $4  }
0x71: {  	[hbm4b:s22+s3] =	stream.linear.scatter [tilespmem:s12], [sflag:$0x2], $0x10000, $0x38;
	[tilespmem:$0x10080] =	vst v63  }
0x72: {  	_ =	swait.ge [sflag:s11], $0x10000  }
0x73: {  	[sflag:s11] =	ssyncset.done $0x0  }
0x74: {  	p0 =	por $0x0, $0x0;
	s22 =	simm.s32 $0x40;
	[sflag:s11] =	ssyncadd.s32 $0xFFFF0000  }
0x75: {  	s0 =	rddreg [dreg:$0x5]  }
0x76: {  	s22 =	rddreg [dreg:$0x4];
	s0 =	sadd.s32 $0x1, s0  }
0x77: {  	p0 =	sne.s32 s0, s22  }
.Ltmp1:
0x78: {  	_ = 	snop;
	(pc) =	sbr.rel @p0 .LBB2_1-.Ltmp1, $1  }
0x79: {  	_ =	sdelay $0x3  }
0x7a: {  	_ =	sfence.sel $0x180000  }
0x7b: {  	[bflag:$0x0] =	sbarrier.arrive $0xFFFF  }
0x7c: {  	_ =	strace $0x9000004A  }
0x7d: {  	s0 =	stileid.u32;
	[bflag:$0x2] =	sbarrier.arrive $0xFFFF  }
0x7e: {  	p0 =	sne.s32 s0, $0x0;
	s0 =	rddreg [dreg:$0x2]  }
0x7f: {  	s0 =	sadd.s32 @!p0 $0x100000, s0  }
0x80: {  	[sflag:s0] =	ssyncadd.tile.s32 @!p0 $0x1;
	_ =	shalt  }
.Lfunc_end2:
_tile_overlayer_lowered:
.L_overlay_start_2:
0x81: {  	(tag) =	ssettag $0x2  }
0x82: {  	s0 =	rddreg [dreg:$0x0];
	s2 =	stileid.u32  }
0x83: {  	s1 =	rddreg [dreg:$0x1];
	p0 =	sne.s32 s2, $0x0  }
0x84: {  	s3 =	rddreg [dreg:$0x2];
	[bflag:$0x3] =	sbarrier.arrive $0xFFFF;
	s2 =	simm.s32 @!p0 $0x1C02  }
0x85: {  	[timem:s3], [sflag:s2] =	dma.local @!p0 [hbm:s0], s1  }
0x86: {  	s0 =	simm.s32 @!p0 $0x2  }
0x87: {  	_ =	swait.ge @!p0 [sflag:s0], s1  }
0x88: {  	s1 =	ssub.s32 @!p0 $0x0, s1;
	[sflag:s0] =	ssyncset.done @!p0 $0x0  }
0x89: {  	[sflag:s0] =	ssyncadd.s32 @!p0 s1  }
0x8a: {  	[bflag:$0x3] =	sbarrier.arrive $0xFFFF  }
0x8b: {  	_ =	shalt  }

</sc_bundles>
